<compile_context>
chip_gen: v7x
topology: tpu7x:2x2x1
jax: 0.10.2.dev20260603
libtpu: 0.0.44.dev20260713+nightly
codegen_flags: <defaults>
</compile_context>

<pallas_src>
import functools

import jax
import jax.numpy as jnp
from jax import lax
from jax.experimental import pallas as pl
from jax.experimental.pallas import tpu as pltpu
from jax.experimental.pallas import tpu_sc as plsc

_N = 10000
_D = 128
_E = 320000
_EPS = 1e-5

_NC = 2
_NS = 16
_CHUNK = 128
_NBUF = 2
_CH = 80
_EPT = _CH * _CHUNK
_EPAD = _NC * _NS * _EPT
_HALF = _CH // 2
_HPAD = 10016
_NPAD = 10112
_ZRPT = _NPAD // _NS
_NT = _NC * _NS
_EMAIN = (_NT - 1) * _EPT


def _bn_relu(y):
    mean = jnp.mean(y, axis=0, keepdims=True)
    cen = y - mean
    var = jnp.mean(cen * cen, axis=0, keepdims=True)
    return jnp.maximum(cen * lax.rsqrt(var + _EPS), 0.0)


def _fc_in_body(x_ref, w_ref, o_ref):
    y = jnp.dot(x_ref[...], w_ref[...], preferred_element_type=jnp.float32)
    o_ref[pl.ds(0, _N), :] = _bn_relu(y)
    o_ref[pl.ds(_N, _HPAD - _N), :] = jnp.zeros((_HPAD - _N, _D), jnp.float32)


def _fc_mid_body(p_ref, w_ref, b_ref, o_ref):
    a = p_ref[0, pl.ds(0, _N), :] + p_ref[1, pl.ds(0, _N), :]
    y = jnp.dot(a, w_ref[...], preferred_element_type=jnp.float32)
    o_ref[pl.ds(0, _N), :] = _bn_relu(y + b_ref[...])
    o_ref[pl.ds(_N, _HPAD - _N), :] = jnp.zeros((_HPAD - _N, _D), jnp.float32)


def _fc_fin_body(p_ref, w_ref, b_ref, o_ref):
    a = p_ref[0, pl.ds(0, _N), :] + p_ref[1, pl.ds(0, _N), :]
    y = jnp.dot(a, w_ref[...], preferred_element_type=jnp.float32)
    o_ref[...] = _bn_relu(y + b_ref[...])


_dense_in = pl.pallas_call(
    _fc_in_body, out_shape=jax.ShapeDtypeStruct((_HPAD, _D), jnp.float32))
_dense_mid = pl.pallas_call(
    _fc_mid_body, out_shape=jax.ShapeDtypeStruct((_HPAD, _D), jnp.float32))
_dense_fin = pl.pallas_call(
    _fc_fin_body, out_shape=jax.ShapeDtypeStruct((_N, _D), jnp.float32))


@functools.partial(
    pl.kernel,
    mesh=plsc.VectorSubcoreMesh(core_axis_name="c", subcore_axis_name="s"),
    out_type=jax.ShapeDtypeStruct((_NC, _NPAD, _D), jnp.float32),
    scratch_types=[
        pltpu.VMEM((_HALF, _CHUNK), jnp.int32),
        pltpu.VMEM((_HALF, _CHUNK), jnp.int32),
        *[pltpu.VMEM((_CHUNK, _D), jnp.float32) for _ in range(_NBUF)],
        pltpu.VMEM_SHARED((_NPAD, _D), jnp.float32),
        *[pltpu.SemaphoreType.DMA for _ in range(_NBUF)],
    ],
)
def _sc_agg(h_hbm, em_hbm, srct_hbm, dstt_hbm, out_hbm,
            src_v, dst_v, r0, r1, agg_sh, s0, s1):
    rows = (r0, r1)
    sems = (s0, s1)
    c = lax.axis_index("c")
    s = lax.axis_index("s")
    t = c * _NS + s
    with jax.named_scope("zero_phase"):
        z16 = jnp.zeros((16,), jnp.float32)

        def zbody(r, carry):
            for k8 in range(_D // 16):
                rows[0][r, pl.ds(k8 * 16, 16)] = z16
            return carry

        lax.fori_loop(0, _CHUNK, zbody, 0)
        for k in range(4):
            pltpu.sync_copy(rows[0],
                            agg_sh.at[pl.ds(s * _ZRPT + k * _CHUNK, _CHUNK)])
        pltpu.sync_copy(rows[0].at[pl.ds(0, _ZRPT - 4 * _CHUNK)],
                        agg_sh.at[pl.ds(s * _ZRPT + 4 * _CHUNK,
                                        _ZRPT - 4 * _CHUNK)])
        plsc.subcore_barrier()
    for half in range(2):
        with jax.named_scope(f"edge_half{half}"):
            @pl.when(t < _NT - 1)
            def _():
                base = t * _CH + half * _HALF
                pltpu.sync_copy(em_hbm.at[0, pl.ds(base, _HALF)], src_v)
                pltpu.sync_copy(em_hbm.at[1, pl.ds(base, _HALF)], dst_v)

            @pl.when(t == _NT - 1)
            def _():
                pltpu.sync_copy(srct_hbm.at[half], src_v)
                pltpu.sync_copy(dstt_hbm.at[half], dst_v)
            for b in range(_NBUF):
                pltpu.async_copy(h_hbm.at[src_v.at[b]], rows[b], sems[b])

            def body(i, carry):
                for b in range(_NBUF):
                    j = i * _NBUF + b
                    pltpu.make_async_copy(h_hbm.at[src_v.at[j]], rows[b],
                                          sems[b]).wait()
                    pltpu.sync_copy(rows[b], agg_sh.at[dst_v.at[j]], add=True)
                    nxt = j + _NBUF

                    @pl.when(nxt < _HALF)
                    def _():
                        pltpu.async_copy(h_hbm.at[src_v.at[nxt]], rows[b],
                                         sems[b])

                return carry

            lax.fori_loop(0, _HALF // _NBUF, body, 0)
    with jax.named_scope("writeout"):
        plsc.subcore_barrier()
        last = {}
        for k in range(5):
            b = k & 1
            if k >= 2:
                pltpu.make_async_copy(*last[b]).wait()
            nrows = _CHUNK if k < 4 else _ZRPT - 4 * _CHUNK
            off = s * _ZRPT + k * _CHUNK
            stage = rows[b] if nrows == _CHUNK else rows[b].at[pl.ds(0, nrows)]
            pltpu.sync_copy(agg_sh.at[pl.ds(off, nrows)], stage)
            pltpu.async_copy(stage, out_hbm.at[c, pl.ds(off, nrows)], sems[b])
            last[b] = (stage, out_hbm.at[c, pl.ds(off, nrows)], sems[b])
        for b in (0, 1):
            pltpu.make_async_copy(*last[b]).wait()


def kernel(x, edge_index, W_init, W1, b1, W2, b2):
    pad = _EPAD - _E
    em = edge_index.reshape(2, _E // _CHUNK, _CHUNK)
    pad_iota = jnp.arange(pad, dtype=jnp.int32)
    src_tail = jnp.concatenate(
        [edge_index[0, _EMAIN:], _N + (pad_iota % (_HPAD - _N))]).reshape(
            2, _HALF, _CHUNK)
    dst_tail = jnp.concatenate(
        [edge_index[1, _EMAIN:], pad_iota % _N]).reshape(2, _HALF, _CHUNK)

    h = _dense_in(x, W_init)
    p = _sc_agg(h, em, src_tail, dst_tail)
    h = _dense_mid(p, W1, b1.reshape(1, _D))
    p = _sc_agg(h, em, src_tail, dst_tail)
    return _dense_fin(p, W2, b2.reshape(1, _D))

# --- scband reference (transcript-rebuilt; emitter-appended) ---
"""Pipeline reference for scband-vanilla-embedder-29257317220542 (READ-ONLY COPY).

The authoritative reference and input builder live on the scoring server;
editing this copy changes nothing except your own understanding.
"""

import jax, jax.numpy as jnp
import numpy as np

N = 10000
E = 320000
D_IN = 128
D_H = 128
NUM_LAYERS = 2
BN_EPS = 1e-5


def _xavier_uniform(key, fan_in, fan_out):
    limit = float(np.sqrt(6.0 / (fan_in + fan_out)))
    return jax.random.uniform(key, (fan_in, fan_out), jnp.float32, -limit, limit)


def setup_inputs(seed: int = 0) -> dict:
    key = jax.random.key(seed)
    k1, k2, k3, k4, k5 = jax.random.split(key, 5)
    x = jax.random.normal(k1, (N, D_IN), jnp.float32)
    edge_index = jax.random.randint(k2, (2, E), 0, N, jnp.int32)
    W_init = _xavier_uniform(k3, D_IN, D_H)
    W1 = _xavier_uniform(k4, D_H, D_H)
    b1 = jnp.zeros((D_H,), jnp.float32)
    W2 = _xavier_uniform(k5, D_H, D_H)
    b2 = jnp.zeros((D_H,), jnp.float32)
    return {"x": x, "edge_index": edge_index, "W_init": W_init,
            "W1": W1, "b1": b1, "W2": W2, "b2": b2}


def _batchnorm(h):
    # torch.nn.BatchNorm1d(affine=False) freshly constructed -> training mode,
    # normalizes with biased batch statistics.
    mean = jnp.mean(h, axis=0)
    var = jnp.var(h, axis=0)
    return (h - mean) / jnp.sqrt(var + BN_EPS)


def reference(x, edge_index, W_init, W1, b1, W2, b2):
    # VanillaEmbedder.embed_nodes with norm_name='batch', act=ReLU,
    # GraphConv(norm='none') layers; dropout is identity at inference.
    src = edge_index[0]
    dst = edge_index[1]
    h = jnp.matmul(x, W_init)
    h = _batchnorm(h)
    h = jax.nn.relu(h)
    for (W, b) in ((W1, b1), (W2, b2)):
        # DGL GraphConv norm='none': sum-aggregate src features at dst, then linear
        agg = jnp.zeros((N, h.shape[1]), h.dtype).at[dst].add(h[src])
        h = jnp.matmul(agg, W) + b
        h = _batchnorm(h)
        h = jax.nn.relu(h)
    return h

if __name__ == "__main__":
    import jax
    _d = setup_inputs()
    print(jax.jit(kernel)(*tuple(_d.values())))

</pallas_src>

<mosaic_0001>
#map = affine_map<(d0, d1) -> (0, 0)>
#map1 = affine_map<(d0, d1) -> (0, 0, 0)>
module attributes {stable_mosaic.version = 14 : i64} {
  func.func @_sc_agg(%arg0: i32, %arg1: i32, %arg2: memref<10016x128xf32, #tpu.memory_space<hbm>>, %arg3: memref<2x2500x128xi32, #tpu.memory_space<hbm>>, %arg4: memref<2x40x128xi32, #tpu.memory_space<hbm>>, %arg5: memref<2x40x128xi32, #tpu.memory_space<hbm>>, %arg6: memref<2x10112x128xf32, #tpu.memory_space<hbm>>, %arg7: memref<40x128xi32, #tpu.memory_space<vmem>>, %arg8: memref<40x128xi32, #tpu.memory_space<vmem>>, %arg9: memref<128x128xf32, #tpu.memory_space<vmem>>, %arg10: memref<128x128xf32, #tpu.memory_space<vmem>>, %arg11: memref<10112x128xf32, #tpu.memory_space<vmem_shared>>, %arg12: memref<!tpu.dma_semaphore, #tpu.memory_space<semaphore_mem>>, %arg13: memref<!tpu.dma_semaphore, #tpu.memory_space<semaphore_mem>>) attributes {dimension_semantics = [#tpu.dimension_semantics<core_parallel>, #tpu.dimension_semantics<subcore_parallel>], iteration_bounds = array<i64: 2, 16>, scalar_prefetch = 0 : i64, scratch_operands = 7 : i64, tpu.core_type = #tpu.core_type<sc_vector_subcore>, window_params = [{transform_indices = #map}, {transform_indices = #map1}, {transform_indices = #map1}, {transform_indices = #map1}, {transform_indices = #map1}]} {
    %mul3A = arith.constant 16 : i32
    %mul3A_0 = arith.muli %arg0, %mul3A : i32
    %add3A = arith.addi %mul3A_0, %arg1 : i32
    %broadcast_in_dim3A = arith.constant 0.000000e+00 : f32
    "tpu.trace_start"() <{level = 10 : i32, message = "zero_phase"}> : () -> ()
    %broadcast_in_dim3A_1 = vector.broadcast %broadcast_in_dim3A : f32 to vector<16xf32>
    %scan3A = arith.constant 0 : i32
    %scan3A_2 = arith.constant 0 : i32
    %scan3A_3 = arith.constant 128 : i32
    %scan3A_4 = arith.addi %scan3A_2, %scan3A_3 : i32
    %scan3A_5 = arith.constant 1 : i32
    scf.for %scan3A_174 = %scan3A_2 to %scan3A_4 step %scan3A_5  : i32 {
      %swap3A = arith.index_cast %scan3A_174 : i32 to index
      %swap3A_175 = arith.constant 0 : index
      %swap3A_176 = tpu.vector_load %arg9[%swap3A, %swap3A_175] {strides = array<i32>} : memref<128x128xf32, #tpu.memory_space<vmem>>, vector<1x16xf32>,
      %swap3A_177 = vector.shape_cast %swap3A_176 : vector<1x16xf32> to vector<16xf32>
      %swap3A_178 = vector.shape_cast %broadcast_in_dim3A_1 : vector<16xf32> to vector<1x16xf32>
      tpu.vector_store %arg9[%swap3A, %swap3A_175], %swap3A_178 {strides = array<i32>} : memref<128x128xf32, #tpu.memory_space<vmem>>, vector<1x16xf32>,
      %swap3A_179 = arith.index_cast %scan3A_174 : i32 to index
      %swap3A_180 = arith.constant 16 : index
      %swap3A_181 = tpu.vector_load %arg9[%swap3A_179, %swap3A_180] {strides = array<i32>} : memref<128x128xf32, #tpu.memory_space<vmem>>, vector<1x16xf32>,
      %swap3A_182 = vector.shape_cast %swap3A_181 : vector<1x16xf32> to vector<16xf32>
      %swap3A_183 = vector.shape_cast %broadcast_in_dim3A_1 : vector<16xf32> to vector<1x16xf32>
      tpu.vector_store %arg9[%swap3A_179, %swap3A_180], %swap3A_183 {strides = array<i32>} : memref<128x128xf32, #tpu.memory_space<vmem>>, vector<1x16xf32>,
      %swap3A_184 = arith.index_cast %scan3A_174 : i32 to index
      %swap3A_185 = arith.constant 32 : index
      %swap3A_186 = tpu.vector_load %arg9[%swap3A_184, %swap3A_185] {strides = array<i32>} : memref<128x128xf32, #tpu.memory_space<vmem>>, vector<1x16xf32>,
      %swap3A_187 = vector.shape_cast %swap3A_186 : vector<1x16xf32> to vector<16xf32>
      %swap3A_188 = vector.shape_cast %broadcast_in_dim3A_1 : vector<16xf32> to vector<1x16xf32>
      tpu.vector_store %arg9[%swap3A_184, %swap3A_185], %swap3A_188 {strides = array<i32>} : memref<128x128xf32, #tpu.memory_space<vmem>>, vector<1x16xf32>,
      %swap3A_189 = arith.index_cast %scan3A_174 : i32 to index
      %swap3A_190 = arith.constant 48 : index
      %swap3A_191 = tpu.vector_load %arg9[%swap3A_189, %swap3A_190] {strides = array<i32>} : memref<128x128xf32, #tpu.memory_space<vmem>>, vector<1x16xf32>,
      %swap3A_192 = vector.shape_cast %swap3A_191 : vector<1x16xf32> to vector<16xf32>
      %swap3A_193 = vector.shape_cast %broadcast_in_dim3A_1 : vector<16xf32> to vector<1x16xf32>
      tpu.vector_store %arg9[%swap3A_189, %swap3A_190], %swap3A_193 {strides = array<i32>} : memref<128x128xf32, #tpu.memory_space<vmem>>, vector<1x16xf32>,
      %swap3A_194 = arith.index_cast %scan3A_174 : i32 to index
      %swap3A_195 = arith.constant 64 : index
      %swap3A_196 = tpu.vector_load %arg9[%swap3A_194, %swap3A_195] {strides = array<i32>} : memref<128x128xf32, #tpu.memory_space<vmem>>, vector<1x16xf32>,
      %swap3A_197 = vector.shape_cast %swap3A_196 : vector<1x16xf32> to vector<16xf32>
      %swap3A_198 = vector.shape_cast %broadcast_in_dim3A_1 : vector<16xf32> to vector<1x16xf32>
      tpu.vector_store %arg9[%swap3A_194, %swap3A_195], %swap3A_198 {strides = array<i32>} : memref<128x128xf32, #tpu.memory_space<vmem>>, vector<1x16xf32>,
      %swap3A_199 = arith.index_cast %scan3A_174 : i32 to index
      %swap3A_200 = arith.constant 80 : index
      %swap3A_201 = tpu.vector_load %arg9[%swap3A_199, %swap3A_200] {strides = array<i32>} : memref<128x128xf32, #tpu.memory_space<vmem>>, vector<1x16xf32>,
      %swap3A_202 = vector.shape_cast %swap3A_201 : vector<1x16xf32> to vector<16xf32>
      %swap3A_203 = vector.shape_cast %broadcast_in_dim3A_1 : vector<16xf32> to vector<1x16xf32>
      tpu.vector_store %arg9[%swap3A_199, %swap3A_200], %swap3A_203 {strides = array<i32>} : memref<128x128xf32, #tpu.memory_space<vmem>>, vector<1x16xf32>,
      %swap3A_204 = arith.index_cast %scan3A_174 : i32 to index
      %swap3A_205 = arith.constant 96 : index
      %swap3A_206 = tpu.vector_load %arg9[%swap3A_204, %swap3A_205] {strides = array<i32>} : memref<128x128xf32, #tpu.memory_space<vmem>>, vector<1x16xf32>,
      %swap3A_207 = vector.shape_cast %swap3A_206 : vector<1x16xf32> to vector<16xf32>
      %swap3A_208 = vector.shape_cast %broadcast_in_dim3A_1 : vector<16xf32> to vector<1x16xf32>
      tpu.vector_store %arg9[%swap3A_204, %swap3A_205], %swap3A_208 {strides = array<i32>} : memref<128x128xf32, #tpu.memory_space<vmem>>, vector<1x16xf32>,
      %swap3A_209 = arith.index_cast %scan3A_174 : i32 to index
      %swap3A_210 = arith.constant 112 : index
      %swap3A_211 = tpu.vector_load %arg9[%swap3A_209, %swap3A_210] {strides = array<i32>} : memref<128x128xf32, #tpu.memory_space<vmem>>, vector<1x16xf32>,
      %swap3A_212 = vector.shape_cast %swap3A_211 : vector<1x16xf32> to vector<16xf32>
      %swap3A_213 = vector.shape_cast %broadcast_in_dim3A_1 : vector<16xf32> to vector<1x16xf32>
      tpu.vector_store %arg9[%swap3A_209, %swap3A_210], %swap3A_213 {strides = array<i32>} : memref<128x128xf32, #tpu.memory_space<vmem>>, vector<1x16xf32>,
    }
    %scan3A_6 = arith.constant 128 : i32
    %mul3A_7 = arith.constant 632 : i32
    %mul3A_8 = arith.muli %arg1, %mul3A_7 : i32
    %add3A_9 = arith.constant 0 : i32
    %add3A_10 = arith.addi %mul3A_8, %add3A_9 : i32
    "tpu.region"() ({
      %run_scoped3A = tpu.sem_alloc : memref<!tpu.dma_semaphore, #tpu.memory_space<semaphore_mem>>
      %dma_start3A_174 = arith.constant 0 : i32
      %dma_start3A_175 = tpu.memref_slice %arg11[%add3A_10, %dma_start3A_174] : memref<10112x128xf32, #tpu.memory_space<vmem_shared>> -> memref<128x128xf32, #tpu.memory_space<vmem_shared>>
      %dma_start3A_176 = arith.constant 0 : i32
      %dma_start3A_177 = tpu.memref_slice %arg11[%add3A_10, %dma_start3A_176] : memref<10112x128xf32, #tpu.memory_space<vmem_shared>> -> memref<128x128xf32, #tpu.memory_space<vmem_shared>>
      tpu.enqueue_dma source(%arg9 : memref<128x128xf32, #tpu.memory_space<vmem>>) target(%dma_start3A_177 : memref<128x128xf32, #tpu.memory_space<vmem_shared>>) target_semaphore(%run_scoped3A : memref<!tpu.dma_semaphore, #tpu.memory_space<semaphore_mem>>)
      %dma_wait3A_178 = arith.constant 0 : i32
      %dma_wait3A_179 = tpu.memref_slice %arg11[%add3A_10, %dma_wait3A_178] : memref<10112x128xf32, #tpu.memory_space<vmem_shared>> -> memref<128x128xf32, #tpu.memory_space<vmem_shared>>
      %dma_wait3A_180 = arith.constant 0 : i32
      %dma_wait3A_181 = tpu.memref_slice %arg11[%add3A_10, %dma_wait3A_180] : memref<10112x128xf32, #tpu.memory_space<vmem_shared>> -> memref<128x128xf32, #tpu.memory_space<vmem_shared>>
      tpu.wait_dma2 semaphore(%run_scoped3A : memref<!tpu.dma_semaphore, #tpu.memory_space<semaphore_mem>>) src(%arg9 : memref<128x128xf32, #tpu.memory_space<vmem>>) dst(%dma_wait3A_181 : memref<128x128xf32, #tpu.memory_space<vmem_shared>>)
      tpu.yield
    }) : () -> ()
    %mul3A_11 = arith.constant 632 : i32
    %mul3A_12 = arith.muli %arg1, %mul3A_11 : i32
    %add3A_13 = arith.constant 128 : i32
    %add3A_14 = arith.addi %mul3A_12, %add3A_13 : i32
    "tpu.region"() ({
      %run_scoped3A = tpu.sem_alloc : memref<!tpu.dma_semaphore, #tpu.memory_space<semaphore_mem>>
      %dma_start3A_174 = arith.constant 0 : i32
      %dma_start3A_175 = tpu.memref_slice %arg11[%add3A_14, %dma_start3A_174] : memref<10112x128xf32, #tpu.memory_space<vmem_shared>> -> memref<128x128xf32, #tpu.memory_space<vmem_shared>>
      %dma_start3A_176 = arith.constant 0 : i32
      %dma_start3A_177 = tpu.memref_slice %arg11[%add3A_14, %dma_start3A_176] : memref<10112x128xf32, #tpu.memory_space<vmem_shared>> -> memref<128x128xf32, #tpu.memory_space<vmem_shared>>
      tpu.enqueue_dma source(%arg9 : memref<128x128xf32, #tpu.memory_space<vmem>>) target(%dma_start3A_177 : memref<128x128xf32, #tpu.memory_space<vmem_shared>>) target_semaphore(%run_scoped3A : memref<!tpu.dma_semaphore, #tpu.memory_space<semaphore_mem>>)
      %dma_wait3A_178 = arith.constant 0 : i32
      %dma_wait3A_179 = tpu.memref_slice %arg11[%add3A_14, %dma_wait3A_178] : memref<10112x128xf32, #tpu.memory_space<vmem_shared>> -> memref<128x128xf32, #tpu.memory_space<vmem_shared>>
      %dma_wait3A_180 = arith.constant 0 : i32
      %dma_wait3A_181 = tpu.memref_slice %arg11[%add3A_14, %dma_wait3A_180] : memref<10112x128xf32, #tpu.memory_space<vmem_shared>> -> memref<128x128xf32, #tpu.memory_space<vmem_shared>>
      tpu.wait_dma2 semaphore(%run_scoped3A : memref<!tpu.dma_semaphore, #tpu.memory_space<semaphore_mem>>) src(%arg9 : memref<128x128xf32, #tpu.memory_space<vmem>>) dst(%dma_wait3A_181 : memref<128x128xf32, #tpu.memory_space<vmem_shared>>)
      tpu.yield
    }) : () -> ()
    %mul3A_15 = arith.constant 632 : i32
    %mul3A_16 = arith.muli %arg1, %mul3A_15 : i32
    %add3A_17 = arith.constant 256 : i32
    %add3A_18 = arith.addi %mul3A_16, %add3A_17 : i32
    "tpu.region"() ({
      %run_scoped3A = tpu.sem_alloc : memref<!tpu.dma_semaphore, #tpu.memory_space<semaphore_mem>>
      %dma_start3A_174 = arith.constant 0 : i32
      %dma_start3A_175 = tpu.memref_slice %arg11[%add3A_18, %dma_start3A_174] : memref<10112x128xf32, #tpu.memory_space<vmem_shared>> -> memref<128x128xf32, #tpu.memory_space<vmem_shared>>
      %dma_start3A_176 = arith.constant 0 : i32
      %dma_start3A_177 = tpu.memref_slice %arg11[%add3A_18, %dma_start3A_176] : memref<10112x128xf32, #tpu.memory_space<vmem_shared>> -> memref<128x128xf32, #tpu.memory_space<vmem_shared>>
      tpu.enqueue_dma source(%arg9 : memref<128x128xf32, #tpu.memory_space<vmem>>) target(%dma_start3A_177 : memref<128x128xf32, #tpu.memory_space<vmem_shared>>) target_semaphore(%run_scoped3A : memref<!tpu.dma_semaphore, #tpu.memory_space<semaphore_mem>>)
      %dma_wait3A_178 = arith.constant 0 : i32
      %dma_wait3A_179 = tpu.memref_slice %arg11[%add3A_18, %dma_wait3A_178] : memref<10112x128xf32, #tpu.memory_space<vmem_shared>> -> memref<128x128xf32, #tpu.memory_space<vmem_shared>>
      %dma_wait3A_180 = arith.constant 0 : i32
      %dma_wait3A_181 = tpu.memref_slice %arg11[%add3A_18, %dma_wait3A_180] : memref<10112x128xf32, #tpu.memory_space<vmem_shared>> -> memref<128x128xf32, #tpu.memory_space<vmem_shared>>
      tpu.wait_dma2 semaphore(%run_scoped3A : memref<!tpu.dma_semaphore, #tpu.memory_space<semaphore_mem>>) src(%arg9 : memref<128x128xf32, #tpu.memory_space<vmem>>) dst(%dma_wait3A_181 : memref<128x128xf32, #tpu.memory_space<vmem_shared>>)
      tpu.yield
    }) : () -> ()
    %mul3A_19 = arith.constant 632 : i32
    %mul3A_20 = arith.muli %arg1, %mul3A_19 : i32
    %add3A_21 = arith.constant 384 : i32
    %add3A_22 = arith.addi %mul3A_20, %add3A_21 : i32
    "tpu.region"() ({
      %run_scoped3A = tpu.sem_alloc : memref<!tpu.dma_semaphore, #tpu.memory_space<semaphore_mem>>
      %dma_start3A_174 = arith.constant 0 : i32
      %dma_start3A_175 = tpu.memref_slice %arg11[%add3A_22, %dma_start3A_174] : memref<10112x128xf32, #tpu.memory_space<vmem_shared>> -> memref<128x128xf32, #tpu.memory_space<vmem_shared>>
      %dma_start3A_176 = arith.constant 0 : i32
      %dma_start3A_177 = tpu.memref_slice %arg11[%add3A_22, %dma_start3A_176] : memref<10112x128xf32, #tpu.memory_space<vmem_shared>> -> memref<128x128xf32, #tpu.memory_space<vmem_shared>>
      tpu.enqueue_dma source(%arg9 : memref<128x128xf32, #tpu.memory_space<vmem>>) target(%dma_start3A_177 : memref<128x128xf32, #tpu.memory_space<vmem_shared>>) target_semaphore(%run_scoped3A : memref<!tpu.dma_semaphore, #tpu.memory_space<semaphore_mem>>)
      %dma_wait3A_178 = arith.constant 0 : i32
      %dma_wait3A_179 = tpu.memref_slice %arg11[%add3A_22, %dma_wait3A_178] : memref<10112x128xf32, #tpu.memory_space<vmem_shared>> -> memref<128x128xf32, #tpu.memory_space<vmem_shared>>
      %dma_wait3A_180 = arith.constant 0 : i32
      %dma_wait3A_181 = tpu.memref_slice %arg11[%add3A_22, %dma_wait3A_180] : memref<10112x128xf32, #tpu.memory_space<vmem_shared>> -> memref<128x128xf32, #tpu.memory_space<vmem_shared>>
      tpu.wait_dma2 semaphore(%run_scoped3A : memref<!tpu.dma_semaphore, #tpu.memory_space<semaphore_mem>>) src(%arg9 : memref<128x128xf32, #tpu.memory_space<vmem>>) dst(%dma_wait3A_181 : memref<128x128xf32, #tpu.memory_space<vmem_shared>>)
      tpu.yield
    }) : () -> ()
    %mul3A_23 = arith.constant 632 : i32
    %mul3A_24 = arith.muli %arg1, %mul3A_23 : i32
    %add3A_25 = arith.constant 512 : i32
    %add3A_26 = arith.addi %mul3A_24, %add3A_25 : i32
    "tpu.region"() ({
      %run_scoped3A = tpu.sem_alloc : memref<!tpu.dma_semaphore, #tpu.memory_space<semaphore_mem>>
      %dma_start3A_174 = arith.constant 0 : i32
      %dma_start3A_175 = arith.constant 0 : i32
      %dma_start3A_176 = tpu.memref_slice %arg9[%dma_start3A_174, %dma_start3A_175] : memref<128x128xf32, #tpu.memory_space<vmem>> -> memref<120x128xf32, #tpu.memory_space<vmem>>
      %dma_start3A_177 = arith.constant 0 : i32
      %dma_start3A_178 = tpu.memref_slice %arg11[%add3A_26, %dma_start3A_177] : memref<10112x128xf32, #tpu.memory_space<vmem_shared>> -> memref<120x128xf32, #tpu.memory_space<vmem_shared>>
      %dma_start3A_179 = arith.constant 0 : i32
      %dma_start3A_180 = tpu.memref_slice %arg11[%add3A_26, %dma_start3A_179] : memref<10112x128xf32, #tpu.memory_space<vmem_shared>> -> memref<120x128xf32, #tpu.memory_space<vmem_shared>>
      %dma_start3A_181 = arith.constant 0 : i32
      %dma_start3A_182 = arith.constant 0 : i32
      %dma_start3A_183 = tpu.memref_slice %arg9[%dma_start3A_181, %dma_start3A_182] : memref<128x128xf32, #tpu.memory_space<vmem>> -> memref<120x128xf32, #tpu.memory_space<vmem>>
      tpu.enqueue_dma source(%dma_start3A_183 : memref<120x128xf32, #tpu.memory_space<vmem>>) target(%dma_start3A_180 : memref<120x128xf32, #tpu.memory_space<vmem_shared>>) target_semaphore(%run_scoped3A : memref<!tpu.dma_semaphore, #tpu.memory_space<semaphore_mem>>)
      %dma_wait3A_184 = arith.constant 0 : i32
      %dma_wait3A_185 = arith.constant 0 : i32
      %dma_wait3A_186 = tpu.memref_slice %arg9[%dma_wait3A_184, %dma_wait3A_185] : memref<128x128xf32, #tpu.memory_space<vmem>> -> memref<120x128xf32, #tpu.memory_space<vmem>>
      %dma_wait3A_187 = arith.constant 0 : i32
      %dma_wait3A_188 = tpu.memref_slice %arg11[%add3A_26, %dma_wait3A_187] : memref<10112x128xf32, #tpu.memory_space<vmem_shared>> -> memref<120x128xf32, #tpu.memory_space<vmem_shared>>
      %dma_wait3A_189 = arith.constant 0 : i32
      %dma_wait3A_190 = tpu.memref_slice %arg11[%add3A_26, %dma_wait3A_189] : memref<10112x128xf32, #tpu.memory_space<vmem_shared>> -> memref<120x128xf32, #tpu.memory_space<vmem_shared>>
      %dma_wait3A_191 = arith.constant 0 : i32
      %dma_wait3A_192 = arith.constant 0 : i32
      %dma_wait3A_193 = tpu.memref_slice %arg9[%dma_wait3A_191, %dma_wait3A_192] : memref<128x128xf32, #tpu.memory_space<vmem>> -> memref<120x128xf32, #tpu.memory_space<vmem>>
      tpu.wait_dma2 semaphore(%run_scoped3A : memref<!tpu.dma_semaphore, #tpu.memory_space<semaphore_mem>>) src(%dma_wait3A_193 : memref<120x128xf32, #tpu.memory_space<vmem>>) dst(%dma_wait3A_190 : memref<120x128xf32, #tpu.memory_space<vmem_shared>>)
      tpu.yield
    }) : () -> ()
    %barrier3A = arith.constant 0 : index
    tpu.barrier barrier_id(%barrier3A)
    %lt3A = arith.constant 31 : i32
    "tpu.trace_stop"() : () -> ()
    "tpu.trace_start"() <{level = 10 : i32, message = "edge_half0"}> : () -> ()
    %lt3A_27 = arith.cmpi slt, %add3A, %lt3A : i32
    %convert_element_type3A = arith.extui %lt3A_27 : i1 to i32
    %cond3A = arith.constant 0 : i32
    %cond3A_28 = arith.cmpi ne, %convert_element_type3A, %cond3A : i32
    scf.if %cond3A_28 {
      %mul3A_174 = arith.constant 80 : i32
      %mul3A_175 = arith.muli %add3A, %mul3A_174 : i32
      %add3A_176 = arith.constant 0 : i32
      %add3A_177 = arith.addi %mul3A_175, %add3A_176 : i32
      %run_scoped3A = arith.constant 0 : i32
      "tpu.region"() ({
        %run_scoped3A_179 = tpu.sem_alloc : memref<!tpu.dma_semaphore, #tpu.memory_space<semaphore_mem>>
        %dma_start3A_180 = arith.constant 0 : i32
        %dma_start3A_181 = tpu.memref_slice %arg3[%run_scoped3A, %add3A_177, %dma_start3A_180] : memref<2x2500x128xi32, #tpu.memory_space<hbm>> -> memref<1x40x128xi32, #tpu.memory_space<hbm>>
        %dma_start3A_182 = tpu.memref_squeeze %dma_start3A_181 : memref<1x40x128xi32, #tpu.memory_space<hbm>> -> memref<40x128xi32, #tpu.memory_space<hbm>>
        %dma_start3A_183 = arith.constant 0 : i32
        %dma_start3A_184 = tpu.memref_slice %arg3[%run_scoped3A, %add3A_177, %dma_start3A_183] : memref<2x2500x128xi32, #tpu.memory_space<hbm>> -> memref<1x40x128xi32, #tpu.memory_space<hbm>>
        %dma_start3A_185 = tpu.memref_squeeze %dma_start3A_184 : memref<1x40x128xi32, #tpu.memory_space<hbm>> -> memref<40x128xi32, #tpu.memory_space<hbm>>
        tpu.enqueue_dma source(%dma_start3A_185 : memref<40x128xi32, #tpu.memory_space<hbm>>) target(%arg7 : memref<40x128xi32, #tpu.memory_space<vmem>>) target_semaphore(%run_scoped3A_179 : memref<!tpu.dma_semaphore, #tpu.memory_space<semaphore_mem>>)
        %dma_wait3A_186 = arith.constant 0 : i32
        %dma_wait3A_187 = tpu.memref_slice %arg3[%run_scoped3A, %add3A_177, %dma_wait3A_186] : memref<2x2500x128xi32, #tpu.memory_space<hbm>> -> memref<1x40x128xi32, #tpu.memory_space<hbm>>
        %dma_wait3A_188 = tpu.memref_squeeze %dma_wait3A_187 : memref<1x40x128xi32, #tpu.memory_space<hbm>> -> memref<40x128xi32, #tpu.memory_space<hbm>>
        %dma_wait3A_189 = arith.constant 0 : i32
        %dma_wait3A_190 = tpu.memref_slice %arg3[%run_scoped3A, %add3A_177, %dma_wait3A_189] : memref<2x2500x128xi32, #tpu.memory_space<hbm>> -> memref<1x40x128xi32, #tpu.memory_space<hbm>>
        %dma_wait3A_191 = tpu.memref_squeeze %dma_wait3A_190 : memref<1x40x128xi32, #tpu.memory_space<hbm>> -> memref<40x128xi32, #tpu.memory_space<hbm>>
        tpu.wait_dma2 semaphore(%run_scoped3A_179 : memref<!tpu.dma_semaphore, #tpu.memory_space<semaphore_mem>>) src(%dma_wait3A_191 : memref<40x128xi32, #tpu.memory_space<hbm>>) dst(%arg7 : memref<40x128xi32, #tpu.memory_space<vmem>>)
        tpu.yield
      }) : () -> ()
      %run_scoped3A_178 = arith.constant 1 : i32
      "tpu.region"() ({
        %run_scoped3A_179 = tpu.sem_alloc : memref<!tpu.dma_semaphore, #tpu.memory_space<semaphore_mem>>
        %dma_start3A_180 = arith.constant 0 : i32
        %dma_start3A_181 = tpu.memref_slice %arg3[%run_scoped3A_178, %add3A_177, %dma_start3A_180] : memref<2x2500x128xi32, #tpu.memory_space<hbm>> -> memref<1x40x128xi32, #tpu.memory_space<hbm>>
        %dma_start3A_182 = tpu.memref_squeeze %dma_start3A_181 : memref<1x40x128xi32, #tpu.memory_space<hbm>> -> memref<40x128xi32, #tpu.memory_space<hbm>>
        %dma_start3A_183 = arith.constant 0 : i32
        %dma_start3A_184 = tpu.memref_slice %arg3[%run_scoped3A_178, %add3A_177, %dma_start3A_183] : memref<2x2500x128xi32, #tpu.memory_space<hbm>> -> memref<1x40x128xi32, #tpu.memory_space<hbm>>
        %dma_start3A_185 = tpu.memref_squeeze %dma_start3A_184 : memref<1x40x128xi32, #tpu.memory_space<hbm>> -> memref<40x128xi32, #tpu.memory_space<hbm>>
        tpu.enqueue_dma source(%dma_start3A_185 : memref<40x128xi32, #tpu.memory_space<hbm>>) target(%arg8 : memref<40x128xi32, #tpu.memory_space<vmem>>) target_semaphore(%run_scoped3A_179 : memref<!tpu.dma_semaphore, #tpu.memory_space<semaphore_mem>>)
        %dma_wait3A_186 = arith.constant 0 : i32
        %dma_wait3A_187 = tpu.memref_slice %arg3[%run_scoped3A_178, %add3A_177, %dma_wait3A_186] : memref<2x2500x128xi32, #tpu.memory_space<hbm>> -> memref<1x40x128xi32, #tpu.memory_space<hbm>>
        %dma_wait3A_188 = tpu.memref_squeeze %dma_wait3A_187 : memref<1x40x128xi32, #tpu.memory_space<hbm>> -> memref<40x128xi32, #tpu.memory_space<hbm>>
        %dma_wait3A_189 = arith.constant 0 : i32
        %dma_wait3A_190 = tpu.memref_slice %arg3[%run_scoped3A_178, %add3A_177, %dma_wait3A_189] : memref<2x2500x128xi32, #tpu.memory_space<hbm>> -> memref<1x40x128xi32, #tpu.memory_space<hbm>>
        %dma_wait3A_191 = tpu.memref_squeeze %dma_wait3A_190 : memref<1x40x128xi32, #tpu.memory_space<hbm>> -> memref<40x128xi32, #tpu.memory_space<hbm>>
        tpu.wait_dma2 semaphore(%run_scoped3A_179 : memref<!tpu.dma_semaphore, #tpu.memory_space<semaphore_mem>>) src(%dma_wait3A_191 : memref<40x128xi32, #tpu.memory_space<hbm>>) dst(%arg8 : memref<40x128xi32, #tpu.memory_space<vmem>>)
        tpu.yield
      }) : () -> ()
    } else {
    }
    %eq3A = arith.constant 31 : i32
    %eq3A_29 = arith.cmpi eq, %add3A, %eq3A : i32
    %convert_element_type3A_30 = arith.extui %eq3A_29 : i1 to i32
    %cond3A_31 = arith.constant 0 : i32
    %cond3A_32 = arith.cmpi ne, %convert_element_type3A_30, %cond3A_31 : i32
    scf.if %cond3A_32 {
      %run_scoped3A = arith.constant 0 : i32
      "tpu.region"() ({
        %run_scoped3A_175 = tpu.sem_alloc : memref<!tpu.dma_semaphore, #tpu.memory_space<semaphore_mem>>
        %dma_start3A_176 = arith.constant 0 : i32
        %dma_start3A_177 = arith.constant 0 : i32
        %dma_start3A_178 = tpu.memref_slice %arg4[%run_scoped3A, %dma_start3A_176, %dma_start3A_177] : memref<2x40x128xi32, #tpu.memory_space<hbm>> -> memref<1x40x128xi32, #tpu.memory_space<hbm>>
        %dma_start3A_179 = tpu.memref_squeeze %dma_start3A_178 : memref<1x40x128xi32, #tpu.memory_space<hbm>> -> memref<40x128xi32, #tpu.memory_space<hbm>>
        %dma_start3A_180 = arith.constant 0 : i32
        %dma_start3A_181 = arith.constant 0 : i32
        %dma_start3A_182 = tpu.memref_slice %arg4[%run_scoped3A, %dma_start3A_180, %dma_start3A_181] : memref<2x40x128xi32, #tpu.memory_space<hbm>> -> memref<1x40x128xi32, #tpu.memory_space<hbm>>
        %dma_start3A_183 = tpu.memref_squeeze %dma_start3A_182 : memref<1x40x128xi32, #tpu.memory_space<hbm>> -> memref<40x128xi32, #tpu.memory_space<hbm>>
        tpu.enqueue_dma source(%dma_start3A_183 : memref<40x128xi32, #tpu.memory_space<hbm>>) target(%arg7 : memref<40x128xi32, #tpu.memory_space<vmem>>) target_semaphore(%run_scoped3A_175 : memref<!tpu.dma_semaphore, #tpu.memory_space<semaphore_mem>>)
        %dma_wait3A_184 = arith.constant 0 : i32
        %dma_wait3A_185 = arith.constant 0 : i32
        %dma_wait3A_186 = tpu.memref_slice %arg4[%run_scoped3A, %dma_wait3A_184, %dma_wait3A_185] : memref<2x40x128xi32, #tpu.memory_space<hbm>> -> memref<1x40x128xi32, #tpu.memory_space<hbm>>
        %dma_wait3A_187 = tpu.memref_squeeze %dma_wait3A_186 : memref<1x40x128xi32, #tpu.memory_space<hbm>> -> memref<40x128xi32, #tpu.memory_space<hbm>>
        %dma_wait3A_188 = arith.constant 0 : i32
        %dma_wait3A_189 = arith.constant 0 : i32
        %dma_wait3A_190 = tpu.memref_slice %arg4[%run_scoped3A, %dma_wait3A_188, %dma_wait3A_189] : memref<2x40x128xi32, #tpu.memory_space<hbm>> -> memref<1x40x128xi32, #tpu.memory_space<hbm>>
        %dma_wait3A_191 = tpu.memref_squeeze %dma_wait3A_190 : memref<1x40x128xi32, #tpu.memory_space<hbm>> -> memref<40x128xi32, #tpu.memory_space<hbm>>
        tpu.wait_dma2 semaphore(%run_scoped3A_175 : memref<!tpu.dma_semaphore, #tpu.memory_space<semaphore_mem>>) src(%dma_wait3A_191 : memref<40x128xi32, #tpu.memory_space<hbm>>) dst(%arg7 : memref<40x128xi32, #tpu.memory_space<vmem>>)
        tpu.yield
      }) : () -> ()
      %run_scoped3A_174 = arith.constant 0 : i32
      "tpu.region"() ({
        %run_scoped3A_175 = tpu.sem_alloc : memref<!tpu.dma_semaphore, #tpu.memory_space<semaphore_mem>>
        %dma_start3A_176 = arith.constant 0 : i32
        %dma_start3A_177 = arith.constant 0 : i32
        %dma_start3A_178 = tpu.memref_slice %arg5[%run_scoped3A_174, %dma_start3A_176, %dma_start3A_177] : memref<2x40x128xi32, #tpu.memory_space<hbm>> -> memref<1x40x128xi32, #tpu.memory_space<hbm>>
        %dma_start3A_179 = tpu.memref_squeeze %dma_start3A_178 : memref<1x40x128xi32, #tpu.memory_space<hbm>> -> memref<40x128xi32, #tpu.memory_space<hbm>>
        %dma_start3A_180 = arith.constant 0 : i32
        %dma_start3A_181 = arith.constant 0 : i32
        %dma_start3A_182 = tpu.memref_slice %arg5[%run_scoped3A_174, %dma_start3A_180, %dma_start3A_181] : memref<2x40x128xi32, #tpu.memory_space<hbm>> -> memref<1x40x128xi32, #tpu.memory_space<hbm>>
        %dma_start3A_183 = tpu.memref_squeeze %dma_start3A_182 : memref<1x40x128xi32, #tpu.memory_space<hbm>> -> memref<40x128xi32, #tpu.memory_space<hbm>>
        tpu.enqueue_dma source(%dma_start3A_183 : memref<40x128xi32, #tpu.memory_space<hbm>>) target(%arg8 : memref<40x128xi32, #tpu.memory_space<vmem>>) target_semaphore(%run_scoped3A_175 : memref<!tpu.dma_semaphore, #tpu.memory_space<semaphore_mem>>)
        %dma_wait3A_184 = arith.constant 0 : i32
        %dma_wait3A_185 = arith.constant 0 : i32
        %dma_wait3A_186 = tpu.memref_slice %arg5[%run_scoped3A_174, %dma_wait3A_184, %dma_wait3A_185] : memref<2x40x128xi32, #tpu.memory_space<hbm>> -> memref<1x40x128xi32, #tpu.memory_space<hbm>>
        %dma_wait3A_187 = tpu.memref_squeeze %dma_wait3A_186 : memref<1x40x128xi32, #tpu.memory_space<hbm>> -> memref<40x128xi32, #tpu.memory_space<hbm>>
        %dma_wait3A_188 = arith.constant 0 : i32
        %dma_wait3A_189 = arith.constant 0 : i32
        %dma_wait3A_190 = tpu.memref_slice %arg5[%run_scoped3A_174, %dma_wait3A_188, %dma_wait3A_189] : memref<2x40x128xi32, #tpu.memory_space<hbm>> -> memref<1x40x128xi32, #tpu.memory_space<hbm>>
        %dma_wait3A_191 = tpu.memref_squeeze %dma_wait3A_190 : memref<1x40x128xi32, #tpu.memory_space<hbm>> -> memref<40x128xi32, #tpu.memory_space<hbm>>
        tpu.wait_dma2 semaphore(%run_scoped3A_175 : memref<!tpu.dma_semaphore, #tpu.memory_space<semaphore_mem>>) src(%dma_wait3A_191 : memref<40x128xi32, #tpu.memory_space<hbm>>) dst(%arg8 : memref<40x128xi32, #tpu.memory_space<vmem>>)
        tpu.yield
      }) : () -> ()
    } else {
    }
    %dma_start3A = arith.constant 0 : i32
    %dma_start3A_33 = arith.constant 0 : i32
    %dma_start3A_34 = tpu.memref_slice %arg7[%dma_start3A, %dma_start3A_33] : memref<40x128xi32, #tpu.memory_space<vmem>> -> memref<1x128xi32, #tpu.memory_space<vmem>>
    %dma_start3A_35 = tpu.memref_squeeze %dma_start3A_34 : memref<1x128xi32, #tpu.memory_space<vmem>> -> memref<128xi32, #tpu.memory_space<vmem>>
    %dma_start3A_36 = arith.constant 0 : i32
    %dma_start3A_37 = arith.constant 0 : i32
    %dma_start3A_38 = tpu.memref_slice %arg2[%dma_start3A_36, %dma_start3A_37] : memref<10016x128xf32, #tpu.memory_space<hbm>> -> memref<10016x128xf32, #tpu.memory_space<hbm>>
    tpu.enqueue_indirect_dma source(%dma_start3A_38 : memref<10016x128xf32, #tpu.memory_space<hbm>>) target(%arg9 : memref<128x128xf32, #tpu.memory_space<vmem>>) offsets(%dma_start3A_35 : memref<128xi32, #tpu.memory_space<vmem>>) semaphore(%arg12 : memref<!tpu.dma_semaphore, #tpu.memory_space<semaphore_mem>>)
    %dma_start3A_39 = arith.constant 1 : i32
    %dma_start3A_40 = arith.constant 0 : i32
    %dma_start3A_41 = tpu.memref_slice %arg7[%dma_start3A_39, %dma_start3A_40] : memref<40x128xi32, #tpu.memory_space<vmem>> -> memref<1x128xi32, #tpu.memory_space<vmem>>
    %dma_start3A_42 = tpu.memref_squeeze %dma_start3A_41 : memref<1x128xi32, #tpu.memory_space<vmem>> -> memref<128xi32, #tpu.memory_space<vmem>>
    %dma_start3A_43 = arith.constant 0 : i32
    %dma_start3A_44 = arith.constant 0 : i32
    %dma_start3A_45 = tpu.memref_slice %arg2[%dma_start3A_43, %dma_start3A_44] : memref<10016x128xf32, #tpu.memory_space<hbm>> -> memref<10016x128xf32, #tpu.memory_space<hbm>>
    tpu.enqueue_indirect_dma source(%dma_start3A_45 : memref<10016x128xf32, #tpu.memory_space<hbm>>) target(%arg10 : memref<128x128xf32, #tpu.memory_space<vmem>>) offsets(%dma_start3A_42 : memref<128xi32, #tpu.memory_space<vmem>>) semaphore(%arg13 : memref<!tpu.dma_semaphore, #tpu.memory_space<semaphore_mem>>)
    %scan3A_46 = arith.constant 0 : i32
    %scan3A_47 = arith.constant 0 : i32
    %scan3A_48 = arith.constant 20 : i32
    %scan3A_49 = arith.addi %scan3A_47, %scan3A_48 : i32
    %scan3A_50 = arith.constant 1 : i32
    scf.for %scan3A_174 = %scan3A_47 to %scan3A_49 step %scan3A_50  : i32 {
      %mul3A_175 = arith.constant 2 : i32
      %mul3A_176 = arith.muli %scan3A_174, %mul3A_175 : i32
      %add3A_177 = arith.constant 0 : i32
      %add3A_178 = arith.addi %mul3A_176, %add3A_177 : i32
      %dma_wait3A_179 = arith.constant 0 : i32
      %dma_wait3A_180 = tpu.memref_slice %arg7[%add3A_178, %dma_wait3A_179] : memref<40x128xi32, #tpu.memory_space<vmem>> -> memref<1x128xi32, #tpu.memory_space<vmem>>
      %dma_wait3A_181 = tpu.memref_squeeze %dma_wait3A_180 : memref<1x128xi32, #tpu.memory_space<vmem>> -> memref<128xi32, #tpu.memory_space<vmem>>
      %dma_wait3A_182 = arith.constant 0 : i32
      %dma_wait3A_183 = arith.constant 0 : i32
      %dma_wait3A_184 = tpu.memref_slice %arg2[%dma_wait3A_182, %dma_wait3A_183] : memref<10016x128xf32, #tpu.memory_space<hbm>> -> memref<10016x128xf32, #tpu.memory_space<hbm>>
      tpu.wait_indirect_dma semaphore(%arg12 : memref<!tpu.dma_semaphore, #tpu.memory_space<semaphore_mem>>) src(%dma_wait3A_184 : memref<10016x128xf32, #tpu.memory_space<hbm>>) dst(%arg9 : memref<128x128xf32, #tpu.memory_space<vmem>>)
      "tpu.region"() ({
        %run_scoped3A = tpu.sem_alloc : memref<!tpu.dma_semaphore, #tpu.memory_space<semaphore_mem>>
        %dma_start3A_209 = arith.constant 0 : i32
        %dma_start3A_210 = tpu.memref_slice %arg8[%add3A_178, %dma_start3A_209] : memref<40x128xi32, #tpu.memory_space<vmem>> -> memref<1x128xi32, #tpu.memory_space<vmem>>
        %dma_start3A_211 = tpu.memref_squeeze %dma_start3A_210 : memref<1x128xi32, #tpu.memory_space<vmem>> -> memref<128xi32, #tpu.memory_space<vmem>>
        %dma_start3A_212 = arith.constant 0 : i32
        %dma_start3A_213 = arith.constant 0 : i32
        %dma_start3A_214 = tpu.memref_slice %arg11[%dma_start3A_212, %dma_start3A_213] : memref<10112x128xf32, #tpu.memory_space<vmem_shared>> -> memref<10112x128xf32, #tpu.memory_space<vmem_shared>>
        tpu.enqueue_indirect_dma source(%arg9 : memref<128x128xf32, #tpu.memory_space<vmem>>) target(%dma_start3A_214 : memref<10112x128xf32, #tpu.memory_space<vmem_shared>>) offsets(%dma_start3A_211 : memref<128xi32, #tpu.memory_space<vmem>>) semaphore(%run_scoped3A : memref<!tpu.dma_semaphore, #tpu.memory_space<semaphore_mem>>) {add = true}
        %dma_wait3A_215 = arith.constant 0 : i32
        %dma_wait3A_216 = tpu.memref_slice %arg8[%add3A_178, %dma_wait3A_215] : memref<40x128xi32, #tpu.memory_space<vmem>> -> memref<1x128xi32, #tpu.memory_space<vmem>>
        %dma_wait3A_217 = tpu.memref_squeeze %dma_wait3A_216 : memref<1x128xi32, #tpu.memory_space<vmem>> -> memref<128xi32, #tpu.memory_space<vmem>>
        %dma_wait3A_218 = arith.constant 0 : i32
        %dma_wait3A_219 = arith.constant 0 : i32
        %dma_wait3A_220 = tpu.memref_slice %arg11[%dma_wait3A_218, %dma_wait3A_219] : memref<10112x128xf32, #tpu.memory_space<vmem_shared>> -> memref<10112x128xf32, #tpu.memory_space<vmem_shared>>
        tpu.wait_indirect_dma semaphore(%run_scoped3A : memref<!tpu.dma_semaphore, #tpu.memory_space<semaphore_mem>>) src(%arg9 : memref<128x128xf32, #tpu.memory_space<vmem>>) dst(%dma_wait3A_220 : memref<10112x128xf32, #tpu.memory_space<vmem_shared>>)
        tpu.yield
      }) : () -> ()
      %add3A_185 = arith.constant 2 : i32
      %add3A_186 = arith.addi %add3A_178, %add3A_185 : i32
      %lt3A_187 = arith.constant 40 : i32
      %lt3A_188 = arith.cmpi slt, %add3A_186, %lt3A_187 : i32
      %convert_element_type3A_189 = arith.extui %lt3A_188 : i1 to i32
      %cond3A_190 = arith.constant 0 : i32
      %cond3A_191 = arith.cmpi ne, %convert_element_type3A_189, %cond3A_190 : i32
      scf.if %cond3A_191 {
        %dma_start3A_209 = arith.constant 0 : i32
        %dma_start3A_210 = tpu.memref_slice %arg7[%add3A_186, %dma_start3A_209] : memref<40x128xi32, #tpu.memory_space<vmem>> -> memref<1x128xi32, #tpu.memory_space<vmem>>
        %dma_start3A_211 = tpu.memref_squeeze %dma_start3A_210 : memref<1x128xi32, #tpu.memory_space<vmem>> -> memref<128xi32, #tpu.memory_space<vmem>>
        %dma_start3A_212 = arith.constant 0 : i32
        %dma_start3A_213 = arith.constant 0 : i32
        %dma_start3A_214 = tpu.memref_slice %arg2[%dma_start3A_212, %dma_start3A_213] : memref<10016x128xf32, #tpu.memory_space<hbm>> -> memref<10016x128xf32, #tpu.memory_space<hbm>>
        tpu.enqueue_indirect_dma source(%dma_start3A_214 : memref<10016x128xf32, #tpu.memory_space<hbm>>) target(%arg9 : memref<128x128xf32, #tpu.memory_space<vmem>>) offsets(%dma_start3A_211 : memref<128xi32, #tpu.memory_space<vmem>>) semaphore(%arg12 : memref<!tpu.dma_semaphore, #tpu.memory_space<semaphore_mem>>)
      } else {
      }
      %mul3A_192 = arith.constant 2 : i32
      %mul3A_193 = arith.muli %scan3A_174, %mul3A_192 : i32
      %add3A_194 = arith.constant 1 : i32
      %add3A_195 = arith.addi %mul3A_193, %add3A_194 : i32
      %dma_wait3A_196 = arith.constant 0 : i32
      %dma_wait3A_197 = tpu.memref_slice %arg7[%add3A_195, %dma_wait3A_196] : memref<40x128xi32, #tpu.memory_space<vmem>> -> memref<1x128xi32, #tpu.memory_space<vmem>>
      %dma_wait3A_198 = tpu.memref_squeeze %dma_wait3A_197 : memref<1x128xi32, #tpu.memory_space<vmem>> -> memref<128xi32, #tpu.memory_space<vmem>>
      %dma_wait3A_199 = arith.constant 0 : i32
      %dma_wait3A_200 = arith.constant 0 : i32
      %dma_wait3A_201 = tpu.memref_slice %arg2[%dma_wait3A_199, %dma_wait3A_200] : memref<10016x128xf32, #tpu.memory_space<hbm>> -> memref<10016x128xf32, #tpu.memory_space<hbm>>
      tpu.wait_indirect_dma semaphore(%arg13 : memref<!tpu.dma_semaphore, #tpu.memory_space<semaphore_mem>>) src(%dma_wait3A_201 : memref<10016x128xf32, #tpu.memory_space<hbm>>) dst(%arg10 : memref<128x128xf32, #tpu.memory_space<vmem>>)
      "tpu.region"() ({
        %run_scoped3A = tpu.sem_alloc : memref<!tpu.dma_semaphore, #tpu.memory_space<semaphore_mem>>
        %dma_start3A_209 = arith.constant 0 : i32
        %dma_start3A_210 = tpu.memref_slice %arg8[%add3A_195, %dma_start3A_209] : memref<40x128xi32, #tpu.memory_space<vmem>> -> memref<1x128xi32, #tpu.memory_space<vmem>>
        %dma_start3A_211 = tpu.memref_squeeze %dma_start3A_210 : memref<1x128xi32, #tpu.memory_space<vmem>> -> memref<128xi32, #tpu.memory_space<vmem>>
        %dma_start3A_212 = arith.constant 0 : i32
        %dma_start3A_213 = arith.constant 0 : i32
        %dma_start3A_214 = tpu.memref_slice %arg11[%dma_start3A_212, %dma_start3A_213] : memref<10112x128xf32, #tpu.memory_space<vmem_shared>> -> memref<10112x128xf32, #tpu.memory_space<vmem_shared>>
        tpu.enqueue_indirect_dma source(%arg10 : memref<128x128xf32, #tpu.memory_space<vmem>>) target(%dma_start3A_214 : memref<10112x128xf32, #tpu.memory_space<vmem_shared>>) offsets(%dma_start3A_211 : memref<128xi32, #tpu.memory_space<vmem>>) semaphore(%run_scoped3A : memref<!tpu.dma_semaphore, #tpu.memory_space<semaphore_mem>>) {add = true}
        %dma_wait3A_215 = arith.constant 0 : i32
        %dma_wait3A_216 = tpu.memref_slice %arg8[%add3A_195, %dma_wait3A_215] : memref<40x128xi32, #tpu.memory_space<vmem>> -> memref<1x128xi32, #tpu.memory_space<vmem>>
        %dma_wait3A_217 = tpu.memref_squeeze %dma_wait3A_216 : memref<1x128xi32, #tpu.memory_space<vmem>> -> memref<128xi32, #tpu.memory_space<vmem>>
        %dma_wait3A_218 = arith.constant 0 : i32
        %dma_wait3A_219 = arith.constant 0 : i32
        %dma_wait3A_220 = tpu.memref_slice %arg11[%dma_wait3A_218, %dma_wait3A_219] : memref<10112x128xf32, #tpu.memory_space<vmem_shared>> -> memref<10112x128xf32, #tpu.memory_space<vmem_shared>>
        tpu.wait_indirect_dma semaphore(%run_scoped3A : memref<!tpu.dma_semaphore, #tpu.memory_space<semaphore_mem>>) src(%arg10 : memref<128x128xf32, #tpu.memory_space<vmem>>) dst(%dma_wait3A_220 : memref<10112x128xf32, #tpu.memory_space<vmem_shared>>)
        tpu.yield
      }) : () -> ()
      %add3A_202 = arith.constant 2 : i32
      %add3A_203 = arith.addi %add3A_195, %add3A_202 : i32
      %lt3A_204 = arith.constant 40 : i32
      %lt3A_205 = arith.cmpi slt, %add3A_203, %lt3A_204 : i32
      %convert_element_type3A_206 = arith.extui %lt3A_205 : i1 to i32
      %cond3A_207 = arith.constant 0 : i32
      %cond3A_208 = arith.cmpi ne, %convert_element_type3A_206, %cond3A_207 : i32
      scf.if %cond3A_208 {
        %dma_start3A_209 = arith.constant 0 : i32
        %dma_start3A_210 = tpu.memref_slice %arg7[%add3A_203, %dma_start3A_209] : memref<40x128xi32, #tpu.memory_space<vmem>> -> memref<1x128xi32, #tpu.memory_space<vmem>>
        %dma_start3A_211 = tpu.memref_squeeze %dma_start3A_210 : memref<1x128xi32, #tpu.memory_space<vmem>> -> memref<128xi32, #tpu.memory_space<vmem>>
        %dma_start3A_212 = arith.constant 0 : i32
        %dma_start3A_213 = arith.constant 0 : i32
        %dma_start3A_214 = tpu.memref_slice %arg2[%dma_start3A_212, %dma_start3A_213] : memref<10016x128xf32, #tpu.memory_space<hbm>> -> memref<10016x128xf32, #tpu.memory_space<hbm>>
        tpu.enqueue_indirect_dma source(%dma_start3A_214 : memref<10016x128xf32, #tpu.memory_space<hbm>>) target(%arg10 : memref<128x128xf32, #tpu.memory_space<vmem>>) offsets(%dma_start3A_211 : memref<128xi32, #tpu.memory_space<vmem>>) semaphore(%arg13 : memref<!tpu.dma_semaphore, #tpu.memory_space<semaphore_mem>>)
      } else {
      }
    }
    %scan3A_51 = arith.constant 20 : i32
    %lt3A_52 = arith.constant 31 : i32
    "tpu.trace_stop"() : () -> ()
    "tpu.trace_start"() <{level = 10 : i32, message = "edge_half1"}> : () -> ()
    %lt3A_53 = arith.cmpi slt, %add3A, %lt3A_52 : i32
    %convert_element_type3A_54 = arith.extui %lt3A_53 : i1 to i32
    %cond3A_55 = arith.constant 0 : i32
    %cond3A_56 = arith.cmpi ne, %convert_element_type3A_54, %cond3A_55 : i32
    scf.if %cond3A_56 {
      %mul3A_174 = arith.constant 80 : i32
      %mul3A_175 = arith.muli %add3A, %mul3A_174 : i32
      %add3A_176 = arith.constant 40 : i32
      %add3A_177 = arith.addi %mul3A_175, %add3A_176 : i32
      %run_scoped3A = arith.constant 0 : i32
      "tpu.region"() ({
        %run_scoped3A_179 = tpu.sem_alloc : memref<!tpu.dma_semaphore, #tpu.memory_space<semaphore_mem>>
        %dma_start3A_180 = arith.constant 0 : i32
        %dma_start3A_181 = tpu.memref_slice %arg3[%run_scoped3A, %add3A_177, %dma_start3A_180] : memref<2x2500x128xi32, #tpu.memory_space<hbm>> -> memref<1x40x128xi32, #tpu.memory_space<hbm>>
        %dma_start3A_182 = tpu.memref_squeeze %dma_start3A_181 : memref<1x40x128xi32, #tpu.memory_space<hbm>> -> memref<40x128xi32, #tpu.memory_space<hbm>>
        %dma_start3A_183 = arith.constant 0 : i32
        %dma_start3A_184 = tpu.memref_slice %arg3[%run_scoped3A, %add3A_177, %dma_start3A_183] : memref<2x2500x128xi32, #tpu.memory_space<hbm>> -> memref<1x40x128xi32, #tpu.memory_space<hbm>>
        %dma_start3A_185 = tpu.memref_squeeze %dma_start3A_184 : memref<1x40x128xi32, #tpu.memory_space<hbm>> -> memref<40x128xi32, #tpu.memory_space<hbm>>
        tpu.enqueue_dma source(%dma_start3A_185 : memref<40x128xi32, #tpu.memory_space<hbm>>) target(%arg7 : memref<40x128xi32, #tpu.memory_space<vmem>>) target_semaphore(%run_scoped3A_179 : memref<!tpu.dma_semaphore, #tpu.memory_space<semaphore_mem>>)
        %dma_wait3A_186 = arith.constant 0 : i32
        %dma_wait3A_187 = tpu.memref_slice %arg3[%run_scoped3A, %add3A_177, %dma_wait3A_186] : memref<2x2500x128xi32, #tpu.memory_space<hbm>> -> memref<1x40x128xi32, #tpu.memory_space<hbm>>
        %dma_wait3A_188 = tpu.memref_squeeze %dma_wait3A_187 : memref<1x40x128xi32, #tpu.memory_space<hbm>> -> memref<40x128xi32, #tpu.memory_space<hbm>>
        %dma_wait3A_189 = arith.constant 0 : i32
        %dma_wait3A_190 = tpu.memref_slice %arg3[%run_scoped3A, %add3A_177, %dma_wait3A_189] : memref<2x2500x128xi32, #tpu.memory_space<hbm>> -> memref<1x40x128xi32, #tpu.memory_space<hbm>>
        %dma_wait3A_191 = tpu.memref_squeeze %dma_wait3A_190 : memref<1x40x128xi32, #tpu.memory_space<hbm>> -> memref<40x128xi32, #tpu.memory_space<hbm>>
        tpu.wait_dma2 semaphore(%run_scoped3A_179 : memref<!tpu.dma_semaphore, #tpu.memory_space<semaphore_mem>>) src(%dma_wait3A_191 : memref<40x128xi32, #tpu.memory_space<hbm>>) dst(%arg7 : memref<40x128xi32, #tpu.memory_space<vmem>>)
        tpu.yield
      }) : () -> ()
      %run_scoped3A_178 = arith.constant 1 : i32
      "tpu.region"() ({
        %run_scoped3A_179 = tpu.sem_alloc : memref<!tpu.dma_semaphore, #tpu.memory_space<semaphore_mem>>
        %dma_start3A_180 = arith.constant 0 : i32
        %dma_start3A_181 = tpu.memref_slice %arg3[%run_scoped3A_178, %add3A_177, %dma_start3A_180] : memref<2x2500x128xi32, #tpu.memory_space<hbm>> -> memref<1x40x128xi32, #tpu.memory_space<hbm>>
        %dma_start3A_182 = tpu.memref_squeeze %dma_start3A_181 : memref<1x40x128xi32, #tpu.memory_space<hbm>> -> memref<40x128xi32, #tpu.memory_space<hbm>>
        %dma_start3A_183 = arith.constant 0 : i32
        %dma_start3A_184 = tpu.memref_slice %arg3[%run_scoped3A_178, %add3A_177, %dma_start3A_183] : memref<2x2500x128xi32, #tpu.memory_space<hbm>> -> memref<1x40x128xi32, #tpu.memory_space<hbm>>
        %dma_start3A_185 = tpu.memref_squeeze %dma_start3A_184 : memref<1x40x128xi32, #tpu.memory_space<hbm>> -> memref<40x128xi32, #tpu.memory_space<hbm>>
        tpu.enqueue_dma source(%dma_start3A_185 : memref<40x128xi32, #tpu.memory_space<hbm>>) target(%arg8 : memref<40x128xi32, #tpu.memory_space<vmem>>) target_semaphore(%run_scoped3A_179 : memref<!tpu.dma_semaphore, #tpu.memory_space<semaphore_mem>>)
        %dma_wait3A_186 = arith.constant 0 : i32
        %dma_wait3A_187 = tpu.memref_slice %arg3[%run_scoped3A_178, %add3A_177, %dma_wait3A_186] : memref<2x2500x128xi32, #tpu.memory_space<hbm>> -> memref<1x40x128xi32, #tpu.memory_space<hbm>>
        %dma_wait3A_188 = tpu.memref_squeeze %dma_wait3A_187 : memref<1x40x128xi32, #tpu.memory_space<hbm>> -> memref<40x128xi32, #tpu.memory_space<hbm>>
        %dma_wait3A_189 = arith.constant 0 : i32
        %dma_wait3A_190 = tpu.memref_slice %arg3[%run_scoped3A_178, %add3A_177, %dma_wait3A_189] : memref<2x2500x128xi32, #tpu.memory_space<hbm>> -> memref<1x40x128xi32, #tpu.memory_space<hbm>>
        %dma_wait3A_191 = tpu.memref_squeeze %dma_wait3A_190 : memref<1x40x128xi32, #tpu.memory_space<hbm>> -> memref<40x128xi32, #tpu.memory_space<hbm>>
        tpu.wait_dma2 semaphore(%run_scoped3A_179 : memref<!tpu.dma_semaphore, #tpu.memory_space<semaphore_mem>>) src(%dma_wait3A_191 : memref<40x128xi32, #tpu.memory_space<hbm>>) dst(%arg8 : memref<40x128xi32, #tpu.memory_space<vmem>>)
        tpu.yield
      }) : () -> ()
    } else {
    }
    %eq3A_57 = arith.constant 31 : i32
    %eq3A_58 = arith.cmpi eq, %add3A, %eq3A_57 : i32
    %convert_element_type3A_59 = arith.extui %eq3A_58 : i1 to i32
    %cond3A_60 = arith.constant 0 : i32
    %cond3A_61 = arith.cmpi ne, %convert_element_type3A_59, %cond3A_60 : i32
    scf.if %cond3A_61 {
      %run_scoped3A = arith.constant 1 : i32
      "tpu.region"() ({
        %run_scoped3A_175 = tpu.sem_alloc : memref<!tpu.dma_semaphore, #tpu.memory_space<semaphore_mem>>
        %dma_start3A_176 = arith.constant 0 : i32
        %dma_start3A_177 = arith.constant 0 : i32
        %dma_start3A_178 = tpu.memref_slice %arg4[%run_scoped3A, %dma_start3A_176, %dma_start3A_177] : memref<2x40x128xi32, #tpu.memory_space<hbm>> -> memref<1x40x128xi32, #tpu.memory_space<hbm>>
        %dma_start3A_179 = tpu.memref_squeeze %dma_start3A_178 : memref<1x40x128xi32, #tpu.memory_space<hbm>> -> memref<40x128xi32, #tpu.memory_space<hbm>>
        %dma_start3A_180 = arith.constant 0 : i32
        %dma_start3A_181 = arith.constant 0 : i32
        %dma_start3A_182 = tpu.memref_slice %arg4[%run_scoped3A, %dma_start3A_180, %dma_start3A_181] : memref<2x40x128xi32, #tpu.memory_space<hbm>> -> memref<1x40x128xi32, #tpu.memory_space<hbm>>
        %dma_start3A_183 = tpu.memref_squeeze %dma_start3A_182 : memref<1x40x128xi32, #tpu.memory_space<hbm>> -> memref<40x128xi32, #tpu.memory_space<hbm>>
        tpu.enqueue_dma source(%dma_start3A_183 : memref<40x128xi32, #tpu.memory_space<hbm>>) target(%arg7 : memref<40x128xi32, #tpu.memory_space<vmem>>) target_semaphore(%run_scoped3A_175 : memref<!tpu.dma_semaphore, #tpu.memory_space<semaphore_mem>>)
        %dma_wait3A_184 = arith.constant 0 : i32
        %dma_wait3A_185 = arith.constant 0 : i32
        %dma_wait3A_186 = tpu.memref_slice %arg4[%run_scoped3A, %dma_wait3A_184, %dma_wait3A_185] : memref<2x40x128xi32, #tpu.memory_space<hbm>> -> memref<1x40x128xi32, #tpu.memory_space<hbm>>
        %dma_wait3A_187 = tpu.memref_squeeze %dma_wait3A_186 : memref<1x40x128xi32, #tpu.memory_space<hbm>> -> memref<40x128xi32, #tpu.memory_space<hbm>>
        %dma_wait3A_188 = arith.constant 0 : i32
        %dma_wait3A_189 = arith.constant 0 : i32
        %dma_wait3A_190 = tpu.memref_slice %arg4[%run_scoped3A, %dma_wait3A_188, %dma_wait3A_189] : memref<2x40x128xi32, #tpu.memory_space<hbm>> -> memref<1x40x128xi32, #tpu.memory_space<hbm>>
        %dma_wait3A_191 = tpu.memref_squeeze %dma_wait3A_190 : memref<1x40x128xi32, #tpu.memory_space<hbm>> -> memref<40x128xi32, #tpu.memory_space<hbm>>
        tpu.wait_dma2 semaphore(%run_scoped3A_175 : memref<!tpu.dma_semaphore, #tpu.memory_space<semaphore_mem>>) src(%dma_wait3A_191 : memref<40x128xi32, #tpu.memory_space<hbm>>) dst(%arg7 : memref<40x128xi32, #tpu.memory_space<vmem>>)
        tpu.yield
      }) : () -> ()
      %run_scoped3A_174 = arith.constant 1 : i32
      "tpu.region"() ({
        %run_scoped3A_175 = tpu.sem_alloc : memref<!tpu.dma_semaphore, #tpu.memory_space<semaphore_mem>>
        %dma_start3A_176 = arith.constant 0 : i32
        %dma_start3A_177 = arith.constant 0 : i32
        %dma_start3A_178 = tpu.memref_slice %arg5[%run_scoped3A_174, %dma_start3A_176, %dma_start3A_177] : memref<2x40x128xi32, #tpu.memory_space<hbm>> -> memref<1x40x128xi32, #tpu.memory_space<hbm>>
        %dma_start3A_179 = tpu.memref_squeeze %dma_start3A_178 : memref<1x40x128xi32, #tpu.memory_space<hbm>> -> memref<40x128xi32, #tpu.memory_space<hbm>>
        %dma_start3A_180 = arith.constant 0 : i32
        %dma_start3A_181 = arith.constant 0 : i32
        %dma_start3A_182 = tpu.memref_slice %arg5[%run_scoped3A_174, %dma_start3A_180, %dma_start3A_181] : memref<2x40x128xi32, #tpu.memory_space<hbm>> -> memref<1x40x128xi32, #tpu.memory_space<hbm>>
        %dma_start3A_183 = tpu.memref_squeeze %dma_start3A_182 : memref<1x40x128xi32, #tpu.memory_space<hbm>> -> memref<40x128xi32, #tpu.memory_space<hbm>>
        tpu.enqueue_dma source(%dma_start3A_183 : memref<40x128xi32, #tpu.memory_space<hbm>>) target(%arg8 : memref<40x128xi32, #tpu.memory_space<vmem>>) target_semaphore(%run_scoped3A_175 : memref<!tpu.dma_semaphore, #tpu.memory_space<semaphore_mem>>)
        %dma_wait3A_184 = arith.constant 0 : i32
        %dma_wait3A_185 = arith.constant 0 : i32
        %dma_wait3A_186 = tpu.memref_slice %arg5[%run_scoped3A_174, %dma_wait3A_184, %dma_wait3A_185] : memref<2x40x128xi32, #tpu.memory_space<hbm>> -> memref<1x40x128xi32, #tpu.memory_space<hbm>>
        %dma_wait3A_187 = tpu.memref_squeeze %dma_wait3A_186 : memref<1x40x128xi32, #tpu.memory_space<hbm>> -> memref<40x128xi32, #tpu.memory_space<hbm>>
        %dma_wait3A_188 = arith.constant 0 : i32
        %dma_wait3A_189 = arith.constant 0 : i32
        %dma_wait3A_190 = tpu.memref_slice %arg5[%run_scoped3A_174, %dma_wait3A_188, %dma_wait3A_189] : memref<2x40x128xi32, #tpu.memory_space<hbm>> -> memref<1x40x128xi32, #tpu.memory_space<hbm>>
        %dma_wait3A_191 = tpu.memref_squeeze %dma_wait3A_190 : memref<1x40x128xi32, #tpu.memory_space<hbm>> -> memref<40x128xi32, #tpu.memory_space<hbm>>
        tpu.wait_dma2 semaphore(%run_scoped3A_175 : memref<!tpu.dma_semaphore, #tpu.memory_space<semaphore_mem>>) src(%dma_wait3A_191 : memref<40x128xi32, #tpu.memory_space<hbm>>) dst(%arg8 : memref<40x128xi32, #tpu.memory_space<vmem>>)
        tpu.yield
      }) : () -> ()
    } else {
    }
    %dma_start3A_62 = arith.constant 0 : i32
    %dma_start3A_63 = arith.constant 0 : i32
    %dma_start3A_64 = tpu.memref_slice %arg7[%dma_start3A_62, %dma_start3A_63] : memref<40x128xi32, #tpu.memory_space<vmem>> -> memref<1x128xi32, #tpu.memory_space<vmem>>
    %dma_start3A_65 = tpu.memref_squeeze %dma_start3A_64 : memref<1x128xi32, #tpu.memory_space<vmem>> -> memref<128xi32, #tpu.memory_space<vmem>>
    %dma_start3A_66 = arith.constant 0 : i32
    %dma_start3A_67 = arith.constant 0 : i32
    %dma_start3A_68 = tpu.memref_slice %arg2[%dma_start3A_66, %dma_start3A_67] : memref<10016x128xf32, #tpu.memory_space<hbm>> -> memref<10016x128xf32, #tpu.memory_space<hbm>>
    tpu.enqueue_indirect_dma source(%dma_start3A_68 : memref<10016x128xf32, #tpu.memory_space<hbm>>) target(%arg9 : memref<128x128xf32, #tpu.memory_space<vmem>>) offsets(%dma_start3A_65 : memref<128xi32, #tpu.memory_space<vmem>>) semaphore(%arg12 : memref<!tpu.dma_semaphore, #tpu.memory_space<semaphore_mem>>)
    %dma_start3A_69 = arith.constant 1 : i32
    %dma_start3A_70 = arith.constant 0 : i32
    %dma_start3A_71 = tpu.memref_slice %arg7[%dma_start3A_69, %dma_start3A_70] : memref<40x128xi32, #tpu.memory_space<vmem>> -> memref<1x128xi32, #tpu.memory_space<vmem>>
    %dma_start3A_72 = tpu.memref_squeeze %dma_start3A_71 : memref<1x128xi32, #tpu.memory_space<vmem>> -> memref<128xi32, #tpu.memory_space<vmem>>
    %dma_start3A_73 = arith.constant 0 : i32
    %dma_start3A_74 = arith.constant 0 : i32
    %dma_start3A_75 = tpu.memref_slice %arg2[%dma_start3A_73, %dma_start3A_74] : memref<10016x128xf32, #tpu.memory_space<hbm>> -> memref<10016x128xf32, #tpu.memory_space<hbm>>
    tpu.enqueue_indirect_dma source(%dma_start3A_75 : memref<10016x128xf32, #tpu.memory_space<hbm>>) target(%arg10 : memref<128x128xf32, #tpu.memory_space<vmem>>) offsets(%dma_start3A_72 : memref<128xi32, #tpu.memory_space<vmem>>) semaphore(%arg13 : memref<!tpu.dma_semaphore, #tpu.memory_space<semaphore_mem>>)
    %scan3A_76 = arith.constant 0 : i32
    %scan3A_77 = arith.constant 0 : i32
    %scan3A_78 = arith.constant 20 : i32
    %scan3A_79 = arith.addi %scan3A_77, %scan3A_78 : i32
    %scan3A_80 = arith.constant 1 : i32
    scf.for %scan3A_174 = %scan3A_77 to %scan3A_79 step %scan3A_80  : i32 {
      %mul3A_175 = arith.constant 2 : i32
      %mul3A_176 = arith.muli %scan3A_174, %mul3A_175 : i32
      %add3A_177 = arith.constant 0 : i32
      %add3A_178 = arith.addi %mul3A_176, %add3A_177 : i32
      %dma_wait3A_179 = arith.constant 0 : i32
      %dma_wait3A_180 = tpu.memref_slice %arg7[%add3A_178, %dma_wait3A_179] : memref<40x128xi32, #tpu.memory_space<vmem>> -> memref<1x128xi32, #tpu.memory_space<vmem>>
      %dma_wait3A_181 = tpu.memref_squeeze %dma_wait3A_180 : memref<1x128xi32, #tpu.memory_space<vmem>> -> memref<128xi32, #tpu.memory_space<vmem>>
      %dma_wait3A_182 = arith.constant 0 : i32
      %dma_wait3A_183 = arith.constant 0 : i32
      %dma_wait3A_184 = tpu.memref_slice %arg2[%dma_wait3A_182, %dma_wait3A_183] : memref<10016x128xf32, #tpu.memory_space<hbm>> -> memref<10016x128xf32, #tpu.memory_space<hbm>>
      tpu.wait_indirect_dma semaphore(%arg12 : memref<!tpu.dma_semaphore, #tpu.memory_space<semaphore_mem>>) src(%dma_wait3A_184 : memref<10016x128xf32, #tpu.memory_space<hbm>>) dst(%arg9 : memref<128x128xf32, #tpu.memory_space<vmem>>)
      "tpu.region"() ({
        %run_scoped3A = tpu.sem_alloc : memref<!tpu.dma_semaphore, #tpu.memory_space<semaphore_mem>>
        %dma_start3A_209 = arith.constant 0 : i32
        %dma_start3A_210 = tpu.memref_slice %arg8[%add3A_178, %dma_start3A_209] : memref<40x128xi32, #tpu.memory_space<vmem>> -> memref<1x128xi32, #tpu.memory_space<vmem>>
        %dma_start3A_211 = tpu.memref_squeeze %dma_start3A_210 : memref<1x128xi32, #tpu.memory_space<vmem>> -> memref<128xi32, #tpu.memory_space<vmem>>
        %dma_start3A_212 = arith.constant 0 : i32
        %dma_start3A_213 = arith.constant 0 : i32
        %dma_start3A_214 = tpu.memref_slice %arg11[%dma_start3A_212, %dma_start3A_213] : memref<10112x128xf32, #tpu.memory_space<vmem_shared>> -> memref<10112x128xf32, #tpu.memory_space<vmem_shared>>
        tpu.enqueue_indirect_dma source(%arg9 : memref<128x128xf32, #tpu.memory_space<vmem>>) target(%dma_start3A_214 : memref<10112x128xf32, #tpu.memory_space<vmem_shared>>) offsets(%dma_start3A_211 : memref<128xi32, #tpu.memory_space<vmem>>) semaphore(%run_scoped3A : memref<!tpu.dma_semaphore, #tpu.memory_space<semaphore_mem>>) {add = true}
        %dma_wait3A_215 = arith.constant 0 : i32
        %dma_wait3A_216 = tpu.memref_slice %arg8[%add3A_178, %dma_wait3A_215] : memref<40x128xi32, #tpu.memory_space<vmem>> -> memref<1x128xi32, #tpu.memory_space<vmem>>
        %dma_wait3A_217 = tpu.memref_squeeze %dma_wait3A_216 : memref<1x128xi32, #tpu.memory_space<vmem>> -> memref<128xi32, #tpu.memory_space<vmem>>
        %dma_wait3A_218 = arith.constant 0 : i32
        %dma_wait3A_219 = arith.constant 0 : i32
        %dma_wait3A_220 = tpu.memref_slice %arg11[%dma_wait3A_218, %dma_wait3A_219] : memref<10112x128xf32, #tpu.memory_space<vmem_shared>> -> memref<10112x128xf32, #tpu.memory_space<vmem_shared>>
        tpu.wait_indirect_dma semaphore(%run_scoped3A : memref<!tpu.dma_semaphore, #tpu.memory_space<semaphore_mem>>) src(%arg9 : memref<128x128xf32, #tpu.memory_space<vmem>>) dst(%dma_wait3A_220 : memref<10112x128xf32, #tpu.memory_space<vmem_shared>>)
        tpu.yield
      }) : () -> ()
      %add3A_185 = arith.constant 2 : i32
      %add3A_186 = arith.addi %add3A_178, %add3A_185 : i32
      %lt3A_187 = arith.constant 40 : i32
      %lt3A_188 = arith.cmpi slt, %add3A_186, %lt3A_187 : i32
      %convert_element_type3A_189 = arith.extui %lt3A_188 : i1 to i32
      %cond3A_190 = arith.constant 0 : i32
      %cond3A_191 = arith.cmpi ne, %convert_element_type3A_189, %cond3A_190 : i32
      scf.if %cond3A_191 {
        %dma_start3A_209 = arith.constant 0 : i32
        %dma_start3A_210 = tpu.memref_slice %arg7[%add3A_186, %dma_start3A_209] : memref<40x128xi32, #tpu.memory_space<vmem>> -> memref<1x128xi32, #tpu.memory_space<vmem>>
        %dma_start3A_211 = tpu.memref_squeeze %dma_start3A_210 : memref<1x128xi32, #tpu.memory_space<vmem>> -> memref<128xi32, #tpu.memory_space<vmem>>
        %dma_start3A_212 = arith.constant 0 : i32
        %dma_start3A_213 = arith.constant 0 : i32
        %dma_start3A_214 = tpu.memref_slice %arg2[%dma_start3A_212, %dma_start3A_213] : memref<10016x128xf32, #tpu.memory_space<hbm>> -> memref<10016x128xf32, #tpu.memory_space<hbm>>
        tpu.enqueue_indirect_dma source(%dma_start3A_214 : memref<10016x128xf32, #tpu.memory_space<hbm>>) target(%arg9 : memref<128x128xf32, #tpu.memory_space<vmem>>) offsets(%dma_start3A_211 : memref<128xi32, #tpu.memory_space<vmem>>) semaphore(%arg12 : memref<!tpu.dma_semaphore, #tpu.memory_space<semaphore_mem>>)
      } else {
      }
      %mul3A_192 = arith.constant 2 : i32
      %mul3A_193 = arith.muli %scan3A_174, %mul3A_192 : i32
      %add3A_194 = arith.constant 1 : i32
      %add3A_195 = arith.addi %mul3A_193, %add3A_194 : i32
      %dma_wait3A_196 = arith.constant 0 : i32
      %dma_wait3A_197 = tpu.memref_slice %arg7[%add3A_195, %dma_wait3A_196] : memref<40x128xi32, #tpu.memory_space<vmem>> -> memref<1x128xi32, #tpu.memory_space<vmem>>
      %dma_wait3A_198 = tpu.memref_squeeze %dma_wait3A_197 : memref<1x128xi32, #tpu.memory_space<vmem>> -> memref<128xi32, #tpu.memory_space<vmem>>
      %dma_wait3A_199 = arith.constant 0 : i32
      %dma_wait3A_200 = arith.constant 0 : i32
      %dma_wait3A_201 = tpu.memref_slice %arg2[%dma_wait3A_199, %dma_wait3A_200] : memref<10016x128xf32, #tpu.memory_space<hbm>> -> memref<10016x128xf32, #tpu.memory_space<hbm>>
      tpu.wait_indirect_dma semaphore(%arg13 : memref<!tpu.dma_semaphore, #tpu.memory_space<semaphore_mem>>) src(%dma_wait3A_201 : memref<10016x128xf32, #tpu.memory_space<hbm>>) dst(%arg10 : memref<128x128xf32, #tpu.memory_space<vmem>>)
      "tpu.region"() ({
        %run_scoped3A = tpu.sem_alloc : memref<!tpu.dma_semaphore, #tpu.memory_space<semaphore_mem>>
        %dma_start3A_209 = arith.constant 0 : i32
        %dma_start3A_210 = tpu.memref_slice %arg8[%add3A_195, %dma_start3A_209] : memref<40x128xi32, #tpu.memory_space<vmem>> -> memref<1x128xi32, #tpu.memory_space<vmem>>
        %dma_start3A_211 = tpu.memref_squeeze %dma_start3A_210 : memref<1x128xi32, #tpu.memory_space<vmem>> -> memref<128xi32, #tpu.memory_space<vmem>>
        %dma_start3A_212 = arith.constant 0 : i32
        %dma_start3A_213 = arith.constant 0 : i32
        %dma_start3A_214 = tpu.memref_slice %arg11[%dma_start3A_212, %dma_start3A_213] : memref<10112x128xf32, #tpu.memory_space<vmem_shared>> -> memref<10112x128xf32, #tpu.memory_space<vmem_shared>>
        tpu.enqueue_indirect_dma source(%arg10 : memref<128x128xf32, #tpu.memory_space<vmem>>) target(%dma_start3A_214 : memref<10112x128xf32, #tpu.memory_space<vmem_shared>>) offsets(%dma_start3A_211 : memref<128xi32, #tpu.memory_space<vmem>>) semaphore(%run_scoped3A : memref<!tpu.dma_semaphore, #tpu.memory_space<semaphore_mem>>) {add = true}
        %dma_wait3A_215 = arith.constant 0 : i32
        %dma_wait3A_216 = tpu.memref_slice %arg8[%add3A_195, %dma_wait3A_215] : memref<40x128xi32, #tpu.memory_space<vmem>> -> memref<1x128xi32, #tpu.memory_space<vmem>>
        %dma_wait3A_217 = tpu.memref_squeeze %dma_wait3A_216 : memref<1x128xi32, #tpu.memory_space<vmem>> -> memref<128xi32, #tpu.memory_space<vmem>>
        %dma_wait3A_218 = arith.constant 0 : i32
        %dma_wait3A_219 = arith.constant 0 : i32
        %dma_wait3A_220 = tpu.memref_slice %arg11[%dma_wait3A_218, %dma_wait3A_219] : memref<10112x128xf32, #tpu.memory_space<vmem_shared>> -> memref<10112x128xf32, #tpu.memory_space<vmem_shared>>
        tpu.wait_indirect_dma semaphore(%run_scoped3A : memref<!tpu.dma_semaphore, #tpu.memory_space<semaphore_mem>>) src(%arg10 : memref<128x128xf32, #tpu.memory_space<vmem>>) dst(%dma_wait3A_220 : memref<10112x128xf32, #tpu.memory_space<vmem_shared>>)
        tpu.yield
      }) : () -> ()
      %add3A_202 = arith.constant 2 : i32
      %add3A_203 = arith.addi %add3A_195, %add3A_202 : i32
      %lt3A_204 = arith.constant 40 : i32
      %lt3A_205 = arith.cmpi slt, %add3A_203, %lt3A_204 : i32
      %convert_element_type3A_206 = arith.extui %lt3A_205 : i1 to i32
      %cond3A_207 = arith.constant 0 : i32
      %cond3A_208 = arith.cmpi ne, %convert_element_type3A_206, %cond3A_207 : i32
      scf.if %cond3A_208 {
        %dma_start3A_209 = arith.constant 0 : i32
        %dma_start3A_210 = tpu.memref_slice %arg7[%add3A_203, %dma_start3A_209] : memref<40x128xi32, #tpu.memory_space<vmem>> -> memref<1x128xi32, #tpu.memory_space<vmem>>
        %dma_start3A_211 = tpu.memref_squeeze %dma_start3A_210 : memref<1x128xi32, #tpu.memory_space<vmem>> -> memref<128xi32, #tpu.memory_space<vmem>>
        %dma_start3A_212 = arith.constant 0 : i32
        %dma_start3A_213 = arith.constant 0 : i32
        %dma_start3A_214 = tpu.memref_slice %arg2[%dma_start3A_212, %dma_start3A_213] : memref<10016x128xf32, #tpu.memory_space<hbm>> -> memref<10016x128xf32, #tpu.memory_space<hbm>>
        tpu.enqueue_indirect_dma source(%dma_start3A_214 : memref<10016x128xf32, #tpu.memory_space<hbm>>) target(%arg10 : memref<128x128xf32, #tpu.memory_space<vmem>>) offsets(%dma_start3A_211 : memref<128xi32, #tpu.memory_space<vmem>>) semaphore(%arg13 : memref<!tpu.dma_semaphore, #tpu.memory_space<semaphore_mem>>)
      } else {
      }
    }
    %scan3A_81 = arith.constant 20 : i32
    "tpu.trace_stop"() : () -> ()
    "tpu.trace_start"() <{level = 10 : i32, message = "writeout"}> : () -> ()
    %barrier3A_82 = arith.constant 0 : index
    tpu.barrier barrier_id(%barrier3A_82)
    %mul3A_83 = arith.constant 632 : i32
    %mul3A_84 = arith.muli %arg1, %mul3A_83 : i32
    %add3A_85 = arith.constant 0 : i32
    %add3A_86 = arith.addi %mul3A_84, %add3A_85 : i32
    "tpu.region"() ({
      %run_scoped3A = tpu.sem_alloc : memref<!tpu.dma_semaphore, #tpu.memory_space<semaphore_mem>>
      %dma_start3A_174 = arith.constant 0 : i32
      %dma_start3A_175 = tpu.memref_slice %arg11[%add3A_86, %dma_start3A_174] : memref<10112x128xf32, #tpu.memory_space<vmem_shared>> -> memref<128x128xf32, #tpu.memory_space<vmem_shared>>
      %dma_start3A_176 = arith.constant 0 : i32
      %dma_start3A_177 = tpu.memref_slice %arg11[%add3A_86, %dma_start3A_176] : memref<10112x128xf32, #tpu.memory_space<vmem_shared>> -> memref<128x128xf32, #tpu.memory_space<vmem_shared>>
      tpu.enqueue_dma source(%dma_start3A_177 : memref<128x128xf32, #tpu.memory_space<vmem_shared>>) target(%arg9 : memref<128x128xf32, #tpu.memory_space<vmem>>) target_semaphore(%run_scoped3A : memref<!tpu.dma_semaphore, #tpu.memory_space<semaphore_mem>>)
      %dma_wait3A_178 = arith.constant 0 : i32
      %dma_wait3A_179 = tpu.memref_slice %arg11[%add3A_86, %dma_wait3A_178] : memref<10112x128xf32, #tpu.memory_space<vmem_shared>> -> memref<128x128xf32, #tpu.memory_space<vmem_shared>>
      %dma_wait3A_180 = arith.constant 0 : i32
      %dma_wait3A_181 = tpu.memref_slice %arg11[%add3A_86, %dma_wait3A_180] : memref<10112x128xf32, #tpu.memory_space<vmem_shared>> -> memref<128x128xf32, #tpu.memory_space<vmem_shared>>
      tpu.wait_dma2 semaphore(%run_scoped3A : memref<!tpu.dma_semaphore, #tpu.memory_space<semaphore_mem>>) src(%dma_wait3A_181 : memref<128x128xf32, #tpu.memory_space<vmem_shared>>) dst(%arg9 : memref<128x128xf32, #tpu.memory_space<vmem>>)
      tpu.yield
    }) : () -> ()
    %dma_start3A_87 = arith.constant 0 : i32
    %dma_start3A_88 = tpu.memref_slice %arg6[%arg0, %add3A_86, %dma_start3A_87] : memref<2x10112x128xf32, #tpu.memory_space<hbm>> -> memref<1x128x128xf32, #tpu.memory_space<hbm>>
    %dma_start3A_89 = tpu.memref_squeeze %dma_start3A_88 : memref<1x128x128xf32, #tpu.memory_space<hbm>> -> memref<128x128xf32, #tpu.memory_space<hbm>>
    %dma_start3A_90 = arith.constant 0 : i32
    %dma_start3A_91 = tpu.memref_slice %arg6[%arg0, %add3A_86, %dma_start3A_90] : memref<2x10112x128xf32, #tpu.memory_space<hbm>> -> memref<1x128x128xf32, #tpu.memory_space<hbm>>
    %dma_start3A_92 = tpu.memref_squeeze %dma_start3A_91 : memref<1x128x128xf32, #tpu.memory_space<hbm>> -> memref<128x128xf32, #tpu.memory_space<hbm>>
    tpu.enqueue_dma source(%arg9 : memref<128x128xf32, #tpu.memory_space<vmem>>) target(%dma_start3A_92 : memref<128x128xf32, #tpu.memory_space<hbm>>) target_semaphore(%arg12 : memref<!tpu.dma_semaphore, #tpu.memory_space<semaphore_mem>>)
    %mul3A_93 = arith.constant 632 : i32
    %mul3A_94 = arith.muli %arg1, %mul3A_93 : i32
    %add3A_95 = arith.constant 128 : i32
    %add3A_96 = arith.addi %mul3A_94, %add3A_95 : i32
    "tpu.region"() ({
      %run_scoped3A = tpu.sem_alloc : memref<!tpu.dma_semaphore, #tpu.memory_space<semaphore_mem>>
      %dma_start3A_174 = arith.constant 0 : i32
      %dma_start3A_175 = tpu.memref_slice %arg11[%add3A_96, %dma_start3A_174] : memref<10112x128xf32, #tpu.memory_space<vmem_shared>> -> memref<128x128xf32, #tpu.memory_space<vmem_shared>>
      %dma_start3A_176 = arith.constant 0 : i32
      %dma_start3A_177 = tpu.memref_slice %arg11[%add3A_96, %dma_start3A_176] : memref<10112x128xf32, #tpu.memory_space<vmem_shared>> -> memref<128x128xf32, #tpu.memory_space<vmem_shared>>
      tpu.enqueue_dma source(%dma_start3A_177 : memref<128x128xf32, #tpu.memory_space<vmem_shared>>) target(%arg10 : memref<128x128xf32, #tpu.memory_space<vmem>>) target_semaphore(%run_scoped3A : memref<!tpu.dma_semaphore, #tpu.memory_space<semaphore_mem>>)
      %dma_wait3A_178 = arith.constant 0 : i32
      %dma_wait3A_179 = tpu.memref_slice %arg11[%add3A_96, %dma_wait3A_178] : memref<10112x128xf32, #tpu.memory_space<vmem_shared>> -> memref<128x128xf32, #tpu.memory_space<vmem_shared>>
      %dma_wait3A_180 = arith.constant 0 : i32
      %dma_wait3A_181 = tpu.memref_slice %arg11[%add3A_96, %dma_wait3A_180] : memref<10112x128xf32, #tpu.memory_space<vmem_shared>> -> memref<128x128xf32, #tpu.memory_space<vmem_shared>>
      tpu.wait_dma2 semaphore(%run_scoped3A : memref<!tpu.dma_semaphore, #tpu.memory_space<semaphore_mem>>) src(%dma_wait3A_181 : memref<128x128xf32, #tpu.memory_space<vmem_shared>>) dst(%arg10 : memref<128x128xf32, #tpu.memory_space<vmem>>)
      tpu.yield
    }) : () -> ()
    %dma_start3A_97 = arith.constant 0 : i32
    %dma_start3A_98 = tpu.memref_slice %arg6[%arg0, %add3A_96, %dma_start3A_97] : memref<2x10112x128xf32, #tpu.memory_space<hbm>> -> memref<1x128x128xf32, #tpu.memory_space<hbm>>
    %dma_start3A_99 = tpu.memref_squeeze %dma_start3A_98 : memref<1x128x128xf32, #tpu.memory_space<hbm>> -> memref<128x128xf32, #tpu.memory_space<hbm>>
    %dma_start3A_100 = arith.constant 0 : i32
    %dma_start3A_101 = tpu.memref_slice %arg6[%arg0, %add3A_96, %dma_start3A_100] : memref<2x10112x128xf32, #tpu.memory_space<hbm>> -> memref<1x128x128xf32, #tpu.memory_space<hbm>>
    %dma_start3A_102 = tpu.memref_squeeze %dma_start3A_101 : memref<1x128x128xf32, #tpu.memory_space<hbm>> -> memref<128x128xf32, #tpu.memory_space<hbm>>
    tpu.enqueue_dma source(%arg10 : memref<128x128xf32, #tpu.memory_space<vmem>>) target(%dma_start3A_102 : memref<128x128xf32, #tpu.memory_space<hbm>>) target_semaphore(%arg13 : memref<!tpu.dma_semaphore, #tpu.memory_space<semaphore_mem>>)
    %dma_wait3A = arith.constant 0 : i32
    %dma_wait3A_103 = tpu.memref_slice %arg6[%arg0, %add3A_86, %dma_wait3A] : memref<2x10112x128xf32, #tpu.memory_space<hbm>> -> memref<1x128x128xf32, #tpu.memory_space<hbm>>
    %dma_wait3A_104 = tpu.memref_squeeze %dma_wait3A_103 : memref<1x128x128xf32, #tpu.memory_space<hbm>> -> memref<128x128xf32, #tpu.memory_space<hbm>>
    %dma_wait3A_105 = arith.constant 0 : i32
    %dma_wait3A_106 = tpu.memref_slice %arg6[%arg0, %add3A_86, %dma_wait3A_105] : memref<2x10112x128xf32, #tpu.memory_space<hbm>> -> memref<1x128x128xf32, #tpu.memory_space<hbm>>
    %dma_wait3A_107 = tpu.memref_squeeze %dma_wait3A_106 : memref<1x128x128xf32, #tpu.memory_space<hbm>> -> memref<128x128xf32, #tpu.memory_space<hbm>>
    tpu.wait_dma2 semaphore(%arg12 : memref<!tpu.dma_semaphore, #tpu.memory_space<semaphore_mem>>) src(%arg9 : memref<128x128xf32, #tpu.memory_space<vmem>>) dst(%dma_wait3A_107 : memref<128x128xf32, #tpu.memory_space<hbm>>)
    %mul3A_108 = arith.constant 632 : i32
    %mul3A_109 = arith.muli %arg1, %mul3A_108 : i32
    %add3A_110 = arith.constant 256 : i32
    %add3A_111 = arith.addi %mul3A_109, %add3A_110 : i32
    "tpu.region"() ({
      %run_scoped3A = tpu.sem_alloc : memref<!tpu.dma_semaphore, #tpu.memory_space<semaphore_mem>>
      %dma_start3A_174 = arith.constant 0 : i32
      %dma_start3A_175 = tpu.memref_slice %arg11[%add3A_111, %dma_start3A_174] : memref<10112x128xf32, #tpu.memory_space<vmem_shared>> -> memref<128x128xf32, #tpu.memory_space<vmem_shared>>
      %dma_start3A_176 = arith.constant 0 : i32
      %dma_start3A_177 = tpu.memref_slice %arg11[%add3A_111, %dma_start3A_176] : memref<10112x128xf32, #tpu.memory_space<vmem_shared>> -> memref<128x128xf32, #tpu.memory_space<vmem_shared>>
      tpu.enqueue_dma source(%dma_start3A_177 : memref<128x128xf32, #tpu.memory_space<vmem_shared>>) target(%arg9 : memref<128x128xf32, #tpu.memory_space<vmem>>) target_semaphore(%run_scoped3A : memref<!tpu.dma_semaphore, #tpu.memory_space<semaphore_mem>>)
      %dma_wait3A_178 = arith.constant 0 : i32
      %dma_wait3A_179 = tpu.memref_slice %arg11[%add3A_111, %dma_wait3A_178] : memref<10112x128xf32, #tpu.memory_space<vmem_shared>> -> memref<128x128xf32, #tpu.memory_space<vmem_shared>>
      %dma_wait3A_180 = arith.constant 0 : i32
      %dma_wait3A_181 = tpu.memref_slice %arg11[%add3A_111, %dma_wait3A_180] : memref<10112x128xf32, #tpu.memory_space<vmem_shared>> -> memref<128x128xf32, #tpu.memory_space<vmem_shared>>
      tpu.wait_dma2 semaphore(%run_scoped3A : memref<!tpu.dma_semaphore, #tpu.memory_space<semaphore_mem>>) src(%dma_wait3A_181 : memref<128x128xf32, #tpu.memory_space<vmem_shared>>) dst(%arg9 : memref<128x128xf32, #tpu.memory_space<vmem>>)
      tpu.yield
    }) : () -> ()
    %dma_start3A_112 = arith.constant 0 : i32
    %dma_start3A_113 = tpu.memref_slice %arg6[%arg0, %add3A_111, %dma_start3A_112] : memref<2x10112x128xf32, #tpu.memory_space<hbm>> -> memref<1x128x128xf32, #tpu.memory_space<hbm>>
    %dma_start3A_114 = tpu.memref_squeeze %dma_start3A_113 : memref<1x128x128xf32, #tpu.memory_space<hbm>> -> memref<128x128xf32, #tpu.memory_space<hbm>>
    %dma_start3A_115 = arith.constant 0 : i32
    %dma_start3A_116 = tpu.memref_slice %arg6[%arg0, %add3A_111, %dma_start3A_115] : memref<2x10112x128xf32, #tpu.memory_space<hbm>> -> memref<1x128x128xf32, #tpu.memory_space<hbm>>
    %dma_start3A_117 = tpu.memref_squeeze %dma_start3A_116 : memref<1x128x128xf32, #tpu.memory_space<hbm>> -> memref<128x128xf32, #tpu.memory_space<hbm>>
    tpu.enqueue_dma source(%arg9 : memref<128x128xf32, #tpu.memory_space<vmem>>) target(%dma_start3A_117 : memref<128x128xf32, #tpu.memory_space<hbm>>) target_semaphore(%arg12 : memref<!tpu.dma_semaphore, #tpu.memory_space<semaphore_mem>>)
    %dma_wait3A_118 = arith.constant 0 : i32
    %dma_wait3A_119 = tpu.memref_slice %arg6[%arg0, %add3A_96, %dma_wait3A_118] : memref<2x10112x128xf32, #tpu.memory_space<hbm>> -> memref<1x128x128xf32, #tpu.memory_space<hbm>>
    %dma_wait3A_120 = tpu.memref_squeeze %dma_wait3A_119 : memref<1x128x128xf32, #tpu.memory_space<hbm>> -> memref<128x128xf32, #tpu.memory_space<hbm>>
    %dma_wait3A_121 = arith.constant 0 : i32
    %dma_wait3A_122 = tpu.memref_slice %arg6[%arg0, %add3A_96, %dma_wait3A_121] : memref<2x10112x128xf32, #tpu.memory_space<hbm>> -> memref<1x128x128xf32, #tpu.memory_space<hbm>>
    %dma_wait3A_123 = tpu.memref_squeeze %dma_wait3A_122 : memref<1x128x128xf32, #tpu.memory_space<hbm>> -> memref<128x128xf32, #tpu.memory_space<hbm>>
    tpu.wait_dma2 semaphore(%arg13 : memref<!tpu.dma_semaphore, #tpu.memory_space<semaphore_mem>>) src(%arg10 : memref<128x128xf32, #tpu.memory_space<vmem>>) dst(%dma_wait3A_123 : memref<128x128xf32, #tpu.memory_space<hbm>>)
    %mul3A_124 = arith.constant 632 : i32
    %mul3A_125 = arith.muli %arg1, %mul3A_124 : i32
    %add3A_126 = arith.constant 384 : i32
    %add3A_127 = arith.addi %mul3A_125, %add3A_126 : i32
    "tpu.region"() ({
      %run_scoped3A = tpu.sem_alloc : memref<!tpu.dma_semaphore, #tpu.memory_space<semaphore_mem>>
      %dma_start3A_174 = arith.constant 0 : i32
      %dma_start3A_175 = tpu.memref_slice %arg11[%add3A_127, %dma_start3A_174] : memref<10112x128xf32, #tpu.memory_space<vmem_shared>> -> memref<128x128xf32, #tpu.memory_space<vmem_shared>>
      %dma_start3A_176 = arith.constant 0 : i32
      %dma_start3A_177 = tpu.memref_slice %arg11[%add3A_127, %dma_start3A_176] : memref<10112x128xf32, #tpu.memory_space<vmem_shared>> -> memref<128x128xf32, #tpu.memory_space<vmem_shared>>
      tpu.enqueue_dma source(%dma_start3A_177 : memref<128x128xf32, #tpu.memory_space<vmem_shared>>) target(%arg10 : memref<128x128xf32, #tpu.memory_space<vmem>>) target_semaphore(%run_scoped3A : memref<!tpu.dma_semaphore, #tpu.memory_space<semaphore_mem>>)
      %dma_wait3A_178 = arith.constant 0 : i32
      %dma_wait3A_179 = tpu.memref_slice %arg11[%add3A_127, %dma_wait3A_178] : memref<10112x128xf32, #tpu.memory_space<vmem_shared>> -> memref<128x128xf32, #tpu.memory_space<vmem_shared>>
      %dma_wait3A_180 = arith.constant 0 : i32
      %dma_wait3A_181 = tpu.memref_slice %arg11[%add3A_127, %dma_wait3A_180] : memref<10112x128xf32, #tpu.memory_space<vmem_shared>> -> memref<128x128xf32, #tpu.memory_space<vmem_shared>>
      tpu.wait_dma2 semaphore(%run_scoped3A : memref<!tpu.dma_semaphore, #tpu.memory_space<semaphore_mem>>) src(%dma_wait3A_181 : memref<128x128xf32, #tpu.memory_space<vmem_shared>>) dst(%arg10 : memref<128x128xf32, #tpu.memory_space<vmem>>)
      tpu.yield
    }) : () -> ()
    %dma_start3A_128 = arith.constant 0 : i32
    %dma_start3A_129 = tpu.memref_slice %arg6[%arg0, %add3A_127, %dma_start3A_128] : memref<2x10112x128xf32, #tpu.memory_space<hbm>> -> memref<1x128x128xf32, #tpu.memory_space<hbm>>
    %dma_start3A_130 = tpu.memref_squeeze %dma_start3A_129 : memref<1x128x128xf32, #tpu.memory_space<hbm>> -> memref<128x128xf32, #tpu.memory_space<hbm>>
    %dma_start3A_131 = arith.constant 0 : i32
    %dma_start3A_132 = tpu.memref_slice %arg6[%arg0, %add3A_127, %dma_start3A_131] : memref<2x10112x128xf32, #tpu.memory_space<hbm>> -> memref<1x128x128xf32, #tpu.memory_space<hbm>>
    %dma_start3A_133 = tpu.memref_squeeze %dma_start3A_132 : memref<1x128x128xf32, #tpu.memory_space<hbm>> -> memref<128x128xf32, #tpu.memory_space<hbm>>
    tpu.enqueue_dma source(%arg10 : memref<128x128xf32, #tpu.memory_space<vmem>>) target(%dma_start3A_133 : memref<128x128xf32, #tpu.memory_space<hbm>>) target_semaphore(%arg13 : memref<!tpu.dma_semaphore, #tpu.memory_space<semaphore_mem>>)
    %dma_wait3A_134 = arith.constant 0 : i32
    %dma_wait3A_135 = tpu.memref_slice %arg6[%arg0, %add3A_111, %dma_wait3A_134] : memref<2x10112x128xf32, #tpu.memory_space<hbm>> -> memref<1x128x128xf32, #tpu.memory_space<hbm>>
    %dma_wait3A_136 = tpu.memref_squeeze %dma_wait3A_135 : memref<1x128x128xf32, #tpu.memory_space<hbm>> -> memref<128x128xf32, #tpu.memory_space<hbm>>
    %dma_wait3A_137 = arith.constant 0 : i32
    %dma_wait3A_138 = tpu.memref_slice %arg6[%arg0, %add3A_111, %dma_wait3A_137] : memref<2x10112x128xf32, #tpu.memory_space<hbm>> -> memref<1x128x128xf32, #tpu.memory_space<hbm>>
    %dma_wait3A_139 = tpu.memref_squeeze %dma_wait3A_138 : memref<1x128x128xf32, #tpu.memory_space<hbm>> -> memref<128x128xf32, #tpu.memory_space<hbm>>
    tpu.wait_dma2 semaphore(%arg12 : memref<!tpu.dma_semaphore, #tpu.memory_space<semaphore_mem>>) src(%arg9 : memref<128x128xf32, #tpu.memory_space<vmem>>) dst(%dma_wait3A_139 : memref<128x128xf32, #tpu.memory_space<hbm>>)
    %mul3A_140 = arith.constant 632 : i32
    %mul3A_141 = arith.muli %arg1, %mul3A_140 : i32
    %add3A_142 = arith.constant 512 : i32
    %add3A_143 = arith.addi %mul3A_141, %add3A_142 : i32
    "tpu.region"() ({
      %run_scoped3A = tpu.sem_alloc : memref<!tpu.dma_semaphore, #tpu.memory_space<semaphore_mem>>
      %dma_start3A_174 = arith.constant 0 : i32
      %dma_start3A_175 = arith.constant 0 : i32
      %dma_start3A_176 = tpu.memref_slice %arg9[%dma_start3A_174, %dma_start3A_175] : memref<128x128xf32, #tpu.memory_space<vmem>> -> memref<120x128xf32, #tpu.memory_space<vmem>>
      %dma_start3A_177 = arith.constant 0 : i32
      %dma_start3A_178 = tpu.memref_slice %arg11[%add3A_143, %dma_start3A_177] : memref<10112x128xf32, #tpu.memory_space<vmem_shared>> -> memref<120x128xf32, #tpu.memory_space<vmem_shared>>
      %dma_start3A_179 = arith.constant 0 : i32
      %dma_start3A_180 = arith.constant 0 : i32
      %dma_start3A_181 = tpu.memref_slice %arg9[%dma_start3A_179, %dma_start3A_180] : memref<128x128xf32, #tpu.memory_space<vmem>> -> memref<120x128xf32, #tpu.memory_space<vmem>>
      %dma_start3A_182 = arith.constant 0 : i32
      %dma_start3A_183 = tpu.memref_slice %arg11[%add3A_143, %dma_start3A_182] : memref<10112x128xf32, #tpu.memory_space<vmem_shared>> -> memref<120x128xf32, #tpu.memory_space<vmem_shared>>
      tpu.enqueue_dma source(%dma_start3A_183 : memref<120x128xf32, #tpu.memory_space<vmem_shared>>) target(%dma_start3A_181 : memref<120x128xf32, #tpu.memory_space<vmem>>) target_semaphore(%run_scoped3A : memref<!tpu.dma_semaphore, #tpu.memory_space<semaphore_mem>>)
      %dma_wait3A_184 = arith.constant 0 : i32
      %dma_wait3A_185 = arith.constant 0 : i32
      %dma_wait3A_186 = tpu.memref_slice %arg9[%dma_wait3A_184, %dma_wait3A_185] : memref<128x128xf32, #tpu.memory_space<vmem>> -> memref<120x128xf32, #tpu.memory_space<vmem>>
      %dma_wait3A_187 = arith.constant 0 : i32
      %dma_wait3A_188 = tpu.memref_slice %arg11[%add3A_143, %dma_wait3A_187] : memref<10112x128xf32, #tpu.memory_space<vmem_shared>> -> memref<120x128xf32, #tpu.memory_space<vmem_shared>>
      %dma_wait3A_189 = arith.constant 0 : i32
      %dma_wait3A_190 = arith.constant 0 : i32
      %dma_wait3A_191 = tpu.memref_slice %arg9[%dma_wait3A_189, %dma_wait3A_190] : memref<128x128xf32, #tpu.memory_space<vmem>> -> memref<120x128xf32, #tpu.memory_space<vmem>>
      %dma_wait3A_192 = arith.constant 0 : i32
      %dma_wait3A_193 = tpu.memref_slice %arg11[%add3A_143, %dma_wait3A_192] : memref<10112x128xf32, #tpu.memory_space<vmem_shared>> -> memref<120x128xf32, #tpu.memory_space<vmem_shared>>
      tpu.wait_dma2 semaphore(%run_scoped3A : memref<!tpu.dma_semaphore, #tpu.memory_space<semaphore_mem>>) src(%dma_wait3A_193 : memref<120x128xf32, #tpu.memory_space<vmem_shared>>) dst(%dma_wait3A_191 : memref<120x128xf32, #tpu.memory_space<vmem>>)
      tpu.yield
    }) : () -> ()
    %dma_start3A_144 = arith.constant 0 : i32
    %dma_start3A_145 = arith.constant 0 : i32
    %dma_start3A_146 = tpu.memref_slice %arg9[%dma_start3A_144, %dma_start3A_145] : memref<128x128xf32, #tpu.memory_space<vmem>> -> memref<120x128xf32, #tpu.memory_space<vmem>>
    %dma_start3A_147 = arith.constant 0 : i32
    %dma_start3A_148 = tpu.memref_slice %arg6[%arg0, %add3A_143, %dma_start3A_147] : memref<2x10112x128xf32, #tpu.memory_space<hbm>> -> memref<1x120x128xf32, #tpu.memory_space<hbm>>
    %dma_start3A_149 = tpu.memref_squeeze %dma_start3A_148 : memref<1x120x128xf32, #tpu.memory_space<hbm>> -> memref<120x128xf32, #tpu.memory_space<hbm>>
    %dma_start3A_150 = arith.constant 0 : i32
    %dma_start3A_151 = tpu.memref_slice %arg6[%arg0, %add3A_143, %dma_start3A_150] : memref<2x10112x128xf32, #tpu.memory_space<hbm>> -> memref<1x120x128xf32, #tpu.memory_space<hbm>>
    %dma_start3A_152 = tpu.memref_squeeze %dma_start3A_151 : memref<1x120x128xf32, #tpu.memory_space<hbm>> -> memref<120x128xf32, #tpu.memory_space<hbm>>
    %dma_start3A_153 = arith.constant 0 : i32
    %dma_start3A_154 = arith.constant 0 : i32
    %dma_start3A_155 = tpu.memref_slice %arg9[%dma_start3A_153, %dma_start3A_154] : memref<128x128xf32, #tpu.memory_space<vmem>> -> memref<120x128xf32, #tpu.memory_space<vmem>>
    tpu.enqueue_dma source(%dma_start3A_155 : memref<120x128xf32, #tpu.memory_space<vmem>>) target(%dma_start3A_152 : memref<120x128xf32, #tpu.memory_space<hbm>>) target_semaphore(%arg12 : memref<!tpu.dma_semaphore, #tpu.memory_space<semaphore_mem>>)
    %dma_wait3A_156 = arith.constant 0 : i32
    %dma_wait3A_157 = arith.constant 0 : i32
    %dma_wait3A_158 = tpu.memref_slice %arg9[%dma_wait3A_156, %dma_wait3A_157] : memref<128x128xf32, #tpu.memory_space<vmem>> -> memref<120x128xf32, #tpu.memory_space<vmem>>
    %dma_wait3A_159 = arith.constant 0 : i32
    %dma_wait3A_160 = tpu.memref_slice %arg6[%arg0, %add3A_143, %dma_wait3A_159] : memref<2x10112x128xf32, #tpu.memory_space<hbm>> -> memref<1x120x128xf32, #tpu.memory_space<hbm>>
    %dma_wait3A_161 = tpu.memref_squeeze %dma_wait3A_160 : memref<1x120x128xf32, #tpu.memory_space<hbm>> -> memref<120x128xf32, #tpu.memory_space<hbm>>
    %dma_wait3A_162 = arith.constant 0 : i32
    %dma_wait3A_163 = tpu.memref_slice %arg6[%arg0, %add3A_143, %dma_wait3A_162] : memref<2x10112x128xf32, #tpu.memory_space<hbm>> -> memref<1x120x128xf32, #tpu.memory_space<hbm>>
    %dma_wait3A_164 = tpu.memref_squeeze %dma_wait3A_163 : memref<1x120x128xf32, #tpu.memory_space<hbm>> -> memref<120x128xf32, #tpu.memory_space<hbm>>
    %dma_wait3A_165 = arith.constant 0 : i32
    %dma_wait3A_166 = arith.constant 0 : i32
    %dma_wait3A_167 = tpu.memref_slice %arg9[%dma_wait3A_165, %dma_wait3A_166] : memref<128x128xf32, #tpu.memory_space<vmem>> -> memref<120x128xf32, #tpu.memory_space<vmem>>
    tpu.wait_dma2 semaphore(%arg12 : memref<!tpu.dma_semaphore, #tpu.memory_space<semaphore_mem>>) src(%dma_wait3A_167 : memref<120x128xf32, #tpu.memory_space<vmem>>) dst(%dma_wait3A_164 : memref<120x128xf32, #tpu.memory_space<hbm>>)
    %dma_wait3A_168 = arith.constant 0 : i32
    %dma_wait3A_169 = tpu.memref_slice %arg6[%arg0, %add3A_127, %dma_wait3A_168] : memref<2x10112x128xf32, #tpu.memory_space<hbm>> -> memref<1x128x128xf32, #tpu.memory_space<hbm>>
    %dma_wait3A_170 = tpu.memref_squeeze %dma_wait3A_169 : memref<1x128x128xf32, #tpu.memory_space<hbm>> -> memref<128x128xf32, #tpu.memory_space<hbm>>
    %dma_wait3A_171 = arith.constant 0 : i32
    %dma_wait3A_172 = tpu.memref_slice %arg6[%arg0, %add3A_127, %dma_wait3A_171] : memref<2x10112x128xf32, #tpu.memory_space<hbm>> -> memref<1x128x128xf32, #tpu.memory_space<hbm>>
    %dma_wait3A_173 = tpu.memref_squeeze %dma_wait3A_172 : memref<1x128x128xf32, #tpu.memory_space<hbm>> -> memref<128x128xf32, #tpu.memory_space<hbm>>
    tpu.wait_dma2 semaphore(%arg13 : memref<!tpu.dma_semaphore, #tpu.memory_space<semaphore_mem>>) src(%arg10 : memref<128x128xf32, #tpu.memory_space<vmem>>) dst(%dma_wait3A_173 : memref<128x128xf32, #tpu.memory_space<hbm>>)
    "tpu.trace_stop"() : () -> ()
    return
  }
}

#map = affine_map<(d0, d1) -> (0, 0)>
#map1 = affine_map<(d0, d1) -> (0, 0, 0)>
module attributes {stable_mosaic.version = 14 : i64} {
  func.func @_sc_agg(%arg0: i32, %arg1: i32, %arg2: memref<10016x128xf32, #tpu.memory_space<hbm>>, %arg3: memref<2x2500x128xi32, #tpu.memory_space<hbm>>, %arg4: memref<2x40x128xi32, #tpu.memory_space<hbm>>, %arg5: memref<2x40x128xi32, #tpu.memory_space<hbm>>, %arg6: memref<2x10112x128xf32, #tpu.memory_space<hbm>>, %arg7: memref<40x128xi32, #tpu.memory_space<vmem>>, %arg8: memref<40x128xi32, #tpu.memory_space<vmem>>, %arg9: memref<128x128xf32, #tpu.memory_space<vmem>>, %arg10: memref<128x128xf32, #tpu.memory_space<vmem>>, %arg11: memref<10112x128xf32, #tpu.memory_space<vmem_shared>>, %arg12: memref<!tpu.dma_semaphore, #tpu.memory_space<semaphore_mem>>, %arg13: memref<!tpu.dma_semaphore, #tpu.memory_space<semaphore_mem>>) attributes {dimension_semantics = [#tpu.dimension_semantics<core_parallel>, #tpu.dimension_semantics<subcore_parallel>], iteration_bounds = array<i64: 2, 16>, scalar_prefetch = 0 : i64, scratch_operands = 7 : i64, tpu.core_type = #tpu.core_type<sc_vector_subcore>, window_params = [{transform_indices = #map}, {transform_indices = #map1}, {transform_indices = #map1}, {transform_indices = #map1}, {transform_indices = #map1}]} {
    %mul3A = arith.constant 16 : i32
    %mul3A_0 = arith.muli %arg0, %mul3A : i32
    %add3A = arith.addi %mul3A_0, %arg1 : i32
    %broadcast_in_dim3A = arith.constant 0.000000e+00 : f32
    "tpu.trace_start"() <{level = 10 : i32, message = "zero_phase"}> : () -> ()
    %broadcast_in_dim3A_1 = vector.broadcast %broadcast_in_dim3A : f32 to vector<16xf32>
    %scan3A = arith.constant 0 : i32
    %scan3A_2 = arith.constant 0 : i32
    %scan3A_3 = arith.constant 128 : i32
    %scan3A_4 = arith.addi %scan3A_2, %scan3A_3 : i32
    %scan3A_5 = arith.constant 1 : i32
    scf.for %scan3A_174 = %scan3A_2 to %scan3A_4 step %scan3A_5  : i32 {
      %swap3A = arith.index_cast %scan3A_174 : i32 to index
      %swap3A_175 = arith.constant 0 : index
      %swap3A_176 = tpu.vector_load %arg9[%swap3A, %swap3A_175] {strides = array<i32>} : memref<128x128xf32, #tpu.memory_space<vmem>>, vector<1x16xf32>,
      %swap3A_177 = vector.shape_cast %swap3A_176 : vector<1x16xf32> to vector<16xf32>
      %swap3A_178 = vector.shape_cast %broadcast_in_dim3A_1 : vector<16xf32> to vector<1x16xf32>
      tpu.vector_store %arg9[%swap3A, %swap3A_175], %swap3A_178 {strides = array<i32>} : memref<128x128xf32, #tpu.memory_space<vmem>>, vector<1x16xf32>,
      %swap3A_179 = arith.index_cast %scan3A_174 : i32 to index
      %swap3A_180 = arith.constant 16 : index
      %swap3A_181 = tpu.vector_load %arg9[%swap3A_179, %swap3A_180] {strides = array<i32>} : memref<128x128xf32, #tpu.memory_space<vmem>>, vector<1x16xf32>,
      %swap3A_182 = vector.shape_cast %swap3A_181 : vector<1x16xf32> to vector<16xf32>
      %swap3A_183 = vector.shape_cast %broadcast_in_dim3A_1 : vector<16xf32> to vector<1x16xf32>
      tpu.vector_store %arg9[%swap3A_179, %swap3A_180], %swap3A_183 {strides = array<i32>} : memref<128x128xf32, #tpu.memory_space<vmem>>, vector<1x16xf32>,
      %swap3A_184 = arith.index_cast %scan3A_174 : i32 to index
      %swap3A_185 = arith.constant 32 : index
      %swap3A_186 = tpu.vector_load %arg9[%swap3A_184, %swap3A_185] {strides = array<i32>} : memref<128x128xf32, #tpu.memory_space<vmem>>, vector<1x16xf32>,
      %swap3A_187 = vector.shape_cast %swap3A_186 : vector<1x16xf32> to vector<16xf32>
      %swap3A_188 = vector.shape_cast %broadcast_in_dim3A_1 : vector<16xf32> to vector<1x16xf32>
      tpu.vector_store %arg9[%swap3A_184, %swap3A_185], %swap3A_188 {strides = array<i32>} : memref<128x128xf32, #tpu.memory_space<vmem>>, vector<1x16xf32>,
      %swap3A_189 = arith.index_cast %scan3A_174 : i32 to index
      %swap3A_190 = arith.constant 48 : index
      %swap3A_191 = tpu.vector_load %arg9[%swap3A_189, %swap3A_190] {strides = array<i32>} : memref<128x128xf32, #tpu.memory_space<vmem>>, vector<1x16xf32>,
      %swap3A_192 = vector.shape_cast %swap3A_191 : vector<1x16xf32> to vector<16xf32>
      %swap3A_193 = vector.shape_cast %broadcast_in_dim3A_1 : vector<16xf32> to vector<1x16xf32>
      tpu.vector_store %arg9[%swap3A_189, %swap3A_190], %swap3A_193 {strides = array<i32>} : memref<128x128xf32, #tpu.memory_space<vmem>>, vector<1x16xf32>,
      %swap3A_194 = arith.index_cast %scan3A_174 : i32 to index
      %swap3A_195 = arith.constant 64 : index
      %swap3A_196 = tpu.vector_load %arg9[%swap3A_194, %swap3A_195] {strides = array<i32>} : memref<128x128xf32, #tpu.memory_space<vmem>>, vector<1x16xf32>,
      %swap3A_197 = vector.shape_cast %swap3A_196 : vector<1x16xf32> to vector<16xf32>
      %swap3A_198 = vector.shape_cast %broadcast_in_dim3A_1 : vector<16xf32> to vector<1x16xf32>
      tpu.vector_store %arg9[%swap3A_194, %swap3A_195], %swap3A_198 {strides = array<i32>} : memref<128x128xf32, #tpu.memory_space<vmem>>, vector<1x16xf32>,
      %swap3A_199 = arith.index_cast %scan3A_174 : i32 to index
      %swap3A_200 = arith.constant 80 : index
      %swap3A_201 = tpu.vector_load %arg9[%swap3A_199, %swap3A_200] {strides = array<i32>} : memref<128x128xf32, #tpu.memory_space<vmem>>, vector<1x16xf32>,
      %swap3A_202 = vector.shape_cast %swap3A_201 : vector<1x16xf32> to vector<16xf32>
      %swap3A_203 = vector.shape_cast %broadcast_in_dim3A_1 : vector<16xf32> to vector<1x16xf32>
      tpu.vector_store %arg9[%swap3A_199, %swap3A_200], %swap3A_203 {strides = array<i32>} : memref<128x128xf32, #tpu.memory_space<vmem>>, vector<1x16xf32>,
      %swap3A_204 = arith.index_cast %scan3A_174 : i32 to index
      %swap3A_205 = arith.constant 96 : index
      %swap3A_206 = tpu.vector_load %arg9[%swap3A_204, %swap3A_205] {strides = array<i32>} : memref<128x128xf32, #tpu.memory_space<vmem>>, vector<1x16xf32>,
      %swap3A_207 = vector.shape_cast %swap3A_206 : vector<1x16xf32> to vector<16xf32>
      %swap3A_208 = vector.shape_cast %broadcast_in_dim3A_1 : vector<16xf32> to vector<1x16xf32>
      tpu.vector_store %arg9[%swap3A_204, %swap3A_205], %swap3A_208 {strides = array<i32>} : memref<128x128xf32, #tpu.memory_space<vmem>>, vector<1x16xf32>,
      %swap3A_209 = arith.index_cast %scan3A_174 : i32 to index
      %swap3A_210 = arith.constant 112 : index
      %swap3A_211 = tpu.vector_load %arg9[%swap3A_209, %swap3A_210] {strides = array<i32>} : memref<128x128xf32, #tpu.memory_space<vmem>>, vector<1x16xf32>,
      %swap3A_212 = vector.shape_cast %swap3A_211 : vector<1x16xf32> to vector<16xf32>
      %swap3A_213 = vector.shape_cast %broadcast_in_dim3A_1 : vector<16xf32> to vector<1x16xf32>
      tpu.vector_store %arg9[%swap3A_209, %swap3A_210], %swap3A_213 {strides = array<i32>} : memref<128x128xf32, #tpu.memory_space<vmem>>, vector<1x16xf32>,
    }
    %scan3A_6 = arith.constant 128 : i32
    %mul3A_7 = arith.constant 632 : i32
    %mul3A_8 = arith.muli %arg1, %mul3A_7 : i32
    %add3A_9 = arith.constant 0 : i32
    %add3A_10 = arith.addi %mul3A_8, %add3A_9 : i32
    "tpu.region"() ({
      %run_scoped3A = tpu.sem_alloc : memref<!tpu.dma_semaphore, #tpu.memory_space<semaphore_mem>>
      %dma_start3A_174 = arith.constant 0 : i32
      %dma_start3A_175 = tpu.memref_slice %arg11[%add3A_10, %dma_start3A_174] : memref<10112x128xf32, #tpu.memory_space<vmem_shared>> -> memref<128x128xf32, #tpu.memory_space<vmem_shared>>
      %dma_start3A_176 = arith.constant 0 : i32
      %dma_start3A_177 = tpu.memref_slice %arg11[%add3A_10, %dma_start3A_176] : memref<10112x128xf32, #tpu.memory_space<vmem_shared>> -> memref<128x128xf32, #tpu.memory_space<vmem_shared>>
      tpu.enqueue_dma source(%arg9 : memref<128x128xf32, #tpu.memory_space<vmem>>) target(%dma_start3A_177 : memref<128x128xf32, #tpu.memory_space<vmem_shared>>) target_semaphore(%run_scoped3A : memref<!tpu.dma_semaphore, #tpu.memory_space<semaphore_mem>>)
      %dma_wait3A_178 = arith.constant 0 : i32
      %dma_wait3A_179 = tpu.memref_slice %arg11[%add3A_10, %dma_wait3A_178] : memref<10112x128xf32, #tpu.memory_space<vmem_shared>> -> memref<128x128xf32, #tpu.memory_space<vmem_shared>>
      %dma_wait3A_180 = arith.constant 0 : i32
      %dma_wait3A_181 = tpu.memref_slice %arg11[%add3A_10, %dma_wait3A_180] : memref<10112x128xf32, #tpu.memory_space<vmem_shared>> -> memref<128x128xf32, #tpu.memory_space<vmem_shared>>
      tpu.wait_dma2 semaphore(%run_scoped3A : memref<!tpu.dma_semaphore, #tpu.memory_space<semaphore_mem>>) src(%arg9 : memref<128x128xf32, #tpu.memory_space<vmem>>) dst(%dma_wait3A_181 : memref<128x128xf32, #tpu.memory_space<vmem_shared>>)
      tpu.yield
    }) : () -> ()
    %mul3A_11 = arith.constant 632 : i32
    %mul3A_12 = arith.muli %arg1, %mul3A_11 : i32
    %add3A_13 = arith.constant 128 : i32
    %add3A_14 = arith.addi %mul3A_12, %add3A_13 : i32
    "tpu.region"() ({
      %run_scoped3A = tpu.sem_alloc : memref<!tpu.dma_semaphore, #tpu.memory_space<semaphore_mem>>
      %dma_start3A_174 = arith.constant 0 : i32
      %dma_start3A_175 = tpu.memref_slice %arg11[%add3A_14, %dma_start3A_174] : memref<10112x128xf32, #tpu.memory_space<vmem_shared>> -> memref<128x128xf32, #tpu.memory_space<vmem_shared>>
      %dma_start3A_176 = arith.constant 0 : i32
      %dma_start3A_177 = tpu.memref_slice %arg11[%add3A_14, %dma_start3A_176] : memref<10112x128xf32, #tpu.memory_space<vmem_shared>> -> memref<128x128xf32, #tpu.memory_space<vmem_shared>>
      tpu.enqueue_dma source(%arg9 : memref<128x128xf32, #tpu.memory_space<vmem>>) target(%dma_start3A_177 : memref<128x128xf32, #tpu.memory_space<vmem_shared>>) target_semaphore(%run_scoped3A : memref<!tpu.dma_semaphore, #tpu.memory_space<semaphore_mem>>)
      %dma_wait3A_178 = arith.constant 0 : i32
      %dma_wait3A_179 = tpu.memref_slice %arg11[%add3A_14, %dma_wait3A_178] : memref<10112x128xf32, #tpu.memory_space<vmem_shared>> -> memref<128x128xf32, #tpu.memory_space<vmem_shared>>
      %dma_wait3A_180 = arith.constant 0 : i32
      %dma_wait3A_181 = tpu.memref_slice %arg11[%add3A_14, %dma_wait3A_180] : memref<10112x128xf32, #tpu.memory_space<vmem_shared>> -> memref<128x128xf32, #tpu.memory_space<vmem_shared>>
      tpu.wait_dma2 semaphore(%run_scoped3A : memref<!tpu.dma_semaphore, #tpu.memory_space<semaphore_mem>>) src(%arg9 : memref<128x128xf32, #tpu.memory_space<vmem>>) dst(%dma_wait3A_181 : memref<128x128xf32, #tpu.memory_space<vmem_shared>>)
      tpu.yield
    }) : () -> ()
    %mul3A_15 = arith.constant 632 : i32
    %mul3A_16 = arith.muli %arg1, %mul3A_15 : i32
    %add3A_17 = arith.constant 256 : i32
    %add3A_18 = arith.addi %mul3A_16, %add3A_17 : i32
    "tpu.region"() ({
      %run_scoped3A = tpu.sem_alloc : memref<!tpu.dma_semaphore, #tpu.memory_space<semaphore_mem>>
      %dma_start3A_174 = arith.constant 0 : i32
      %dma_start3A_175 = tpu.memref_slice %arg11[%add3A_18, %dma_start3A_174] : memref<10112x128xf32, #tpu.memory_space<vmem_shared>> -> memref<128x128xf32, #tpu.memory_space<vmem_shared>>
      %dma_start3A_176 = arith.constant 0 : i32
      %dma_start3A_177 = tpu.memref_slice %arg11[%add3A_18, %dma_start3A_176] : memref<10112x128xf32, #tpu.memory_space<vmem_shared>> -> memref<128x128xf32, #tpu.memory_space<vmem_shared>>
      tpu.enqueue_dma source(%arg9 : memref<128x128xf32, #tpu.memory_space<vmem>>) target(%dma_start3A_177 : memref<128x128xf32, #tpu.memory_space<vmem_shared>>) target_semaphore(%run_scoped3A : memref<!tpu.dma_semaphore, #tpu.memory_space<semaphore_mem>>)
      %dma_wait3A_178 = arith.constant 0 : i32
      %dma_wait3A_179 = tpu.memref_slice %arg11[%add3A_18, %dma_wait3A_178] : memref<10112x128xf32, #tpu.memory_space<vmem_shared>> -> memref<128x128xf32, #tpu.memory_space<vmem_shared>>
      %dma_wait3A_180 = arith.constant 0 : i32
      %dma_wait3A_181 = tpu.memref_slice %arg11[%add3A_18, %dma_wait3A_180] : memref<10112x128xf32, #tpu.memory_space<vmem_shared>> -> memref<128x128xf32, #tpu.memory_space<vmem_shared>>
      tpu.wait_dma2 semaphore(%run_scoped3A : memref<!tpu.dma_semaphore, #tpu.memory_space<semaphore_mem>>) src(%arg9 : memref<128x128xf32, #tpu.memory_space<vmem>>) dst(%dma_wait3A_181 : memref<128x128xf32, #tpu.memory_space<vmem_shared>>)
      tpu.yield
    }) : () -> ()
    %mul3A_19 = arith.constant 632 : i32
    %mul3A_20 = arith.muli %arg1, %mul3A_19 : i32
    %add3A_21 = arith.constant 384 : i32
    %add3A_22 = arith.addi %mul3A_20, %add3A_21 : i32
    "tpu.region"() ({
      %run_scoped3A = tpu.sem_alloc : memref<!tpu.dma_semaphore, #tpu.memory_space<semaphore_mem>>
      %dma_start3A_174 = arith.constant 0 : i32
      %dma_start3A_175 = tpu.memref_slice %arg11[%add3A_22, %dma_start3A_174] : memref<10112x128xf32, #tpu.memory_space<vmem_shared>> -> memref<128x128xf32, #tpu.memory_space<vmem_shared>>
      %dma_start3A_176 = arith.constant 0 : i32
      %dma_start3A_177 = tpu.memref_slice %arg11[%add3A_22, %dma_start3A_176] : memref<10112x128xf32, #tpu.memory_space<vmem_shared>> -> memref<128x128xf32, #tpu.memory_space<vmem_shared>>
      tpu.enqueue_dma source(%arg9 : memref<128x128xf32, #tpu.memory_space<vmem>>) target(%dma_start3A_177 : memref<128x128xf32, #tpu.memory_space<vmem_shared>>) target_semaphore(%run_scoped3A : memref<!tpu.dma_semaphore, #tpu.memory_space<semaphore_mem>>)
      %dma_wait3A_178 = arith.constant 0 : i32
      %dma_wait3A_179 = tpu.memref_slice %arg11[%add3A_22, %dma_wait3A_178] : memref<10112x128xf32, #tpu.memory_space<vmem_shared>> -> memref<128x128xf32, #tpu.memory_space<vmem_shared>>
      %dma_wait3A_180 = arith.constant 0 : i32
      %dma_wait3A_181 = tpu.memref_slice %arg11[%add3A_22, %dma_wait3A_180] : memref<10112x128xf32, #tpu.memory_space<vmem_shared>> -> memref<128x128xf32, #tpu.memory_space<vmem_shared>>
      tpu.wait_dma2 semaphore(%run_scoped3A : memref<!tpu.dma_semaphore, #tpu.memory_space<semaphore_mem>>) src(%arg9 : memref<128x128xf32, #tpu.memory_space<vmem>>) dst(%dma_wait3A_181 : memref<128x128xf32, #tpu.memory_space<vmem_shared>>)
      tpu.yield
    }) : () -> ()
    %mul3A_23 = arith.constant 632 : i32
    %mul3A_24 = arith.muli %arg1, %mul3A_23 : i32
    %add3A_25 = arith.constant 512 : i32
    %add3A_26 = arith.addi %mul3A_24, %add3A_25 : i32
    "tpu.region"() ({
      %run_scoped3A = tpu.sem_alloc : memref<!tpu.dma_semaphore, #tpu.memory_space<semaphore_mem>>
      %dma_start3A_174 = arith.constant 0 : i32
      %dma_start3A_175 = arith.constant 0 : i32
      %dma_start3A_176 = tpu.memref_slice %arg9[%dma_start3A_174, %dma_start3A_175] : memref<128x128xf32, #tpu.memory_space<vmem>> -> memref<120x128xf32, #tpu.memory_space<vmem>>
      %dma_start3A_177 = arith.constant 0 : i32
      %dma_start3A_178 = tpu.memref_slice %arg11[%add3A_26, %dma_start3A_177] : memref<10112x128xf32, #tpu.memory_space<vmem_shared>> -> memref<120x128xf32, #tpu.memory_space<vmem_shared>>
      %dma_start3A_179 = arith.constant 0 : i32
      %dma_start3A_180 = tpu.memref_slice %arg11[%add3A_26, %dma_start3A_179] : memref<10112x128xf32, #tpu.memory_space<vmem_shared>> -> memref<120x128xf32, #tpu.memory_space<vmem_shared>>
      %dma_start3A_181 = arith.constant 0 : i32
      %dma_start3A_182 = arith.constant 0 : i32
      %dma_start3A_183 = tpu.memref_slice %arg9[%dma_start3A_181, %dma_start3A_182] : memref<128x128xf32, #tpu.memory_space<vmem>> -> memref<120x128xf32, #tpu.memory_space<vmem>>
      tpu.enqueue_dma source(%dma_start3A_183 : memref<120x128xf32, #tpu.memory_space<vmem>>) target(%dma_start3A_180 : memref<120x128xf32, #tpu.memory_space<vmem_shared>>) target_semaphore(%run_scoped3A : memref<!tpu.dma_semaphore, #tpu.memory_space<semaphore_mem>>)
      %dma_wait3A_184 = arith.constant 0 : i32
      %dma_wait3A_185 = arith.constant 0 : i32
      %dma_wait3A_186 = tpu.memref_slice %arg9[%dma_wait3A_184, %dma_wait3A_185] : memref<128x128xf32, #tpu.memory_space<vmem>> -> memref<120x128xf32, #tpu.memory_space<vmem>>
      %dma_wait3A_187 = arith.constant 0 : i32
      %dma_wait3A_188 = tpu.memref_slice %arg11[%add3A_26, %dma_wait3A_187] : memref<10112x128xf32, #tpu.memory_space<vmem_shared>> -> memref<120x128xf32, #tpu.memory_space<vmem_shared>>
      %dma_wait3A_189 = arith.constant 0 : i32
      %dma_wait3A_190 = tpu.memref_slice %arg11[%add3A_26, %dma_wait3A_189] : memref<10112x128xf32, #tpu.memory_space<vmem_shared>> -> memref<120x128xf32, #tpu.memory_space<vmem_shared>>
      %dma_wait3A_191 = arith.constant 0 : i32
      %dma_wait3A_192 = arith.constant 0 : i32
      %dma_wait3A_193 = tpu.memref_slice %arg9[%dma_wait3A_191, %dma_wait3A_192] : memref<128x128xf32, #tpu.memory_space<vmem>> -> memref<120x128xf32, #tpu.memory_space<vmem>>
      tpu.wait_dma2 semaphore(%run_scoped3A : memref<!tpu.dma_semaphore, #tpu.memory_space<semaphore_mem>>) src(%dma_wait3A_193 : memref<120x128xf32, #tpu.memory_space<vmem>>) dst(%dma_wait3A_190 : memref<120x128xf32, #tpu.memory_space<vmem_shared>>)
      tpu.yield
    }) : () -> ()
    %barrier3A = arith.constant 0 : index
    tpu.barrier barrier_id(%barrier3A)
    %lt3A = arith.constant 31 : i32
    "tpu.trace_stop"() : () -> ()
    "tpu.trace_start"() <{level = 10 : i32, message = "edge_half0"}> : () -> ()
    %lt3A_27 = arith.cmpi slt, %add3A, %lt3A : i32
    %convert_element_type3A = arith.extui %lt3A_27 : i1 to i32
    %cond3A = arith.constant 0 : i32
    %cond3A_28 = arith.cmpi ne, %convert_element_type3A, %cond3A : i32
    scf.if %cond3A_28 {
      %mul3A_174 = arith.constant 80 : i32
      %mul3A_175 = arith.muli %add3A, %mul3A_174 : i32
      %add3A_176 = arith.constant 0 : i32
      %add3A_177 = arith.addi %mul3A_175, %add3A_176 : i32
      %run_scoped3A = arith.constant 0 : i32
      "tpu.region"() ({
        %run_scoped3A_179 = tpu.sem_alloc : memref<!tpu.dma_semaphore, #tpu.memory_space<semaphore_mem>>
        %dma_start3A_180 = arith.constant 0 : i32
        %dma_start3A_181 = tpu.memref_slice %arg3[%run_scoped3A, %add3A_177, %dma_start3A_180] : memref<2x2500x128xi32, #tpu.memory_space<hbm>> -> memref<1x40x128xi32, #tpu.memory_space<hbm>>
        %dma_start3A_182 = tpu.memref_squeeze %dma_start3A_181 : memref<1x40x128xi32, #tpu.memory_space<hbm>> -> memref<40x128xi32, #tpu.memory_space<hbm>>
        %dma_start3A_183 = arith.constant 0 : i32
        %dma_start3A_184 = tpu.memref_slice %arg3[%run_scoped3A, %add3A_177, %dma_start3A_183] : memref<2x2500x128xi32, #tpu.memory_space<hbm>> -> memref<1x40x128xi32, #tpu.memory_space<hbm>>
        %dma_start3A_185 = tpu.memref_squeeze %dma_start3A_184 : memref<1x40x128xi32, #tpu.memory_space<hbm>> -> memref<40x128xi32, #tpu.memory_space<hbm>>
        tpu.enqueue_dma source(%dma_start3A_185 : memref<40x128xi32, #tpu.memory_space<hbm>>) target(%arg7 : memref<40x128xi32, #tpu.memory_space<vmem>>) target_semaphore(%run_scoped3A_179 : memref<!tpu.dma_semaphore, #tpu.memory_space<semaphore_mem>>)
        %dma_wait3A_186 = arith.constant 0 : i32
        %dma_wait3A_187 = tpu.memref_slice %arg3[%run_scoped3A, %add3A_177, %dma_wait3A_186] : memref<2x2500x128xi32, #tpu.memory_space<hbm>> -> memref<1x40x128xi32, #tpu.memory_space<hbm>>
        %dma_wait3A_188 = tpu.memref_squeeze %dma_wait3A_187 : memref<1x40x128xi32, #tpu.memory_space<hbm>> -> memref<40x128xi32, #tpu.memory_space<hbm>>
        %dma_wait3A_189 = arith.constant 0 : i32
        %dma_wait3A_190 = tpu.memref_slice %arg3[%run_scoped3A, %add3A_177, %dma_wait3A_189] : memref<2x2500x128xi32, #tpu.memory_space<hbm>> -> memref<1x40x128xi32, #tpu.memory_space<hbm>>
        %dma_wait3A_191 = tpu.memref_squeeze %dma_wait3A_190 : memref<1x40x128xi32, #tpu.memory_space<hbm>> -> memref<40x128xi32, #tpu.memory_space<hbm>>
        tpu.wait_dma2 semaphore(%run_scoped3A_179 : memref<!tpu.dma_semaphore, #tpu.memory_space<semaphore_mem>>) src(%dma_wait3A_191 : memref<40x128xi32, #tpu.memory_space<hbm>>) dst(%arg7 : memref<40x128xi32, #tpu.memory_space<vmem>>)
        tpu.yield
      }) : () -> ()
      %run_scoped3A_178 = arith.constant 1 : i32
      "tpu.region"() ({
        %run_scoped3A_179 = tpu.sem_alloc : memref<!tpu.dma_semaphore, #tpu.memory_space<semaphore_mem>>
        %dma_start3A_180 = arith.constant 0 : i32
        %dma_start3A_181 = tpu.memref_slice %arg3[%run_scoped3A_178, %add3A_177, %dma_start3A_180] : memref<2x2500x128xi32, #tpu.memory_space<hbm>> -> memref<1x40x128xi32, #tpu.memory_space<hbm>>
        %dma_start3A_182 = tpu.memref_squeeze %dma_start3A_181 : memref<1x40x128xi32, #tpu.memory_space<hbm>> -> memref<40x128xi32, #tpu.memory_space<hbm>>
        %dma_start3A_183 = arith.constant 0 : i32
        %dma_start3A_184 = tpu.memref_slice %arg3[%run_scoped3A_178, %add3A_177, %dma_start3A_183] : memref<2x2500x128xi32, #tpu.memory_space<hbm>> -> memref<1x40x128xi32, #tpu.memory_space<hbm>>
        %dma_start3A_185 = tpu.memref_squeeze %dma_start3A_184 : memref<1x40x128xi32, #tpu.memory_space<hbm>> -> memref<40x128xi32, #tpu.memory_space<hbm>>
        tpu.enqueue_dma source(%dma_start3A_185 : memref<40x128xi32, #tpu.memory_space<hbm>>) target(%arg8 : memref<40x128xi32, #tpu.memory_space<vmem>>) target_semaphore(%run_scoped3A_179 : memref<!tpu.dma_semaphore, #tpu.memory_space<semaphore_mem>>)
        %dma_wait3A_186 = arith.constant 0 : i32
        %dma_wait3A_187 = tpu.memref_slice %arg3[%run_scoped3A_178, %add3A_177, %dma_wait3A_186] : memref<2x2500x128xi32, #tpu.memory_space<hbm>> -> memref<1x40x128xi32, #tpu.memory_space<hbm>>
        %dma_wait3A_188 = tpu.memref_squeeze %dma_wait3A_187 : memref<1x40x128xi32, #tpu.memory_space<hbm>> -> memref<40x128xi32, #tpu.memory_space<hbm>>
        %dma_wait3A_189 = arith.constant 0 : i32
        %dma_wait3A_190 = tpu.memref_slice %arg3[%run_scoped3A_178, %add3A_177, %dma_wait3A_189] : memref<2x2500x128xi32, #tpu.memory_space<hbm>> -> memref<1x40x128xi32, #tpu.memory_space<hbm>>
        %dma_wait3A_191 = tpu.memref_squeeze %dma_wait3A_190 : memref<1x40x128xi32, #tpu.memory_space<hbm>> -> memref<40x128xi32, #tpu.memory_space<hbm>>
        tpu.wait_dma2 semaphore(%run_scoped3A_179 : memref<!tpu.dma_semaphore, #tpu.memory_space<semaphore_mem>>) src(%dma_wait3A_191 : memref<40x128xi32, #tpu.memory_space<hbm>>) dst(%arg8 : memref<40x128xi32, #tpu.memory_space<vmem>>)
        tpu.yield
      }) : () -> ()
    } else {
    }
    %eq3A = arith.constant 31 : i32
    %eq3A_29 = arith.cmpi eq, %add3A, %eq3A : i32
    %convert_element_type3A_30 = arith.extui %eq3A_29 : i1 to i32
    %cond3A_31 = arith.constant 0 : i32
    %cond3A_32 = arith.cmpi ne, %convert_element_type3A_30, %cond3A_31 : i32
    scf.if %cond3A_32 {
      %run_scoped3A = arith.constant 0 : i32
      "tpu.region"() ({
        %run_scoped3A_175 = tpu.sem_alloc : memref<!tpu.dma_semaphore, #tpu.memory_space<semaphore_mem>>
        %dma_start3A_176 = arith.constant 0 : i32
        %dma_start3A_177 = arith.constant 0 : i32
        %dma_start3A_178 = tpu.memref_slice %arg4[%run_scoped3A, %dma_start3A_176, %dma_start3A_177] : memref<2x40x128xi32, #tpu.memory_space<hbm>> -> memref<1x40x128xi32, #tpu.memory_space<hbm>>
        %dma_start3A_179 = tpu.memref_squeeze %dma_start3A_178 : memref<1x40x128xi32, #tpu.memory_space<hbm>> -> memref<40x128xi32, #tpu.memory_space<hbm>>
        %dma_start3A_180 = arith.constant 0 : i32
        %dma_start3A_181 = arith.constant 0 : i32
        %dma_start3A_182 = tpu.memref_slice %arg4[%run_scoped3A, %dma_start3A_180, %dma_start3A_181] : memref<2x40x128xi32, #tpu.memory_space<hbm>> -> memref<1x40x128xi32, #tpu.memory_space<hbm>>
        %dma_start3A_183 = tpu.memref_squeeze %dma_start3A_182 : memref<1x40x128xi32, #tpu.memory_space<hbm>> -> memref<40x128xi32, #tpu.memory_space<hbm>>
        tpu.enqueue_dma source(%dma_start3A_183 : memref<40x128xi32, #tpu.memory_space<hbm>>) target(%arg7 : memref<40x128xi32, #tpu.memory_space<vmem>>) target_semaphore(%run_scoped3A_175 : memref<!tpu.dma_semaphore, #tpu.memory_space<semaphore_mem>>)
        %dma_wait3A_184 = arith.constant 0 : i32
        %dma_wait3A_185 = arith.constant 0 : i32
        %dma_wait3A_186 = tpu.memref_slice %arg4[%run_scoped3A, %dma_wait3A_184, %dma_wait3A_185] : memref<2x40x128xi32, #tpu.memory_space<hbm>> -> memref<1x40x128xi32, #tpu.memory_space<hbm>>
        %dma_wait3A_187 = tpu.memref_squeeze %dma_wait3A_186 : memref<1x40x128xi32, #tpu.memory_space<hbm>> -> memref<40x128xi32, #tpu.memory_space<hbm>>
        %dma_wait3A_188 = arith.constant 0 : i32
        %dma_wait3A_189 = arith.constant 0 : i32
        %dma_wait3A_190 = tpu.memref_slice %arg4[%run_scoped3A, %dma_wait3A_188, %dma_wait3A_189] : memref<2x40x128xi32, #tpu.memory_space<hbm>> -> memref<1x40x128xi32, #tpu.memory_space<hbm>>
        %dma_wait3A_191 = tpu.memref_squeeze %dma_wait3A_190 : memref<1x40x128xi32, #tpu.memory_space<hbm>> -> memref<40x128xi32, #tpu.memory_space<hbm>>
        tpu.wait_dma2 semaphore(%run_scoped3A_175 : memref<!tpu.dma_semaphore, #tpu.memory_space<semaphore_mem>>) src(%dma_wait3A_191 : memref<40x128xi32, #tpu.memory_space<hbm>>) dst(%arg7 : memref<40x128xi32, #tpu.memory_space<vmem>>)
        tpu.yield
      }) : () -> ()
      %run_scoped3A_174 = arith.constant 0 : i32
      "tpu.region"() ({
        %run_scoped3A_175 = tpu.sem_alloc : memref<!tpu.dma_semaphore, #tpu.memory_space<semaphore_mem>>
        %dma_start3A_176 = arith.constant 0 : i32
        %dma_start3A_177 = arith.constant 0 : i32
        %dma_start3A_178 = tpu.memref_slice %arg5[%run_scoped3A_174, %dma_start3A_176, %dma_start3A_177] : memref<2x40x128xi32, #tpu.memory_space<hbm>> -> memref<1x40x128xi32, #tpu.memory_space<hbm>>
        %dma_start3A_179 = tpu.memref_squeeze %dma_start3A_178 : memref<1x40x128xi32, #tpu.memory_space<hbm>> -> memref<40x128xi32, #tpu.memory_space<hbm>>
        %dma_start3A_180 = arith.constant 0 : i32
        %dma_start3A_181 = arith.constant 0 : i32
        %dma_start3A_182 = tpu.memref_slice %arg5[%run_scoped3A_174, %dma_start3A_180, %dma_start3A_181] : memref<2x40x128xi32, #tpu.memory_space<hbm>> -> memref<1x40x128xi32, #tpu.memory_space<hbm>>
        %dma_start3A_183 = tpu.memref_squeeze %dma_start3A_182 : memref<1x40x128xi32, #tpu.memory_space<hbm>> -> memref<40x128xi32, #tpu.memory_space<hbm>>
        tpu.enqueue_dma source(%dma_start3A_183 : memref<40x128xi32, #tpu.memory_space<hbm>>) target(%arg8 : memref<40x128xi32, #tpu.memory_space<vmem>>) target_semaphore(%run_scoped3A_175 : memref<!tpu.dma_semaphore, #tpu.memory_space<semaphore_mem>>)
        %dma_wait3A_184 = arith.constant 0 : i32
        %dma_wait3A_185 = arith.constant 0 : i32
        %dma_wait3A_186 = tpu.memref_slice %arg5[%run_scoped3A_174, %dma_wait3A_184, %dma_wait3A_185] : memref<2x40x128xi32, #tpu.memory_space<hbm>> -> memref<1x40x128xi32, #tpu.memory_space<hbm>>
        %dma_wait3A_187 = tpu.memref_squeeze %dma_wait3A_186 : memref<1x40x128xi32, #tpu.memory_space<hbm>> -> memref<40x128xi32, #tpu.memory_space<hbm>>
        %dma_wait3A_188 = arith.constant 0 : i32
        %dma_wait3A_189 = arith.constant 0 : i32
        %dma_wait3A_190 = tpu.memref_slice %arg5[%run_scoped3A_174, %dma_wait3A_188, %dma_wait3A_189] : memref<2x40x128xi32, #tpu.memory_space<hbm>> -> memref<1x40x128xi32, #tpu.memory_space<hbm>>
        %dma_wait3A_191 = tpu.memref_squeeze %dma_wait3A_190 : memref<1x40x128xi32, #tpu.memory_space<hbm>> -> memref<40x128xi32, #tpu.memory_space<hbm>>
        tpu.wait_dma2 semaphore(%run_scoped3A_175 : memref<!tpu.dma_semaphore, #tpu.memory_space<semaphore_mem>>) src(%dma_wait3A_191 : memref<40x128xi32, #tpu.memory_space<hbm>>) dst(%arg8 : memref<40x128xi32, #tpu.memory_space<vmem>>)
        tpu.yield
      }) : () -> ()
    } else {
    }
    %dma_start3A = arith.constant 0 : i32
    %dma_start3A_33 = arith.constant 0 : i32
    %dma_start3A_34 = tpu.memref_slice %arg7[%dma_start3A, %dma_start3A_33] : memref<40x128xi32, #tpu.memory_space<vmem>> -> memref<1x128xi32, #tpu.memory_space<vmem>>
    %dma_start3A_35 = tpu.memref_squeeze %dma_start3A_34 : memref<1x128xi32, #tpu.memory_space<vmem>> -> memref<128xi32, #tpu.memory_space<vmem>>
    %dma_start3A_36 = arith.constant 0 : i32
    %dma_start3A_37 = arith.constant 0 : i32
    %dma_start3A_38 = tpu.memref_slice %arg2[%dma_start3A_36, %dma_start3A_37] : memref<10016x128xf32, #tpu.memory_space<hbm>> -> memref<10016x128xf32, #tpu.memory_space<hbm>>
    tpu.enqueue_indirect_dma source(%dma_start3A_38 : memref<10016x128xf32, #tpu.memory_space<hbm>>) target(%arg9 : memref<128x128xf32, #tpu.memory_space<vmem>>) offsets(%dma_start3A_35 : memref<128xi32, #tpu.memory_space<vmem>>) semaphore(%arg12 : memref<!tpu.dma_semaphore, #tpu.memory_space<semaphore_mem>>)
    %dma_start3A_39 = arith.constant 1 : i32
    %dma_start3A_40 = arith.constant 0 : i32
    %dma_start3A_41 = tpu.memref_slice %arg7[%dma_start3A_39, %dma_start3A_40] : memref<40x128xi32, #tpu.memory_space<vmem>> -> memref<1x128xi32, #tpu.memory_space<vmem>>
    %dma_start3A_42 = tpu.memref_squeeze %dma_start3A_41 : memref<1x128xi32, #tpu.memory_space<vmem>> -> memref<128xi32, #tpu.memory_space<vmem>>
    %dma_start3A_43 = arith.constant 0 : i32
    %dma_start3A_44 = arith.constant 0 : i32
    %dma_start3A_45 = tpu.memref_slice %arg2[%dma_start3A_43, %dma_start3A_44] : memref<10016x128xf32, #tpu.memory_space<hbm>> -> memref<10016x128xf32, #tpu.memory_space<hbm>>
    tpu.enqueue_indirect_dma source(%dma_start3A_45 : memref<10016x128xf32, #tpu.memory_space<hbm>>) target(%arg10 : memref<128x128xf32, #tpu.memory_space<vmem>>) offsets(%dma_start3A_42 : memref<128xi32, #tpu.memory_space<vmem>>) semaphore(%arg13 : memref<!tpu.dma_semaphore, #tpu.memory_space<semaphore_mem>>)
    %scan3A_46 = arith.constant 0 : i32
    %scan3A_47 = arith.constant 0 : i32
    %scan3A_48 = arith.constant 20 : i32
    %scan3A_49 = arith.addi %scan3A_47, %scan3A_48 : i32
    %scan3A_50 = arith.constant 1 : i32
    scf.for %scan3A_174 = %scan3A_47 to %scan3A_49 step %scan3A_50  : i32 {
      %mul3A_175 = arith.constant 2 : i32
      %mul3A_176 = arith.muli %scan3A_174, %mul3A_175 : i32
      %add3A_177 = arith.constant 0 : i32
      %add3A_178 = arith.addi %mul3A_176, %add3A_177 : i32
      %dma_wait3A_179 = arith.constant 0 : i32
      %dma_wait3A_180 = tpu.memref_slice %arg7[%add3A_178, %dma_wait3A_179] : memref<40x128xi32, #tpu.memory_space<vmem>> -> memref<1x128xi32, #tpu.memory_space<vmem>>
      %dma_wait3A_181 = tpu.memref_squeeze %dma_wait3A_180 : memref<1x128xi32, #tpu.memory_space<vmem>> -> memref<128xi32, #tpu.memory_space<vmem>>
      %dma_wait3A_182 = arith.constant 0 : i32
      %dma_wait3A_183 = arith.constant 0 : i32
      %dma_wait3A_184 = tpu.memref_slice %arg2[%dma_wait3A_182, %dma_wait3A_183] : memref<10016x128xf32, #tpu.memory_space<hbm>> -> memref<10016x128xf32, #tpu.memory_space<hbm>>
      tpu.wait_indirect_dma semaphore(%arg12 : memref<!tpu.dma_semaphore, #tpu.memory_space<semaphore_mem>>) src(%dma_wait3A_184 : memref<10016x128xf32, #tpu.memory_space<hbm>>) dst(%arg9 : memref<128x128xf32, #tpu.memory_space<vmem>>)
      "tpu.region"() ({
        %run_scoped3A = tpu.sem_alloc : memref<!tpu.dma_semaphore, #tpu.memory_space<semaphore_mem>>
        %dma_start3A_209 = arith.constant 0 : i32
        %dma_start3A_210 = tpu.memref_slice %arg8[%add3A_178, %dma_start3A_209] : memref<40x128xi32, #tpu.memory_space<vmem>> -> memref<1x128xi32, #tpu.memory_space<vmem>>
        %dma_start3A_211 = tpu.memref_squeeze %dma_start3A_210 : memref<1x128xi32, #tpu.memory_space<vmem>> -> memref<128xi32, #tpu.memory_space<vmem>>
        %dma_start3A_212 = arith.constant 0 : i32
        %dma_start3A_213 = arith.constant 0 : i32
        %dma_start3A_214 = tpu.memref_slice %arg11[%dma_start3A_212, %dma_start3A_213] : memref<10112x128xf32, #tpu.memory_space<vmem_shared>> -> memref<10112x128xf32, #tpu.memory_space<vmem_shared>>
        tpu.enqueue_indirect_dma source(%arg9 : memref<128x128xf32, #tpu.memory_space<vmem>>) target(%dma_start3A_214 : memref<10112x128xf32, #tpu.memory_space<vmem_shared>>) offsets(%dma_start3A_211 : memref<128xi32, #tpu.memory_space<vmem>>) semaphore(%run_scoped3A : memref<!tpu.dma_semaphore, #tpu.memory_space<semaphore_mem>>) {add = true}
        %dma_wait3A_215 = arith.constant 0 : i32
        %dma_wait3A_216 = tpu.memref_slice %arg8[%add3A_178, %dma_wait3A_215] : memref<40x128xi32, #tpu.memory_space<vmem>> -> memref<1x128xi32, #tpu.memory_space<vmem>>
        %dma_wait3A_217 = tpu.memref_squeeze %dma_wait3A_216 : memref<1x128xi32, #tpu.memory_space<vmem>> -> memref<128xi32, #tpu.memory_space<vmem>>
        %dma_wait3A_218 = arith.constant 0 : i32
        %dma_wait3A_219 = arith.constant 0 : i32
        %dma_wait3A_220 = tpu.memref_slice %arg11[%dma_wait3A_218, %dma_wait3A_219] : memref<10112x128xf32, #tpu.memory_space<vmem_shared>> -> memref<10112x128xf32, #tpu.memory_space<vmem_shared>>
        tpu.wait_indirect_dma semaphore(%run_scoped3A : memref<!tpu.dma_semaphore, #tpu.memory_space<semaphore_mem>>) src(%arg9 : memref<128x128xf32, #tpu.memory_space<vmem>>) dst(%dma_wait3A_220 : memref<10112x128xf32, #tpu.memory_space<vmem_shared>>)
        tpu.yield
      }) : () -> ()
      %add3A_185 = arith.constant 2 : i32
      %add3A_186 = arith.addi %add3A_178, %add3A_185 : i32
      %lt3A_187 = arith.constant 40 : i32
      %lt3A_188 = arith.cmpi slt, %add3A_186, %lt3A_187 : i32
      %convert_element_type3A_189 = arith.extui %lt3A_188 : i1 to i32
      %cond3A_190 = arith.constant 0 : i32
      %cond3A_191 = arith.cmpi ne, %convert_element_type3A_189, %cond3A_190 : i32
      scf.if %cond3A_191 {
        %dma_start3A_209 = arith.constant 0 : i32
        %dma_start3A_210 = tpu.memref_slice %arg7[%add3A_186, %dma_start3A_209] : memref<40x128xi32, #tpu.memory_space<vmem>> -> memref<1x128xi32, #tpu.memory_space<vmem>>
        %dma_start3A_211 = tpu.memref_squeeze %dma_start3A_210 : memref<1x128xi32, #tpu.memory_space<vmem>> -> memref<128xi32, #tpu.memory_space<vmem>>
        %dma_start3A_212 = arith.constant 0 : i32
        %dma_start3A_213 = arith.constant 0 : i32
        %dma_start3A_214 = tpu.memref_slice %arg2[%dma_start3A_212, %dma_start3A_213] : memref<10016x128xf32, #tpu.memory_space<hbm>> -> memref<10016x128xf32, #tpu.memory_space<hbm>>
        tpu.enqueue_indirect_dma source(%dma_start3A_214 : memref<10016x128xf32, #tpu.memory_space<hbm>>) target(%arg9 : memref<128x128xf32, #tpu.memory_space<vmem>>) offsets(%dma_start3A_211 : memref<128xi32, #tpu.memory_space<vmem>>) semaphore(%arg12 : memref<!tpu.dma_semaphore, #tpu.memory_space<semaphore_mem>>)
      } else {
      }
      %mul3A_192 = arith.constant 2 : i32
      %mul3A_193 = arith.muli %scan3A_174, %mul3A_192 : i32
      %add3A_194 = arith.constant 1 : i32
      %add3A_195 = arith.addi %mul3A_193, %add3A_194 : i32
      %dma_wait3A_196 = arith.constant 0 : i32
      %dma_wait3A_197 = tpu.memref_slice %arg7[%add3A_195, %dma_wait3A_196] : memref<40x128xi32, #tpu.memory_space<vmem>> -> memref<1x128xi32, #tpu.memory_space<vmem>>
      %dma_wait3A_198 = tpu.memref_squeeze %dma_wait3A_197 : memref<1x128xi32, #tpu.memory_space<vmem>> -> memref<128xi32, #tpu.memory_space<vmem>>
      %dma_wait3A_199 = arith.constant 0 : i32
      %dma_wait3A_200 = arith.constant 0 : i32
      %dma_wait3A_201 = tpu.memref_slice %arg2[%dma_wait3A_199, %dma_wait3A_200] : memref<10016x128xf32, #tpu.memory_space<hbm>> -> memref<10016x128xf32, #tpu.memory_space<hbm>>
      tpu.wait_indirect_dma semaphore(%arg13 : memref<!tpu.dma_semaphore, #tpu.memory_space<semaphore_mem>>) src(%dma_wait3A_201 : memref<10016x128xf32, #tpu.memory_space<hbm>>) dst(%arg10 : memref<128x128xf32, #tpu.memory_space<vmem>>)
      "tpu.region"() ({
        %run_scoped3A = tpu.sem_alloc : memref<!tpu.dma_semaphore, #tpu.memory_space<semaphore_mem>>
        %dma_start3A_209 = arith.constant 0 : i32
        %dma_start3A_210 = tpu.memref_slice %arg8[%add3A_195, %dma_start3A_209] : memref<40x128xi32, #tpu.memory_space<vmem>> -> memref<1x128xi32, #tpu.memory_space<vmem>>
        %dma_start3A_211 = tpu.memref_squeeze %dma_start3A_210 : memref<1x128xi32, #tpu.memory_space<vmem>> -> memref<128xi32, #tpu.memory_space<vmem>>
        %dma_start3A_212 = arith.constant 0 : i32
        %dma_start3A_213 = arith.constant 0 : i32
        %dma_start3A_214 = tpu.memref_slice %arg11[%dma_start3A_212, %dma_start3A_213] : memref<10112x128xf32, #tpu.memory_space<vmem_shared>> -> memref<10112x128xf32, #tpu.memory_space<vmem_shared>>
        tpu.enqueue_indirect_dma source(%arg10 : memref<128x128xf32, #tpu.memory_space<vmem>>) target(%dma_start3A_214 : memref<10112x128xf32, #tpu.memory_space<vmem_shared>>) offsets(%dma_start3A_211 : memref<128xi32, #tpu.memory_space<vmem>>) semaphore(%run_scoped3A : memref<!tpu.dma_semaphore, #tpu.memory_space<semaphore_mem>>) {add = true}
        %dma_wait3A_215 = arith.constant 0 : i32
        %dma_wait3A_216 = tpu.memref_slice %arg8[%add3A_195, %dma_wait3A_215] : memref<40x128xi32, #tpu.memory_space<vmem>> -> memref<1x128xi32, #tpu.memory_space<vmem>>
        %dma_wait3A_217 = tpu.memref_squeeze %dma_wait3A_216 : memref<1x128xi32, #tpu.memory_space<vmem>> -> memref<128xi32, #tpu.memory_space<vmem>>
        %dma_wait3A_218 = arith.constant 0 : i32
        %dma_wait3A_219 = arith.constant 0 : i32
        %dma_wait3A_220 = tpu.memref_slice %arg11[%dma_wait3A_218, %dma_wait3A_219] : memref<10112x128xf32, #tpu.memory_space<vmem_shared>> -> memref<10112x128xf32, #tpu.memory_space<vmem_shared>>
        tpu.wait_indirect_dma semaphore(%run_scoped3A : memref<!tpu.dma_semaphore, #tpu.memory_space<semaphore_mem>>) src(%arg10 : memref<128x128xf32, #tpu.memory_space<vmem>>) dst(%dma_wait3A_220 : memref<10112x128xf32, #tpu.memory_space<vmem_shared>>)
        tpu.yield
      }) : () -> ()
      %add3A_202 = arith.constant 2 : i32
      %add3A_203 = arith.addi %add3A_195, %add3A_202 : i32
      %lt3A_204 = arith.constant 40 : i32
      %lt3A_205 = arith.cmpi slt, %add3A_203, %lt3A_204 : i32
      %convert_element_type3A_206 = arith.extui %lt3A_205 : i1 to i32
      %cond3A_207 = arith.constant 0 : i32
      %cond3A_208 = arith.cmpi ne, %convert_element_type3A_206, %cond3A_207 : i32
      scf.if %cond3A_208 {
        %dma_start3A_209 = arith.constant 0 : i32
        %dma_start3A_210 = tpu.memref_slice %arg7[%add3A_203, %dma_start3A_209] : memref<40x128xi32, #tpu.memory_space<vmem>> -> memref<1x128xi32, #tpu.memory_space<vmem>>
        %dma_start3A_211 = tpu.memref_squeeze %dma_start3A_210 : memref<1x128xi32, #tpu.memory_space<vmem>> -> memref<128xi32, #tpu.memory_space<vmem>>
        %dma_start3A_212 = arith.constant 0 : i32
        %dma_start3A_213 = arith.constant 0 : i32
        %dma_start3A_214 = tpu.memref_slice %arg2[%dma_start3A_212, %dma_start3A_213] : memref<10016x128xf32, #tpu.memory_space<hbm>> -> memref<10016x128xf32, #tpu.memory_space<hbm>>
        tpu.enqueue_indirect_dma source(%dma_start3A_214 : memref<10016x128xf32, #tpu.memory_space<hbm>>) target(%arg10 : memref<128x128xf32, #tpu.memory_space<vmem>>) offsets(%dma_start3A_211 : memref<128xi32, #tpu.memory_space<vmem>>) semaphore(%arg13 : memref<!tpu.dma_semaphore, #tpu.memory_space<semaphore_mem>>)
      } else {
      }
    }
    %scan3A_51 = arith.constant 20 : i32
    %lt3A_52 = arith.constant 31 : i32
    "tpu.trace_stop"() : () -> ()
    "tpu.trace_start"() <{level = 10 : i32, message = "edge_half1"}> : () -> ()
    %lt3A_53 = arith.cmpi slt, %add3A, %lt3A_52 : i32
    %convert_element_type3A_54 = arith.extui %lt3A_53 : i1 to i32
    %cond3A_55 = arith.constant 0 : i32
    %cond3A_56 = arith.cmpi ne, %convert_element_type3A_54, %cond3A_55 : i32
    scf.if %cond3A_56 {
      %mul3A_174 = arith.constant 80 : i32
      %mul3A_175 = arith.muli %add3A, %mul3A_174 : i32
      %add3A_176 = arith.constant 40 : i32
      %add3A_177 = arith.addi %mul3A_175, %add3A_176 : i32
      %run_scoped3A = arith.constant 0 : i32
      "tpu.region"() ({
        %run_scoped3A_179 = tpu.sem_alloc : memref<!tpu.dma_semaphore, #tpu.memory_space<semaphore_mem>>
        %dma_start3A_180 = arith.constant 0 : i32
        %dma_start3A_181 = tpu.memref_slice %arg3[%run_scoped3A, %add3A_177, %dma_start3A_180] : memref<2x2500x128xi32, #tpu.memory_space<hbm>> -> memref<1x40x128xi32, #tpu.memory_space<hbm>>
        %dma_start3A_182 = tpu.memref_squeeze %dma_start3A_181 : memref<1x40x128xi32, #tpu.memory_space<hbm>> -> memref<40x128xi32, #tpu.memory_space<hbm>>
        %dma_start3A_183 = arith.constant 0 : i32
        %dma_start3A_184 = tpu.memref_slice %arg3[%run_scoped3A, %add3A_177, %dma_start3A_183] : memref<2x2500x128xi32, #tpu.memory_space<hbm>> -> memref<1x40x128xi32, #tpu.memory_space<hbm>>
        %dma_start3A_185 = tpu.memref_squeeze %dma_start3A_184 : memref<1x40x128xi32, #tpu.memory_space<hbm>> -> memref<40x128xi32, #tpu.memory_space<hbm>>
        tpu.enqueue_dma source(%dma_start3A_185 : memref<40x128xi32, #tpu.memory_space<hbm>>) target(%arg7 : memref<40x128xi32, #tpu.memory_space<vmem>>) target_semaphore(%run_scoped3A_179 : memref<!tpu.dma_semaphore, #tpu.memory_space<semaphore_mem>>)
        %dma_wait3A_186 = arith.constant 0 : i32
        %dma_wait3A_187 = tpu.memref_slice %arg3[%run_scoped3A, %add3A_177, %dma_wait3A_186] : memref<2x2500x128xi32, #tpu.memory_space<hbm>> -> memref<1x40x128xi32, #tpu.memory_space<hbm>>
        %dma_wait3A_188 = tpu.memref_squeeze %dma_wait3A_187 : memref<1x40x128xi32, #tpu.memory_space<hbm>> -> memref<40x128xi32, #tpu.memory_space<hbm>>
        %dma_wait3A_189 = arith.constant 0 : i32
        %dma_wait3A_190 = tpu.memref_slice %arg3[%run_scoped3A, %add3A_177, %dma_wait3A_189] : memref<2x2500x128xi32, #tpu.memory_space<hbm>> -> memref<1x40x128xi32, #tpu.memory_space<hbm>>
        %dma_wait3A_191 = tpu.memref_squeeze %dma_wait3A_190 : memref<1x40x128xi32, #tpu.memory_space<hbm>> -> memref<40x128xi32, #tpu.memory_space<hbm>>
        tpu.wait_dma2 semaphore(%run_scoped3A_179 : memref<!tpu.dma_semaphore, #tpu.memory_space<semaphore_mem>>) src(%dma_wait3A_191 : memref<40x128xi32, #tpu.memory_space<hbm>>) dst(%arg7 : memref<40x128xi32, #tpu.memory_space<vmem>>)
        tpu.yield
      }) : () -> ()
      %run_scoped3A_178 = arith.constant 1 : i32
      "tpu.region"() ({
        %run_scoped3A_179 = tpu.sem_alloc : memref<!tpu.dma_semaphore, #tpu.memory_space<semaphore_mem>>
        %dma_start3A_180 = arith.constant 0 : i32
        %dma_start3A_181 = tpu.memref_slice %arg3[%run_scoped3A_178, %add3A_177, %dma_start3A_180] : memref<2x2500x128xi32, #tpu.memory_space<hbm>> -> memref<1x40x128xi32, #tpu.memory_space<hbm>>
        %dma_start3A_182 = tpu.memref_squeeze %dma_start3A_181 : memref<1x40x128xi32, #tpu.memory_space<hbm>> -> memref<40x128xi32, #tpu.memory_space<hbm>>
        %dma_start3A_183 = arith.constant 0 : i32
        %dma_start3A_184 = tpu.memref_slice %arg3[%run_scoped3A_178, %add3A_177, %dma_start3A_183] : memref<2x2500x128xi32, #tpu.memory_space<hbm>> -> memref<1x40x128xi32, #tpu.memory_space<hbm>>
        %dma_start3A_185 = tpu.memref_squeeze %dma_start3A_184 : memref<1x40x128xi32, #tpu.memory_space<hbm>> -> memref<40x128xi32, #tpu.memory_space<hbm>>
        tpu.enqueue_dma source(%dma_start3A_185 : memref<40x128xi32, #tpu.memory_space<hbm>>) target(%arg8 : memref<40x128xi32, #tpu.memory_space<vmem>>) target_semaphore(%run_scoped3A_179 : memref<!tpu.dma_semaphore, #tpu.memory_space<semaphore_mem>>)
        %dma_wait3A_186 = arith.constant 0 : i32
        %dma_wait3A_187 = tpu.memref_slice %arg3[%run_scoped3A_178, %add3A_177, %dma_wait3A_186] : memref<2x2500x128xi32, #tpu.memory_space<hbm>> -> memref<1x40x128xi32, #tpu.memory_space<hbm>>
        %dma_wait3A_188 = tpu.memref_squeeze %dma_wait3A_187 : memref<1x40x128xi32, #tpu.memory_space<hbm>> -> memref<40x128xi32, #tpu.memory_space<hbm>>
        %dma_wait3A_189 = arith.constant 0 : i32
        %dma_wait3A_190 = tpu.memref_slice %arg3[%run_scoped3A_178, %add3A_177, %dma_wait3A_189] : memref<2x2500x128xi32, #tpu.memory_space<hbm>> -> memref<1x40x128xi32, #tpu.memory_space<hbm>>
        %dma_wait3A_191 = tpu.memref_squeeze %dma_wait3A_190 : memref<1x40x128xi32, #tpu.memory_space<hbm>> -> memref<40x128xi32, #tpu.memory_space<hbm>>
        tpu.wait_dma2 semaphore(%run_scoped3A_179 : memref<!tpu.dma_semaphore, #tpu.memory_space<semaphore_mem>>) src(%dma_wait3A_191 : memref<40x128xi32, #tpu.memory_space<hbm>>) dst(%arg8 : memref<40x128xi32, #tpu.memory_space<vmem>>)
        tpu.yield
      }) : () -> ()
    } else {
    }
    %eq3A_57 = arith.constant 31 : i32
    %eq3A_58 = arith.cmpi eq, %add3A, %eq3A_57 : i32
    %convert_element_type3A_59 = arith.extui %eq3A_58 : i1 to i32
    %cond3A_60 = arith.constant 0 : i32
    %cond3A_61 = arith.cmpi ne, %convert_element_type3A_59, %cond3A_60 : i32
    scf.if %cond3A_61 {
      %run_scoped3A = arith.constant 1 : i32
      "tpu.region"() ({
        %run_scoped3A_175 = tpu.sem_alloc : memref<!tpu.dma_semaphore, #tpu.memory_space<semaphore_mem>>
        %dma_start3A_176 = arith.constant 0 : i32
        %dma_start3A_177 = arith.constant 0 : i32
        %dma_start3A_178 = tpu.memref_slice %arg4[%run_scoped3A, %dma_start3A_176, %dma_start3A_177] : memref<2x40x128xi32, #tpu.memory_space<hbm>> -> memref<1x40x128xi32, #tpu.memory_space<hbm>>
        %dma_start3A_179 = tpu.memref_squeeze %dma_start3A_178 : memref<1x40x128xi32, #tpu.memory_space<hbm>> -> memref<40x128xi32, #tpu.memory_space<hbm>>
        %dma_start3A_180 = arith.constant 0 : i32
        %dma_start3A_181 = arith.constant 0 : i32
        %dma_start3A_182 = tpu.memref_slice %arg4[%run_scoped3A, %dma_start3A_180, %dma_start3A_181] : memref<2x40x128xi32, #tpu.memory_space<hbm>> -> memref<1x40x128xi32, #tpu.memory_space<hbm>>
        %dma_start3A_183 = tpu.memref_squeeze %dma_start3A_182 : memref<1x40x128xi32, #tpu.memory_space<hbm>> -> memref<40x128xi32, #tpu.memory_space<hbm>>
        tpu.enqueue_dma source(%dma_start3A_183 : memref<40x128xi32, #tpu.memory_space<hbm>>) target(%arg7 : memref<40x128xi32, #tpu.memory_space<vmem>>) target_semaphore(%run_scoped3A_175 : memref<!tpu.dma_semaphore, #tpu.memory_space<semaphore_mem>>)
        %dma_wait3A_184 = arith.constant 0 : i32
        %dma_wait3A_185 = arith.constant 0 : i32
        %dma_wait3A_186 = tpu.memref_slice %arg4[%run_scoped3A, %dma_wait3A_184, %dma_wait3A_185] : memref<2x40x128xi32, #tpu.memory_space<hbm>> -> memref<1x40x128xi32, #tpu.memory_space<hbm>>
        %dma_wait3A_187 = tpu.memref_squeeze %dma_wait3A_186 : memref<1x40x128xi32, #tpu.memory_space<hbm>> -> memref<40x128xi32, #tpu.memory_space<hbm>>
        %dma_wait3A_188 = arith.constant 0 : i32
        %dma_wait3A_189 = arith.constant 0 : i32
        %dma_wait3A_190 = tpu.memref_slice %arg4[%run_scoped3A, %dma_wait3A_188, %dma_wait3A_189] : memref<2x40x128xi32, #tpu.memory_space<hbm>> -> memref<1x40x128xi32, #tpu.memory_space<hbm>>
        %dma_wait3A_191 = tpu.memref_squeeze %dma_wait3A_190 : memref<1x40x128xi32, #tpu.memory_space<hbm>> -> memref<40x128xi32, #tpu.memory_space<hbm>>
        tpu.wait_dma2 semaphore(%run_scoped3A_175 : memref<!tpu.dma_semaphore, #tpu.memory_space<semaphore_mem>>) src(%dma_wait3A_191 : memref<40x128xi32, #tpu.memory_space<hbm>>) dst(%arg7 : memref<40x128xi32, #tpu.memory_space<vmem>>)
        tpu.yield
      }) : () -> ()
      %run_scoped3A_174 = arith.constant 1 : i32
      "tpu.region"() ({
        %run_scoped3A_175 = tpu.sem_alloc : memref<!tpu.dma_semaphore, #tpu.memory_space<semaphore_mem>>
        %dma_start3A_176 = arith.constant 0 : i32
        %dma_start3A_177 = arith.constant 0 : i32
        %dma_start3A_178 = tpu.memref_slice %arg5[%run_scoped3A_174, %dma_start3A_176, %dma_start3A_177] : memref<2x40x128xi32, #tpu.memory_space<hbm>> -> memref<1x40x128xi32, #tpu.memory_space<hbm>>
        %dma_start3A_179 = tpu.memref_squeeze %dma_start3A_178 : memref<1x40x128xi32, #tpu.memory_space<hbm>> -> memref<40x128xi32, #tpu.memory_space<hbm>>
        %dma_start3A_180 = arith.constant 0 : i32
        %dma_start3A_181 = arith.constant 0 : i32
        %dma_start3A_182 = tpu.memref_slice %arg5[%run_scoped3A_174, %dma_start3A_180, %dma_start3A_181] : memref<2x40x128xi32, #tpu.memory_space<hbm>> -> memref<1x40x128xi32, #tpu.memory_space<hbm>>
        %dma_start3A_183 = tpu.memref_squeeze %dma_start3A_182 : memref<1x40x128xi32, #tpu.memory_space<hbm>> -> memref<40x128xi32, #tpu.memory_space<hbm>>
        tpu.enqueue_dma source(%dma_start3A_183 : memref<40x128xi32, #tpu.memory_space<hbm>>) target(%arg8 : memref<40x128xi32, #tpu.memory_space<vmem>>) target_semaphore(%run_scoped3A_175 : memref<!tpu.dma_semaphore, #tpu.memory_space<semaphore_mem>>)
        %dma_wait3A_184 = arith.constant 0 : i32
        %dma_wait3A_185 = arith.constant 0 : i32
        %dma_wait3A_186 = tpu.memref_slice %arg5[%run_scoped3A_174, %dma_wait3A_184, %dma_wait3A_185] : memref<2x40x128xi32, #tpu.memory_space<hbm>> -> memref<1x40x128xi32, #tpu.memory_space<hbm>>
        %dma_wait3A_187 = tpu.memref_squeeze %dma_wait3A_186 : memref<1x40x128xi32, #tpu.memory_space<hbm>> -> memref<40x128xi32, #tpu.memory_space<hbm>>
        %dma_wait3A_188 = arith.constant 0 : i32
        %dma_wait3A_189 = arith.constant 0 : i32
        %dma_wait3A_190 = tpu.memref_slice %arg5[%run_scoped3A_174, %dma_wait3A_188, %dma_wait3A_189] : memref<2x40x128xi32, #tpu.memory_space<hbm>> -> memref<1x40x128xi32, #tpu.memory_space<hbm>>
        %dma_wait3A_191 = tpu.memref_squeeze %dma_wait3A_190 : memref<1x40x128xi32, #tpu.memory_space<hbm>> -> memref<40x128xi32, #tpu.memory_space<hbm>>
        tpu.wait_dma2 semaphore(%run_scoped3A_175 : memref<!tpu.dma_semaphore, #tpu.memory_space<semaphore_mem>>) src(%dma_wait3A_191 : memref<40x128xi32, #tpu.memory_space<hbm>>) dst(%arg8 : memref<40x128xi32, #tpu.memory_space<vmem>>)
        tpu.yield
      }) : () -> ()
    } else {
    }
    %dma_start3A_62 = arith.constant 0 : i32
    %dma_start3A_63 = arith.constant 0 : i32
    %dma_start3A_64 = tpu.memref_slice %arg7[%dma_start3A_62, %dma_start3A_63] : memref<40x128xi32, #tpu.memory_space<vmem>> -> memref<1x128xi32, #tpu.memory_space<vmem>>
    %dma_start3A_65 = tpu.memref_squeeze %dma_start3A_64 : memref<1x128xi32, #tpu.memory_space<vmem>> -> memref<128xi32, #tpu.memory_space<vmem>>
    %dma_start3A_66 = arith.constant 0 : i32
    %dma_start3A_67 = arith.constant 0 : i32
    %dma_start3A_68 = tpu.memref_slice %arg2[%dma_start3A_66, %dma_start3A_67] : memref<10016x128xf32, #tpu.memory_space<hbm>> -> memref<10016x128xf32, #tpu.memory_space<hbm>>
    tpu.enqueue_indirect_dma source(%dma_start3A_68 : memref<10016x128xf32, #tpu.memory_space<hbm>>) target(%arg9 : memref<128x128xf32, #tpu.memory_space<vmem>>) offsets(%dma_start3A_65 : memref<128xi32, #tpu.memory_space<vmem>>) semaphore(%arg12 : memref<!tpu.dma_semaphore, #tpu.memory_space<semaphore_mem>>)
    %dma_start3A_69 = arith.constant 1 : i32
    %dma_start3A_70 = arith.constant 0 : i32
    %dma_start3A_71 = tpu.memref_slice %arg7[%dma_start3A_69, %dma_start3A_70] : memref<40x128xi32, #tpu.memory_space<vmem>> -> memref<1x128xi32, #tpu.memory_space<vmem>>
    %dma_start3A_72 = tpu.memref_squeeze %dma_start3A_71 : memref<1x128xi32, #tpu.memory_space<vmem>> -> memref<128xi32, #tpu.memory_space<vmem>>
    %dma_start3A_73 = arith.constant 0 : i32
    %dma_start3A_74 = arith.constant 0 : i32
    %dma_start3A_75 = tpu.memref_slice %arg2[%dma_start3A_73, %dma_start3A_74] : memref<10016x128xf32, #tpu.memory_space<hbm>> -> memref<10016x128xf32, #tpu.memory_space<hbm>>
    tpu.enqueue_indirect_dma source(%dma_start3A_75 : memref<10016x128xf32, #tpu.memory_space<hbm>>) target(%arg10 : memref<128x128xf32, #tpu.memory_space<vmem>>) offsets(%dma_start3A_72 : memref<128xi32, #tpu.memory_space<vmem>>) semaphore(%arg13 : memref<!tpu.dma_semaphore, #tpu.memory_space<semaphore_mem>>)
    %scan3A_76 = arith.constant 0 : i32
    %scan3A_77 = arith.constant 0 : i32
    %scan3A_78 = arith.constant 20 : i32
    %scan3A_79 = arith.addi %scan3A_77, %scan3A_78 : i32
    %scan3A_80 = arith.constant 1 : i32
    scf.for %scan3A_174 = %scan3A_77 to %scan3A_79 step %scan3A_80  : i32 {
      %mul3A_175 = arith.constant 2 : i32
      %mul3A_176 = arith.muli %scan3A_174, %mul3A_175 : i32
      %add3A_177 = arith.constant 0 : i32
      %add3A_178 = arith.addi %mul3A_176, %add3A_177 : i32
      %dma_wait3A_179 = arith.constant 0 : i32
      %dma_wait3A_180 = tpu.memref_slice %arg7[%add3A_178, %dma_wait3A_179] : memref<40x128xi32, #tpu.memory_space<vmem>> -> memref<1x128xi32, #tpu.memory_space<vmem>>
      %dma_wait3A_181 = tpu.memref_squeeze %dma_wait3A_180 : memref<1x128xi32, #tpu.memory_space<vmem>> -> memref<128xi32, #tpu.memory_space<vmem>>
      %dma_wait3A_182 = arith.constant 0 : i32
      %dma_wait3A_183 = arith.constant 0 : i32
      %dma_wait3A_184 = tpu.memref_slice %arg2[%dma_wait3A_182, %dma_wait3A_183] : memref<10016x128xf32, #tpu.memory_space<hbm>> -> memref<10016x128xf32, #tpu.memory_space<hbm>>
      tpu.wait_indirect_dma semaphore(%arg12 : memref<!tpu.dma_semaphore, #tpu.memory_space<semaphore_mem>>) src(%dma_wait3A_184 : memref<10016x128xf32, #tpu.memory_space<hbm>>) dst(%arg9 : memref<128x128xf32, #tpu.memory_space<vmem>>)
      "tpu.region"() ({
        %run_scoped3A = tpu.sem_alloc : memref<!tpu.dma_semaphore, #tpu.memory_space<semaphore_mem>>
        %dma_start3A_209 = arith.constant 0 : i32
        %dma_start3A_210 = tpu.memref_slice %arg8[%add3A_178, %dma_start3A_209] : memref<40x128xi32, #tpu.memory_space<vmem>> -> memref<1x128xi32, #tpu.memory_space<vmem>>
        %dma_start3A_211 = tpu.memref_squeeze %dma_start3A_210 : memref<1x128xi32, #tpu.memory_space<vmem>> -> memref<128xi32, #tpu.memory_space<vmem>>
        %dma_start3A_212 = arith.constant 0 : i32
        %dma_start3A_213 = arith.constant 0 : i32
        %dma_start3A_214 = tpu.memref_slice %arg11[%dma_start3A_212, %dma_start3A_213] : memref<10112x128xf32, #tpu.memory_space<vmem_shared>> -> memref<10112x128xf32, #tpu.memory_space<vmem_shared>>
        tpu.enqueue_indirect_dma source(%arg9 : memref<128x128xf32, #tpu.memory_space<vmem>>) target(%dma_start3A_214 : memref<10112x128xf32, #tpu.memory_space<vmem_shared>>) offsets(%dma_start3A_211 : memref<128xi32, #tpu.memory_space<vmem>>) semaphore(%run_scoped3A : memref<!tpu.dma_semaphore, #tpu.memory_space<semaphore_mem>>) {add = true}
        %dma_wait3A_215 = arith.constant 0 : i32
        %dma_wait3A_216 = tpu.memref_slice %arg8[%add3A_178, %dma_wait3A_215] : memref<40x128xi32, #tpu.memory_space<vmem>> -> memref<1x128xi32, #tpu.memory_space<vmem>>
        %dma_wait3A_217 = tpu.memref_squeeze %dma_wait3A_216 : memref<1x128xi32, #tpu.memory_space<vmem>> -> memref<128xi32, #tpu.memory_space<vmem>>
        %dma_wait3A_218 = arith.constant 0 : i32
        %dma_wait3A_219 = arith.constant 0 : i32
        %dma_wait3A_220 = tpu.memref_slice %arg11[%dma_wait3A_218, %dma_wait3A_219] : memref<10112x128xf32, #tpu.memory_space<vmem_shared>> -> memref<10112x128xf32, #tpu.memory_space<vmem_shared>>
        tpu.wait_indirect_dma semaphore(%run_scoped3A : memref<!tpu.dma_semaphore, #tpu.memory_space<semaphore_mem>>) src(%arg9 : memref<128x128xf32, #tpu.memory_space<vmem>>) dst(%dma_wait3A_220 : memref<10112x128xf32, #tpu.memory_space<vmem_shared>>)
        tpu.yield
      }) : () -> ()
      %add3A_185 = arith.constant 2 : i32
      %add3A_186 = arith.addi %add3A_178, %add3A_185 : i32
      %lt3A_187 = arith.constant 40 : i32
      %lt3A_188 = arith.cmpi slt, %add3A_186, %lt3A_187 : i32
      %convert_element_type3A_189 = arith.extui %lt3A_188 : i1 to i32
      %cond3A_190 = arith.constant 0 : i32
      %cond3A_191 = arith.cmpi ne, %convert_element_type3A_189, %cond3A_190 : i32
      scf.if %cond3A_191 {
        %dma_start3A_209 = arith.constant 0 : i32
        %dma_start3A_210 = tpu.memref_slice %arg7[%add3A_186, %dma_start3A_209] : memref<40x128xi32, #tpu.memory_space<vmem>> -> memref<1x128xi32, #tpu.memory_space<vmem>>
        %dma_start3A_211 = tpu.memref_squeeze %dma_start3A_210 : memref<1x128xi32, #tpu.memory_space<vmem>> -> memref<128xi32, #tpu.memory_space<vmem>>
        %dma_start3A_212 = arith.constant 0 : i32
        %dma_start3A_213 = arith.constant 0 : i32
        %dma_start3A_214 = tpu.memref_slice %arg2[%dma_start3A_212, %dma_start3A_213] : memref<10016x128xf32, #tpu.memory_space<hbm>> -> memref<10016x128xf32, #tpu.memory_space<hbm>>
        tpu.enqueue_indirect_dma source(%dma_start3A_214 : memref<10016x128xf32, #tpu.memory_space<hbm>>) target(%arg9 : memref<128x128xf32, #tpu.memory_space<vmem>>) offsets(%dma_start3A_211 : memref<128xi32, #tpu.memory_space<vmem>>) semaphore(%arg12 : memref<!tpu.dma_semaphore, #tpu.memory_space<semaphore_mem>>)
      } else {
      }
      %mul3A_192 = arith.constant 2 : i32
      %mul3A_193 = arith.muli %scan3A_174, %mul3A_192 : i32
      %add3A_194 = arith.constant 1 : i32
      %add3A_195 = arith.addi %mul3A_193, %add3A_194 : i32
      %dma_wait3A_196 = arith.constant 0 : i32
      %dma_wait3A_197 = tpu.memref_slice %arg7[%add3A_195, %dma_wait3A_196] : memref<40x128xi32, #tpu.memory_space<vmem>> -> memref<1x128xi32, #tpu.memory_space<vmem>>
      %dma_wait3A_198 = tpu.memref_squeeze %dma_wait3A_197 : memref<1x128xi32, #tpu.memory_space<vmem>> -> memref<128xi32, #tpu.memory_space<vmem>>
      %dma_wait3A_199 = arith.constant 0 : i32
      %dma_wait3A_200 = arith.constant 0 : i32
      %dma_wait3A_201 = tpu.memref_slice %arg2[%dma_wait3A_199, %dma_wait3A_200] : memref<10016x128xf32, #tpu.memory_space<hbm>> -> memref<10016x128xf32, #tpu.memory_space<hbm>>
      tpu.wait_indirect_dma semaphore(%arg13 : memref<!tpu.dma_semaphore, #tpu.memory_space<semaphore_mem>>) src(%dma_wait3A_201 : memref<10016x128xf32, #tpu.memory_space<hbm>>) dst(%arg10 : memref<128x128xf32, #tpu.memory_space<vmem>>)
      "tpu.region"() ({
        %run_scoped3A = tpu.sem_alloc : memref<!tpu.dma_semaphore, #tpu.memory_space<semaphore_mem>>
        %dma_start3A_209 = arith.constant 0 : i32
        %dma_start3A_210 = tpu.memref_slice %arg8[%add3A_195, %dma_start3A_209] : memref<40x128xi32, #tpu.memory_space<vmem>> -> memref<1x128xi32, #tpu.memory_space<vmem>>
        %dma_start3A_211 = tpu.memref_squeeze %dma_start3A_210 : memref<1x128xi32, #tpu.memory_space<vmem>> -> memref<128xi32, #tpu.memory_space<vmem>>
        %dma_start3A_212 = arith.constant 0 : i32
        %dma_start3A_213 = arith.constant 0 : i32
        %dma_start3A_214 = tpu.memref_slice %arg11[%dma_start3A_212, %dma_start3A_213] : memref<10112x128xf32, #tpu.memory_space<vmem_shared>> -> memref<10112x128xf32, #tpu.memory_space<vmem_shared>>
        tpu.enqueue_indirect_dma source(%arg10 : memref<128x128xf32, #tpu.memory_space<vmem>>) target(%dma_start3A_214 : memref<10112x128xf32, #tpu.memory_space<vmem_shared>>) offsets(%dma_start3A_211 : memref<128xi32, #tpu.memory_space<vmem>>) semaphore(%run_scoped3A : memref<!tpu.dma_semaphore, #tpu.memory_space<semaphore_mem>>) {add = true}
        %dma_wait3A_215 = arith.constant 0 : i32
        %dma_wait3A_216 = tpu.memref_slice %arg8[%add3A_195, %dma_wait3A_215] : memref<40x128xi32, #tpu.memory_space<vmem>> -> memref<1x128xi32, #tpu.memory_space<vmem>>
        %dma_wait3A_217 = tpu.memref_squeeze %dma_wait3A_216 : memref<1x128xi32, #tpu.memory_space<vmem>> -> memref<128xi32, #tpu.memory_space<vmem>>
        %dma_wait3A_218 = arith.constant 0 : i32
        %dma_wait3A_219 = arith.constant 0 : i32
        %dma_wait3A_220 = tpu.memref_slice %arg11[%dma_wait3A_218, %dma_wait3A_219] : memref<10112x128xf32, #tpu.memory_space<vmem_shared>> -> memref<10112x128xf32, #tpu.memory_space<vmem_shared>>
        tpu.wait_indirect_dma semaphore(%run_scoped3A : memref<!tpu.dma_semaphore, #tpu.memory_space<semaphore_mem>>) src(%arg10 : memref<128x128xf32, #tpu.memory_space<vmem>>) dst(%dma_wait3A_220 : memref<10112x128xf32, #tpu.memory_space<vmem_shared>>)
        tpu.yield
      }) : () -> ()
      %add3A_202 = arith.constant 2 : i32
      %add3A_203 = arith.addi %add3A_195, %add3A_202 : i32
      %lt3A_204 = arith.constant 40 : i32
      %lt3A_205 = arith.cmpi slt, %add3A_203, %lt3A_204 : i32
      %convert_element_type3A_206 = arith.extui %lt3A_205 : i1 to i32
      %cond3A_207 = arith.constant 0 : i32
      %cond3A_208 = arith.cmpi ne, %convert_element_type3A_206, %cond3A_207 : i32
      scf.if %cond3A_208 {
        %dma_start3A_209 = arith.constant 0 : i32
        %dma_start3A_210 = tpu.memref_slice %arg7[%add3A_203, %dma_start3A_209] : memref<40x128xi32, #tpu.memory_space<vmem>> -> memref<1x128xi32, #tpu.memory_space<vmem>>
        %dma_start3A_211 = tpu.memref_squeeze %dma_start3A_210 : memref<1x128xi32, #tpu.memory_space<vmem>> -> memref<128xi32, #tpu.memory_space<vmem>>
        %dma_start3A_212 = arith.constant 0 : i32
        %dma_start3A_213 = arith.constant 0 : i32
        %dma_start3A_214 = tpu.memref_slice %arg2[%dma_start3A_212, %dma_start3A_213] : memref<10016x128xf32, #tpu.memory_space<hbm>> -> memref<10016x128xf32, #tpu.memory_space<hbm>>
        tpu.enqueue_indirect_dma source(%dma_start3A_214 : memref<10016x128xf32, #tpu.memory_space<hbm>>) target(%arg10 : memref<128x128xf32, #tpu.memory_space<vmem>>) offsets(%dma_start3A_211 : memref<128xi32, #tpu.memory_space<vmem>>) semaphore(%arg13 : memref<!tpu.dma_semaphore, #tpu.memory_space<semaphore_mem>>)
      } else {
      }
    }
    %scan3A_81 = arith.constant 20 : i32
    "tpu.trace_stop"() : () -> ()
    "tpu.trace_start"() <{level = 10 : i32, message = "writeout"}> : () -> ()
    %barrier3A_82 = arith.constant 0 : index
    tpu.barrier barrier_id(%barrier3A_82)
    %mul3A_83 = arith.constant 632 : i32
    %mul3A_84 = arith.muli %arg1, %mul3A_83 : i32
    %add3A_85 = arith.constant 0 : i32
    %add3A_86 = arith.addi %mul3A_84, %add3A_85 : i32
    "tpu.region"() ({
      %run_scoped3A = tpu.sem_alloc : memref<!tpu.dma_semaphore, #tpu.memory_space<semaphore_mem>>
      %dma_start3A_174 = arith.constant 0 : i32
      %dma_start3A_175 = tpu.memref_slice %arg11[%add3A_86, %dma_start3A_174] : memref<10112x128xf32, #tpu.memory_space<vmem_shared>> -> memref<128x128xf32, #tpu.memory_space<vmem_shared>>
      %dma_start3A_176 = arith.constant 0 : i32
      %dma_start3A_177 = tpu.memref_slice %arg11[%add3A_86, %dma_start3A_176] : memref<10112x128xf32, #tpu.memory_space<vmem_shared>> -> memref<128x128xf32, #tpu.memory_space<vmem_shared>>
      tpu.enqueue_dma source(%dma_start3A_177 : memref<128x128xf32, #tpu.memory_space<vmem_shared>>) target(%arg9 : memref<128x128xf32, #tpu.memory_space<vmem>>) target_semaphore(%run_scoped3A : memref<!tpu.dma_semaphore, #tpu.memory_space<semaphore_mem>>)
      %dma_wait3A_178 = arith.constant 0 : i32
      %dma_wait3A_179 = tpu.memref_slice %arg11[%add3A_86, %dma_wait3A_178] : memref<10112x128xf32, #tpu.memory_space<vmem_shared>> -> memref<128x128xf32, #tpu.memory_space<vmem_shared>>
      %dma_wait3A_180 = arith.constant 0 : i32
      %dma_wait3A_181 = tpu.memref_slice %arg11[%add3A_86, %dma_wait3A_180] : memref<10112x128xf32, #tpu.memory_space<vmem_shared>> -> memref<128x128xf32, #tpu.memory_space<vmem_shared>>
      tpu.wait_dma2 semaphore(%run_scoped3A : memref<!tpu.dma_semaphore, #tpu.memory_space<semaphore_mem>>) src(%dma_wait3A_181 : memref<128x128xf32, #tpu.memory_space<vmem_shared>>) dst(%arg9 : memref<128x128xf32, #tpu.memory_space<vmem>>)
      tpu.yield
    }) : () -> ()
    %dma_start3A_87 = arith.constant 0 : i32
    %dma_start3A_88 = tpu.memref_slice %arg6[%arg0, %add3A_86, %dma_start3A_87] : memref<2x10112x128xf32, #tpu.memory_space<hbm>> -> memref<1x128x128xf32, #tpu.memory_space<hbm>>
    %dma_start3A_89 = tpu.memref_squeeze %dma_start3A_88 : memref<1x128x128xf32, #tpu.memory_space<hbm>> -> memref<128x128xf32, #tpu.memory_space<hbm>>
    %dma_start3A_90 = arith.constant 0 : i32
    %dma_start3A_91 = tpu.memref_slice %arg6[%arg0, %add3A_86, %dma_start3A_90] : memref<2x10112x128xf32, #tpu.memory_space<hbm>> -> memref<1x128x128xf32, #tpu.memory_space<hbm>>
    %dma_start3A_92 = tpu.memref_squeeze %dma_start3A_91 : memref<1x128x128xf32, #tpu.memory_space<hbm>> -> memref<128x128xf32, #tpu.memory_space<hbm>>
    tpu.enqueue_dma source(%arg9 : memref<128x128xf32, #tpu.memory_space<vmem>>) target(%dma_start3A_92 : memref<128x128xf32, #tpu.memory_space<hbm>>) target_semaphore(%arg12 : memref<!tpu.dma_semaphore, #tpu.memory_space<semaphore_mem>>)
    %mul3A_93 = arith.constant 632 : i32
    %mul3A_94 = arith.muli %arg1, %mul3A_93 : i32
    %add3A_95 = arith.constant 128 : i32
    %add3A_96 = arith.addi %mul3A_94, %add3A_95 : i32
    "tpu.region"() ({
      %run_scoped3A = tpu.sem_alloc : memref<!tpu.dma_semaphore, #tpu.memory_space<semaphore_mem>>
      %dma_start3A_174 = arith.constant 0 : i32
      %dma_start3A_175 = tpu.memref_slice %arg11[%add3A_96, %dma_start3A_174] : memref<10112x128xf32, #tpu.memory_space<vmem_shared>> -> memref<128x128xf32, #tpu.memory_space<vmem_shared>>
      %dma_start3A_176 = arith.constant 0 : i32
      %dma_start3A_177 = tpu.memref_slice %arg11[%add3A_96, %dma_start3A_176] : memref<10112x128xf32, #tpu.memory_space<vmem_shared>> -> memref<128x128xf32, #tpu.memory_space<vmem_shared>>
      tpu.enqueue_dma source(%dma_start3A_177 : memref<128x128xf32, #tpu.memory_space<vmem_shared>>) target(%arg10 : memref<128x128xf32, #tpu.memory_space<vmem>>) target_semaphore(%run_scoped3A : memref<!tpu.dma_semaphore, #tpu.memory_space<semaphore_mem>>)
      %dma_wait3A_178 = arith.constant 0 : i32
      %dma_wait3A_179 = tpu.memref_slice %arg11[%add3A_96, %dma_wait3A_178] : memref<10112x128xf32, #tpu.memory_space<vmem_shared>> -> memref<128x128xf32, #tpu.memory_space<vmem_shared>>
      %dma_wait3A_180 = arith.constant 0 : i32
      %dma_wait3A_181 = tpu.memref_slice %arg11[%add3A_96, %dma_wait3A_180] : memref<10112x128xf32, #tpu.memory_space<vmem_shared>> -> memref<128x128xf32, #tpu.memory_space<vmem_shared>>
      tpu.wait_dma2 semaphore(%run_scoped3A : memref<!tpu.dma_semaphore, #tpu.memory_space<semaphore_mem>>) src(%dma_wait3A_181 : memref<128x128xf32, #tpu.memory_space<vmem_shared>>) dst(%arg10 : memref<128x128xf32, #tpu.memory_space<vmem>>)
      tpu.yield
    }) : () -> ()
    %dma_start3A_97 = arith.constant 0 : i32
    %dma_start3A_98 = tpu.memref_slice %arg6[%arg0, %add3A_96, %dma_start3A_97] : memref<2x10112x128xf32, #tpu.memory_space<hbm>> -> memref<1x128x128xf32, #tpu.memory_space<hbm>>
    %dma_start3A_99 = tpu.memref_squeeze %dma_start3A_98 : memref<1x128x128xf32, #tpu.memory_space<hbm>> -> memref<128x128xf32, #tpu.memory_space<hbm>>
    %dma_start3A_100 = arith.constant 0 : i32
    %dma_start3A_101 = tpu.memref_slice %arg6[%arg0, %add3A_96, %dma_start3A_100] : memref<2x10112x128xf32, #tpu.memory_space<hbm>> -> memref<1x128x128xf32, #tpu.memory_space<hbm>>
    %dma_start3A_102 = tpu.memref_squeeze %dma_start3A_101 : memref<1x128x128xf32, #tpu.memory_space<hbm>> -> memref<128x128xf32, #tpu.memory_space<hbm>>
    tpu.enqueue_dma source(%arg10 : memref<128x128xf32, #tpu.memory_space<vmem>>) target(%dma_start3A_102 : memref<128x128xf32, #tpu.memory_space<hbm>>) target_semaphore(%arg13 : memref<!tpu.dma_semaphore, #tpu.memory_space<semaphore_mem>>)
    %dma_wait3A = arith.constant 0 : i32
    %dma_wait3A_103 = tpu.memref_slice %arg6[%arg0, %add3A_86, %dma_wait3A] : memref<2x10112x128xf32, #tpu.memory_space<hbm>> -> memref<1x128x128xf32, #tpu.memory_space<hbm>>
    %dma_wait3A_104 = tpu.memref_squeeze %dma_wait3A_103 : memref<1x128x128xf32, #tpu.memory_space<hbm>> -> memref<128x128xf32, #tpu.memory_space<hbm>>
    %dma_wait3A_105 = arith.constant 0 : i32
    %dma_wait3A_106 = tpu.memref_slice %arg6[%arg0, %add3A_86, %dma_wait3A_105] : memref<2x10112x128xf32, #tpu.memory_space<hbm>> -> memref<1x128x128xf32, #tpu.memory_space<hbm>>
    %dma_wait3A_107 = tpu.memref_squeeze %dma_wait3A_106 : memref<1x128x128xf32, #tpu.memory_space<hbm>> -> memref<128x128xf32, #tpu.memory_space<hbm>>
    tpu.wait_dma2 semaphore(%arg12 : memref<!tpu.dma_semaphore, #tpu.memory_space<semaphore_mem>>) src(%arg9 : memref<128x128xf32, #tpu.memory_space<vmem>>) dst(%dma_wait3A_107 : memref<128x128xf32, #tpu.memory_space<hbm>>)
    %mul3A_108 = arith.constant 632 : i32
    %mul3A_109 = arith.muli %arg1, %mul3A_108 : i32
    %add3A_110 = arith.constant 256 : i32
    %add3A_111 = arith.addi %mul3A_109, %add3A_110 : i32
    "tpu.region"() ({
      %run_scoped3A = tpu.sem_alloc : memref<!tpu.dma_semaphore, #tpu.memory_space<semaphore_mem>>
      %dma_start3A_174 = arith.constant 0 : i32
      %dma_start3A_175 = tpu.memref_slice %arg11[%add3A_111, %dma_start3A_174] : memref<10112x128xf32, #tpu.memory_space<vmem_shared>> -> memref<128x128xf32, #tpu.memory_space<vmem_shared>>
      %dma_start3A_176 = arith.constant 0 : i32
      %dma_start3A_177 = tpu.memref_slice %arg11[%add3A_111, %dma_start3A_176] : memref<10112x128xf32, #tpu.memory_space<vmem_shared>> -> memref<128x128xf32, #tpu.memory_space<vmem_shared>>
      tpu.enqueue_dma source(%dma_start3A_177 : memref<128x128xf32, #tpu.memory_space<vmem_shared>>) target(%arg9 : memref<128x128xf32, #tpu.memory_space<vmem>>) target_semaphore(%run_scoped3A : memref<!tpu.dma_semaphore, #tpu.memory_space<semaphore_mem>>)
      %dma_wait3A_178 = arith.constant 0 : i32
      %dma_wait3A_179 = tpu.memref_slice %arg11[%add3A_111, %dma_wait3A_178] : memref<10112x128xf32, #tpu.memory_space<vmem_shared>> -> memref<128x128xf32, #tpu.memory_space<vmem_shared>>
      %dma_wait3A_180 = arith.constant 0 : i32
      %dma_wait3A_181 = tpu.memref_slice %arg11[%add3A_111, %dma_wait3A_180] : memref<10112x128xf32, #tpu.memory_space<vmem_shared>> -> memref<128x128xf32, #tpu.memory_space<vmem_shared>>
      tpu.wait_dma2 semaphore(%run_scoped3A : memref<!tpu.dma_semaphore, #tpu.memory_space<semaphore_mem>>) src(%dma_wait3A_181 : memref<128x128xf32, #tpu.memory_space<vmem_shared>>) dst(%arg9 : memref<128x128xf32, #tpu.memory_space<vmem>>)
      tpu.yield
    }) : () -> ()
    %dma_start3A_112 = arith.constant 0 : i32
    %dma_start3A_113 = tpu.memref_slice %arg6[%arg0, %add3A_111, %dma_start3A_112] : memref<2x10112x128xf32, #tpu.memory_space<hbm>> -> memref<1x128x128xf32, #tpu.memory_space<hbm>>
    %dma_start3A_114 = tpu.memref_squeeze %dma_start3A_113 : memref<1x128x128xf32, #tpu.memory_space<hbm>> -> memref<128x128xf32, #tpu.memory_space<hbm>>
    %dma_start3A_115 = arith.constant 0 : i32
    %dma_start3A_116 = tpu.memref_slice %arg6[%arg0, %add3A_111, %dma_start3A_115] : memref<2x10112x128xf32, #tpu.memory_space<hbm>> -> memref<1x128x128xf32, #tpu.memory_space<hbm>>
    %dma_start3A_117 = tpu.memref_squeeze %dma_start3A_116 : memref<1x128x128xf32, #tpu.memory_space<hbm>> -> memref<128x128xf32, #tpu.memory_space<hbm>>
    tpu.enqueue_dma source(%arg9 : memref<128x128xf32, #tpu.memory_space<vmem>>) target(%dma_start3A_117 : memref<128x128xf32, #tpu.memory_space<hbm>>) target_semaphore(%arg12 : memref<!tpu.dma_semaphore, #tpu.memory_space<semaphore_mem>>)
    %dma_wait3A_118 = arith.constant 0 : i32
    %dma_wait3A_119 = tpu.memref_slice %arg6[%arg0, %add3A_96, %dma_wait3A_118] : memref<2x10112x128xf32, #tpu.memory_space<hbm>> -> memref<1x128x128xf32, #tpu.memory_space<hbm>>
    %dma_wait3A_120 = tpu.memref_squeeze %dma_wait3A_119 : memref<1x128x128xf32, #tpu.memory_space<hbm>> -> memref<128x128xf32, #tpu.memory_space<hbm>>
    %dma_wait3A_121 = arith.constant 0 : i32
    %dma_wait3A_122 = tpu.memref_slice %arg6[%arg0, %add3A_96, %dma_wait3A_121] : memref<2x10112x128xf32, #tpu.memory_space<hbm>> -> memref<1x128x128xf32, #tpu.memory_space<hbm>>
    %dma_wait3A_123 = tpu.memref_squeeze %dma_wait3A_122 : memref<1x128x128xf32, #tpu.memory_space<hbm>> -> memref<128x128xf32, #tpu.memory_space<hbm>>
    tpu.wait_dma2 semaphore(%arg13 : memref<!tpu.dma_semaphore, #tpu.memory_space<semaphore_mem>>) src(%arg10 : memref<128x128xf32, #tpu.memory_space<vmem>>) dst(%dma_wait3A_123 : memref<128x128xf32, #tpu.memory_space<hbm>>)
    %mul3A_124 = arith.constant 632 : i32
    %mul3A_125 = arith.muli %arg1, %mul3A_124 : i32
    %add3A_126 = arith.constant 384 : i32
    %add3A_127 = arith.addi %mul3A_125, %add3A_126 : i32
    "tpu.region"() ({
      %run_scoped3A = tpu.sem_alloc : memref<!tpu.dma_semaphore, #tpu.memory_space<semaphore_mem>>
      %dma_start3A_174 = arith.constant 0 : i32
      %dma_start3A_175 = tpu.memref_slice %arg11[%add3A_127, %dma_start3A_174] : memref<10112x128xf32, #tpu.memory_space<vmem_shared>> -> memref<128x128xf32, #tpu.memory_space<vmem_shared>>
      %dma_start3A_176 = arith.constant 0 : i32
      %dma_start3A_177 = tpu.memref_slice %arg11[%add3A_127, %dma_start3A_176] : memref<10112x128xf32, #tpu.memory_space<vmem_shared>> -> memref<128x128xf32, #tpu.memory_space<vmem_shared>>
      tpu.enqueue_dma source(%dma_start3A_177 : memref<128x128xf32, #tpu.memory_space<vmem_shared>>) target(%arg10 : memref<128x128xf32, #tpu.memory_space<vmem>>) target_semaphore(%run_scoped3A : memref<!tpu.dma_semaphore, #tpu.memory_space<semaphore_mem>>)
      %dma_wait3A_178 = arith.constant 0 : i32
      %dma_wait3A_179 = tpu.memref_slice %arg11[%add3A_127, %dma_wait3A_178] : memref<10112x128xf32, #tpu.memory_space<vmem_shared>> -> memref<128x128xf32, #tpu.memory_space<vmem_shared>>
      %dma_wait3A_180 = arith.constant 0 : i32
      %dma_wait3A_181 = tpu.memref_slice %arg11[%add3A_127, %dma_wait3A_180] : memref<10112x128xf32, #tpu.memory_space<vmem_shared>> -> memref<128x128xf32, #tpu.memory_space<vmem_shared>>
      tpu.wait_dma2 semaphore(%run_scoped3A : memref<!tpu.dma_semaphore, #tpu.memory_space<semaphore_mem>>) src(%dma_wait3A_181 : memref<128x128xf32, #tpu.memory_space<vmem_shared>>) dst(%arg10 : memref<128x128xf32, #tpu.memory_space<vmem>>)
      tpu.yield
    }) : () -> ()
    %dma_start3A_128 = arith.constant 0 : i32
    %dma_start3A_129 = tpu.memref_slice %arg6[%arg0, %add3A_127, %dma_start3A_128] : memref<2x10112x128xf32, #tpu.memory_space<hbm>> -> memref<1x128x128xf32, #tpu.memory_space<hbm>>
    %dma_start3A_130 = tpu.memref_squeeze %dma_start3A_129 : memref<1x128x128xf32, #tpu.memory_space<hbm>> -> memref<128x128xf32, #tpu.memory_space<hbm>>
    %dma_start3A_131 = arith.constant 0 : i32
    %dma_start3A_132 = tpu.memref_slice %arg6[%arg0, %add3A_127, %dma_start3A_131] : memref<2x10112x128xf32, #tpu.memory_space<hbm>> -> memref<1x128x128xf32, #tpu.memory_space<hbm>>
    %dma_start3A_133 = tpu.memref_squeeze %dma_start3A_132 : memref<1x128x128xf32, #tpu.memory_space<hbm>> -> memref<128x128xf32, #tpu.memory_space<hbm>>
    tpu.enqueue_dma source(%arg10 : memref<128x128xf32, #tpu.memory_space<vmem>>) target(%dma_start3A_133 : memref<128x128xf32, #tpu.memory_space<hbm>>) target_semaphore(%arg13 : memref<!tpu.dma_semaphore, #tpu.memory_space<semaphore_mem>>)
    %dma_wait3A_134 = arith.constant 0 : i32
    %dma_wait3A_135 = tpu.memref_slice %arg6[%arg0, %add3A_111, %dma_wait3A_134] : memref<2x10112x128xf32, #tpu.memory_space<hbm>> -> memref<1x128x128xf32, #tpu.memory_space<hbm>>
    %dma_wait3A_136 = tpu.memref_squeeze %dma_wait3A_135 : memref<1x128x128xf32, #tpu.memory_space<hbm>> -> memref<128x128xf32, #tpu.memory_space<hbm>>
    %dma_wait3A_137 = arith.constant 0 : i32
    %dma_wait3A_138 = tpu.memref_slice %arg6[%arg0, %add3A_111, %dma_wait3A_137] : memref<2x10112x128xf32, #tpu.memory_space<hbm>> -> memref<1x128x128xf32, #tpu.memory_space<hbm>>
    %dma_wait3A_139 = tpu.memref_squeeze %dma_wait3A_138 : memref<1x128x128xf32, #tpu.memory_space<hbm>> -> memref<128x128xf32, #tpu.memory_space<hbm>>
    tpu.wait_dma2 semaphore(%arg12 : memref<!tpu.dma_semaphore, #tpu.memory_space<semaphore_mem>>) src(%arg9 : memref<128x128xf32, #tpu.memory_space<vmem>>) dst(%dma_wait3A_139 : memref<128x128xf32, #tpu.memory_space<hbm>>)
    %mul3A_140 = arith.constant 632 : i32
    %mul3A_141 = arith.muli %arg1, %mul3A_140 : i32
    %add3A_142 = arith.constant 512 : i32
    %add3A_143 = arith.addi %mul3A_141, %add3A_142 : i32
    "tpu.region"() ({
      %run_scoped3A = tpu.sem_alloc : memref<!tpu.dma_semaphore, #tpu.memory_space<semaphore_mem>>
      %dma_start3A_174 = arith.constant 0 : i32
      %dma_start3A_175 = arith.constant 0 : i32
      %dma_start3A_176 = tpu.memref_slice %arg9[%dma_start3A_174, %dma_start3A_175] : memref<128x128xf32, #tpu.memory_space<vmem>> -> memref<120x128xf32, #tpu.memory_space<vmem>>
      %dma_start3A_177 = arith.constant 0 : i32
      %dma_start3A_178 = tpu.memref_slice %arg11[%add3A_143, %dma_start3A_177] : memref<10112x128xf32, #tpu.memory_space<vmem_shared>> -> memref<120x128xf32, #tpu.memory_space<vmem_shared>>
      %dma_start3A_179 = arith.constant 0 : i32
      %dma_start3A_180 = arith.constant 0 : i32
      %dma_start3A_181 = tpu.memref_slice %arg9[%dma_start3A_179, %dma_start3A_180] : memref<128x128xf32, #tpu.memory_space<vmem>> -> memref<120x128xf32, #tpu.memory_space<vmem>>
      %dma_start3A_182 = arith.constant 0 : i32
      %dma_start3A_183 = tpu.memref_slice %arg11[%add3A_143, %dma_start3A_182] : memref<10112x128xf32, #tpu.memory_space<vmem_shared>> -> memref<120x128xf32, #tpu.memory_space<vmem_shared>>
      tpu.enqueue_dma source(%dma_start3A_183 : memref<120x128xf32, #tpu.memory_space<vmem_shared>>) target(%dma_start3A_181 : memref<120x128xf32, #tpu.memory_space<vmem>>) target_semaphore(%run_scoped3A : memref<!tpu.dma_semaphore, #tpu.memory_space<semaphore_mem>>)
      %dma_wait3A_184 = arith.constant 0 : i32
      %dma_wait3A_185 = arith.constant 0 : i32
      %dma_wait3A_186 = tpu.memref_slice %arg9[%dma_wait3A_184, %dma_wait3A_185] : memref<128x128xf32, #tpu.memory_space<vmem>> -> memref<120x128xf32, #tpu.memory_space<vmem>>
      %dma_wait3A_187 = arith.constant 0 : i32
      %dma_wait3A_188 = tpu.memref_slice %arg11[%add3A_143, %dma_wait3A_187] : memref<10112x128xf32, #tpu.memory_space<vmem_shared>> -> memref<120x128xf32, #tpu.memory_space<vmem_shared>>
      %dma_wait3A_189 = arith.constant 0 : i32
      %dma_wait3A_190 = arith.constant 0 : i32
      %dma_wait3A_191 = tpu.memref_slice %arg9[%dma_wait3A_189, %dma_wait3A_190] : memref<128x128xf32, #tpu.memory_space<vmem>> -> memref<120x128xf32, #tpu.memory_space<vmem>>
      %dma_wait3A_192 = arith.constant 0 : i32
      %dma_wait3A_193 = tpu.memref_slice %arg11[%add3A_143, %dma_wait3A_192] : memref<10112x128xf32, #tpu.memory_space<vmem_shared>> -> memref<120x128xf32, #tpu.memory_space<vmem_shared>>
      tpu.wait_dma2 semaphore(%run_scoped3A : memref<!tpu.dma_semaphore, #tpu.memory_space<semaphore_mem>>) src(%dma_wait3A_193 : memref<120x128xf32, #tpu.memory_space<vmem_shared>>) dst(%dma_wait3A_191 : memref<120x128xf32, #tpu.memory_space<vmem>>)
      tpu.yield
    }) : () -> ()
    %dma_start3A_144 = arith.constant 0 : i32
    %dma_start3A_145 = arith.constant 0 : i32
    %dma_start3A_146 = tpu.memref_slice %arg9[%dma_start3A_144, %dma_start3A_145] : memref<128x128xf32, #tpu.memory_space<vmem>> -> memref<120x128xf32, #tpu.memory_space<vmem>>
    %dma_start3A_147 = arith.constant 0 : i32
    %dma_start3A_148 = tpu.memref_slice %arg6[%arg0, %add3A_143, %dma_start3A_147] : memref<2x10112x128xf32, #tpu.memory_space<hbm>> -> memref<1x120x128xf32, #tpu.memory_space<hbm>>
    %dma_start3A_149 = tpu.memref_squeeze %dma_start3A_148 : memref<1x120x128xf32, #tpu.memory_space<hbm>> -> memref<120x128xf32, #tpu.memory_space<hbm>>
    %dma_start3A_150 = arith.constant 0 : i32
    %dma_start3A_151 = tpu.memref_slice %arg6[%arg0, %add3A_143, %dma_start3A_150] : memref<2x10112x128xf32, #tpu.memory_space<hbm>> -> memref<1x120x128xf32, #tpu.memory_space<hbm>>
    %dma_start3A_152 = tpu.memref_squeeze %dma_start3A_151 : memref<1x120x128xf32, #tpu.memory_space<hbm>> -> memref<120x128xf32, #tpu.memory_space<hbm>>
    %dma_start3A_153 = arith.constant 0 : i32
    %dma_start3A_154 = arith.constant 0 : i32
    %dma_start3A_155 = tpu.memref_slice %arg9[%dma_start3A_153, %dma_start3A_154] : memref<128x128xf32, #tpu.memory_space<vmem>> -> memref<120x128xf32, #tpu.memory_space<vmem>>
    tpu.enqueue_dma source(%dma_start3A_155 : memref<120x128xf32, #tpu.memory_space<vmem>>) target(%dma_start3A_152 : memref<120x128xf32, #tpu.memory_space<hbm>>) target_semaphore(%arg12 : memref<!tpu.dma_semaphore, #tpu.memory_space<semaphore_mem>>)
    %dma_wait3A_156 = arith.constant 0 : i32
    %dma_wait3A_157 = arith.constant 0 : i32
    %dma_wait3A_158 = tpu.memref_slice %arg9[%dma_wait3A_156, %dma_wait3A_157] : memref<128x128xf32, #tpu.memory_space<vmem>> -> memref<120x128xf32, #tpu.memory_space<vmem>>
    %dma_wait3A_159 = arith.constant 0 : i32
    %dma_wait3A_160 = tpu.memref_slice %arg6[%arg0, %add3A_143, %dma_wait3A_159] : memref<2x10112x128xf32, #tpu.memory_space<hbm>> -> memref<1x120x128xf32, #tpu.memory_space<hbm>>
    %dma_wait3A_161 = tpu.memref_squeeze %dma_wait3A_160 : memref<1x120x128xf32, #tpu.memory_space<hbm>> -> memref<120x128xf32, #tpu.memory_space<hbm>>
    %dma_wait3A_162 = arith.constant 0 : i32
    %dma_wait3A_163 = tpu.memref_slice %arg6[%arg0, %add3A_143, %dma_wait3A_162] : memref<2x10112x128xf32, #tpu.memory_space<hbm>> -> memref<1x120x128xf32, #tpu.memory_space<hbm>>
    %dma_wait3A_164 = tpu.memref_squeeze %dma_wait3A_163 : memref<1x120x128xf32, #tpu.memory_space<hbm>> -> memref<120x128xf32, #tpu.memory_space<hbm>>
    %dma_wait3A_165 = arith.constant 0 : i32
    %dma_wait3A_166 = arith.constant 0 : i32
    %dma_wait3A_167 = tpu.memref_slice %arg9[%dma_wait3A_165, %dma_wait3A_166] : memref<128x128xf32, #tpu.memory_space<vmem>> -> memref<120x128xf32, #tpu.memory_space<vmem>>
    tpu.wait_dma2 semaphore(%arg12 : memref<!tpu.dma_semaphore, #tpu.memory_space<semaphore_mem>>) src(%dma_wait3A_167 : memref<120x128xf32, #tpu.memory_space<vmem>>) dst(%dma_wait3A_164 : memref<120x128xf32, #tpu.memory_space<hbm>>)
    %dma_wait3A_168 = arith.constant 0 : i32
    %dma_wait3A_169 = tpu.memref_slice %arg6[%arg0, %add3A_127, %dma_wait3A_168] : memref<2x10112x128xf32, #tpu.memory_space<hbm>> -> memref<1x128x128xf32, #tpu.memory_space<hbm>>
    %dma_wait3A_170 = tpu.memref_squeeze %dma_wait3A_169 : memref<1x128x128xf32, #tpu.memory_space<hbm>> -> memref<128x128xf32, #tpu.memory_space<hbm>>
    %dma_wait3A_171 = arith.constant 0 : i32
    %dma_wait3A_172 = tpu.memref_slice %arg6[%arg0, %add3A_127, %dma_wait3A_171] : memref<2x10112x128xf32, #tpu.memory_space<hbm>> -> memref<1x128x128xf32, #tpu.memory_space<hbm>>
    %dma_wait3A_173 = tpu.memref_squeeze %dma_wait3A_172 : memref<1x128x128xf32, #tpu.memory_space<hbm>> -> memref<128x128xf32, #tpu.memory_space<hbm>>
    tpu.wait_dma2 semaphore(%arg13 : memref<!tpu.dma_semaphore, #tpu.memory_space<semaphore_mem>>) src(%arg10 : memref<128x128xf32, #tpu.memory_space<vmem>>) dst(%dma_wait3A_173 : memref<128x128xf32, #tpu.memory_space<hbm>>)
    "tpu.trace_stop"() : () -> ()
    return
  }
}

module attributes {stable_mosaic.version = 14 : i64} {
  func.func @_fc_in_body(%arg0: memref<10000x128xf32, #tpu.memory_space<vmem>>, %arg1: memref<128x128xf32, #tpu.memory_space<vmem>>, %arg2: memref<10016x128xf32, #tpu.memory_space<vmem>>) attributes {dimension_semantics = [], scalar_prefetch = 0 : i64, scratch_operands = 0 : i64, tpu.core_type = #tpu.core_type<tc>} {
    %get3A = arith.constant 0 : index
    %get3A_0 = arith.constant 0 : index
    %get3A_1 = vector.load %arg0[%get3A, %get3A_0] : memref<10000x128xf32, #tpu.memory_space<vmem>>, vector<10000x128xf32>
    %get3A_2 = arith.constant 0 : index
    %get3A_3 = arith.constant 0 : index
    %get3A_4 = vector.load %arg1[%get3A_2, %get3A_3] : memref<128x128xf32, #tpu.memory_space<vmem>>, vector<128x128xf32>
    %dot_general3A = arith.constant dense<0.000000e+00> : vector<10000x128xf32>
    %dot_general3A_5 = tpu.matmul %get3A_1, %get3A_4, %dot_general3A {dimension_numbers = #tpu.dot_dimension_numbers<[1], [0], [0], [1], [0, 0, 1, 1], [], []>, transpose_lhs_hint = false} : vector<10000x128xf32>, vector<128x128xf32>, vector<10000x128xf32> -> vector<10000x128xf32>
    %reduce_sum3A = arith.constant dense<0.000000e+00> : vector<128xf32>
    %reduce_sum3A_6 = vector.multi_reduction <add>, %dot_general3A_5, %reduce_sum3A [0] : vector<10000x128xf32> to vector<128xf32>
    %broadcast_in_dim3A = vector.shape_cast %reduce_sum3A_6 : vector<128xf32> to vector<1x128xf32>
    %div3A = arith.constant 1.000000e+04 : f32
    %div3A_7 = vector.broadcast %div3A : f32 to vector<1x128xf32>
    %div3A_8 = arith.divf %broadcast_in_dim3A, %div3A_7 : vector<1x128xf32>
    %sub3A = vector.broadcast %div3A_8 : vector<1x128xf32> to vector<10000x128xf32>
    %sub3A_9 = arith.subf %dot_general3A_5, %sub3A : vector<10000x128xf32>
    %mul3A = arith.mulf %sub3A_9, %sub3A_9 : vector<10000x128xf32>
    %reduce_sum3A_10 = arith.constant dense<0.000000e+00> : vector<128xf32>
    %reduce_sum3A_11 = vector.multi_reduction <add>, %mul3A, %reduce_sum3A_10 [0] : vector<10000x128xf32> to vector<128xf32>
    %broadcast_in_dim3A_12 = vector.shape_cast %reduce_sum3A_11 : vector<128xf32> to vector<1x128xf32>
    %div3A_13 = arith.constant 1.000000e+04 : f32
    %div3A_14 = vector.broadcast %div3A_13 : f32 to vector<1x128xf32>
    %div3A_15 = arith.divf %broadcast_in_dim3A_12, %div3A_14 : vector<1x128xf32>
    %add3A = arith.constant 9.99999974E-6 : f32
    %add3A_16 = vector.broadcast %add3A : f32 to vector<1x128xf32>
    %add3A_17 = arith.addf %div3A_15, %add3A_16 : vector<1x128xf32>
    %rsqrt3A = math.rsqrt %add3A_17 : vector<1x128xf32>
    %mul3A_18 = vector.broadcast %rsqrt3A : vector<1x128xf32> to vector<10000x128xf32>
    %mul3A_19 = arith.mulf %sub3A_9, %mul3A_18 : vector<10000x128xf32>
    %max3A = arith.constant 0.000000e+00 : f32
    %max3A_20 = vector.broadcast %max3A : f32 to vector<10000x128xf32>
    %max3A_21 = arith.maximumf %mul3A_19, %max3A_20 : vector<10000x128xf32>
    %swap3A = arith.constant 0 : index
    %swap3A_22 = arith.constant 0 : index
    %swap3A_23 = vector.load %arg2[%swap3A, %swap3A_22] : memref<10016x128xf32, #tpu.memory_space<vmem>>, vector<10000x128xf32>
    tpu.vector_store %arg2[%swap3A, %swap3A_22], %max3A_21 {strides = array<i32>} : memref<10016x128xf32, #tpu.memory_space<vmem>>, vector<10000x128xf32>,
    %broadcast_in_dim3A_24 = arith.constant 0.000000e+00 : f32
    %broadcast_in_dim3A_25 = vector.broadcast %broadcast_in_dim3A_24 : f32 to vector<16x128xf32>
    %swap3A_26 = arith.constant 10000 : index
    %swap3A_27 = arith.constant 0 : index
    %swap3A_28 = vector.load %arg2[%swap3A_26, %swap3A_27] : memref<10016x128xf32, #tpu.memory_space<vmem>>, vector<16x128xf32>
    tpu.vector_store %arg2[%swap3A_26, %swap3A_27], %broadcast_in_dim3A_25 {strides = array<i32>} : memref<10016x128xf32, #tpu.memory_space<vmem>>, vector<16x128xf32>,
    return
  }
}

module attributes {stable_mosaic.version = 14 : i64} {
  func.func @_fc_fin_body(%arg0: memref<2x10112x128xf32, #tpu.memory_space<vmem>>, %arg1: memref<128x128xf32, #tpu.memory_space<vmem>>, %arg2: memref<1x128xf32, #tpu.memory_space<vmem>>, %arg3: memref<10000x128xf32, #tpu.memory_space<vmem>>) attributes {dimension_semantics = [], scalar_prefetch = 0 : i64, scratch_operands = 0 : i64, tpu.core_type = #tpu.core_type<tc>} {
    %get3A = arith.constant 0 : index
    %get3A_0 = arith.constant 0 : index
    %get3A_1 = arith.constant 0 : index
    %get3A_2 = vector.load %arg0[%get3A, %get3A_0, %get3A_1] : memref<2x10112x128xf32, #tpu.memory_space<vmem>>, vector<1x10000x128xf32>
    %get3A_3 = vector.shape_cast %get3A_2 : vector<1x10000x128xf32> to vector<10000x128xf32>
    %get3A_4 = arith.constant 1 : index
    %get3A_5 = arith.constant 0 : index
    %get3A_6 = arith.constant 0 : index
    %get3A_7 = vector.load %arg0[%get3A_4, %get3A_5, %get3A_6] : memref<2x10112x128xf32, #tpu.memory_space<vmem>>, vector<1x10000x128xf32>
    %get3A_8 = vector.shape_cast %get3A_7 : vector<1x10000x128xf32> to vector<10000x128xf32>
    %add3A = arith.addf %get3A_3, %get3A_8 : vector<10000x128xf32>
    %get3A_9 = arith.constant 0 : index
    %get3A_10 = arith.constant 0 : index
    %get3A_11 = vector.load %arg1[%get3A_9, %get3A_10] : memref<128x128xf32, #tpu.memory_space<vmem>>, vector<128x128xf32>
    %dot_general3A = arith.constant dense<0.000000e+00> : vector<10000x128xf32>
    %dot_general3A_12 = tpu.matmul %add3A, %get3A_11, %dot_general3A {dimension_numbers = #tpu.dot_dimension_numbers<[1], [0], [0], [1], [0, 0, 1, 1], [], []>, transpose_lhs_hint = false} : vector<10000x128xf32>, vector<128x128xf32>, vector<10000x128xf32> -> vector<10000x128xf32>
    %get3A_13 = arith.constant 0 : index
    %get3A_14 = arith.constant 0 : index
    %get3A_15 = vector.load %arg2[%get3A_13, %get3A_14] : memref<1x128xf32, #tpu.memory_space<vmem>>, vector<1x128xf32>
    %add3A_16 = vector.broadcast %get3A_15 : vector<1x128xf32> to vector<10000x128xf32>
    %add3A_17 = arith.addf %dot_general3A_12, %add3A_16 : vector<10000x128xf32>
    %reduce_sum3A = arith.constant dense<0.000000e+00> : vector<128xf32>
    %reduce_sum3A_18 = vector.multi_reduction <add>, %add3A_17, %reduce_sum3A [0] : vector<10000x128xf32> to vector<128xf32>
    %broadcast_in_dim3A = vector.shape_cast %reduce_sum3A_18 : vector<128xf32> to vector<1x128xf32>
    %div3A = arith.constant 1.000000e+04 : f32
    %div3A_19 = vector.broadcast %div3A : f32 to vector<1x128xf32>
    %div3A_20 = arith.divf %broadcast_in_dim3A, %div3A_19 : vector<1x128xf32>
    %sub3A = vector.broadcast %div3A_20 : vector<1x128xf32> to vector<10000x128xf32>
    %sub3A_21 = arith.subf %add3A_17, %sub3A : vector<10000x128xf32>
    %mul3A = arith.mulf %sub3A_21, %sub3A_21 : vector<10000x128xf32>
    %reduce_sum3A_22 = arith.constant dense<0.000000e+00> : vector<128xf32>
    %reduce_sum3A_23 = vector.multi_reduction <add>, %mul3A, %reduce_sum3A_22 [0] : vector<10000x128xf32> to vector<128xf32>
    %broadcast_in_dim3A_24 = vector.shape_cast %reduce_sum3A_23 : vector<128xf32> to vector<1x128xf32>
    %div3A_25 = arith.constant 1.000000e+04 : f32
    %div3A_26 = vector.broadcast %div3A_25 : f32 to vector<1x128xf32>
    %div3A_27 = arith.divf %broadcast_in_dim3A_24, %div3A_26 : vector<1x128xf32>
    %add3A_28 = arith.constant 9.99999974E-6 : f32
    %add3A_29 = vector.broadcast %add3A_28 : f32 to vector<1x128xf32>
    %add3A_30 = arith.addf %div3A_27, %add3A_29 : vector<1x128xf32>
    %rsqrt3A = math.rsqrt %add3A_30 : vector<1x128xf32>
    %mul3A_31 = vector.broadcast %rsqrt3A : vector<1x128xf32> to vector<10000x128xf32>
    %mul3A_32 = arith.mulf %sub3A_21, %mul3A_31 : vector<10000x128xf32>
    %max3A = arith.constant 0.000000e+00 : f32
    %max3A_33 = vector.broadcast %max3A : f32 to vector<10000x128xf32>
    %max3A_34 = arith.maximumf %mul3A_32, %max3A_33 : vector<10000x128xf32>
    %swap3A = arith.constant 0 : index
    %swap3A_35 = arith.constant 0 : index
    %swap3A_36 = vector.load %arg3[%swap3A, %swap3A_35] : memref<10000x128xf32, #tpu.memory_space<vmem>>, vector<10000x128xf32>
    tpu.vector_store %arg3[%swap3A, %swap3A_35], %max3A_34 {strides = array<i32>} : memref<10000x128xf32, #tpu.memory_space<vmem>>, vector<10000x128xf32>,
    return
  }
}

module attributes {stable_mosaic.version = 14 : i64} {
  func.func @_fc_mid_body(%arg0: memref<2x10112x128xf32, #tpu.memory_space<vmem>>, %arg1: memref<128x128xf32, #tpu.memory_space<vmem>>, %arg2: memref<1x128xf32, #tpu.memory_space<vmem>>, %arg3: memref<10016x128xf32, #tpu.memory_space<vmem>>) attributes {dimension_semantics = [], scalar_prefetch = 0 : i64, scratch_operands = 0 : i64, tpu.core_type = #tpu.core_type<tc>} {
    %get3A = arith.constant 0 : index
    %get3A_0 = arith.constant 0 : index
    %get3A_1 = arith.constant 0 : index
    %get3A_2 = vector.load %arg0[%get3A, %get3A_0, %get3A_1] : memref<2x10112x128xf32, #tpu.memory_space<vmem>>, vector<1x10000x128xf32>
    %get3A_3 = vector.shape_cast %get3A_2 : vector<1x10000x128xf32> to vector<10000x128xf32>
    %get3A_4 = arith.constant 1 : index
    %get3A_5 = arith.constant 0 : index
    %get3A_6 = arith.constant 0 : index
    %get3A_7 = vector.load %arg0[%get3A_4, %get3A_5, %get3A_6] : memref<2x10112x128xf32, #tpu.memory_space<vmem>>, vector<1x10000x128xf32>
    %get3A_8 = vector.shape_cast %get3A_7 : vector<1x10000x128xf32> to vector<10000x128xf32>
    %add3A = arith.addf %get3A_3, %get3A_8 : vector<10000x128xf32>
    %get3A_9 = arith.constant 0 : index
    %get3A_10 = arith.constant 0 : index
    %get3A_11 = vector.load %arg1[%get3A_9, %get3A_10] : memref<128x128xf32, #tpu.memory_space<vmem>>, vector<128x128xf32>
    %dot_general3A = arith.constant dense<0.000000e+00> : vector<10000x128xf32>
    %dot_general3A_12 = tpu.matmul %add3A, %get3A_11, %dot_general3A {dimension_numbers = #tpu.dot_dimension_numbers<[1], [0], [0], [1], [0, 0, 1, 1], [], []>, transpose_lhs_hint = false} : vector<10000x128xf32>, vector<128x128xf32>, vector<10000x128xf32> -> vector<10000x128xf32>
    %get3A_13 = arith.constant 0 : index
    %get3A_14 = arith.constant 0 : index
    %get3A_15 = vector.load %arg2[%get3A_13, %get3A_14] : memref<1x128xf32, #tpu.memory_space<vmem>>, vector<1x128xf32>
    %add3A_16 = vector.broadcast %get3A_15 : vector<1x128xf32> to vector<10000x128xf32>
    %add3A_17 = arith.addf %dot_general3A_12, %add3A_16 : vector<10000x128xf32>
    %reduce_sum3A = arith.constant dense<0.000000e+00> : vector<128xf32>
    %reduce_sum3A_18 = vector.multi_reduction <add>, %add3A_17, %reduce_sum3A [0] : vector<10000x128xf32> to vector<128xf32>
    %broadcast_in_dim3A = vector.shape_cast %reduce_sum3A_18 : vector<128xf32> to vector<1x128xf32>
    %div3A = arith.constant 1.000000e+04 : f32
    %div3A_19 = vector.broadcast %div3A : f32 to vector<1x128xf32>
    %div3A_20 = arith.divf %broadcast_in_dim3A, %div3A_19 : vector<1x128xf32>
    %sub3A = vector.broadcast %div3A_20 : vector<1x128xf32> to vector<10000x128xf32>
    %sub3A_21 = arith.subf %add3A_17, %sub3A : vector<10000x128xf32>
    %mul3A = arith.mulf %sub3A_21, %sub3A_21 : vector<10000x128xf32>
    %reduce_sum3A_22 = arith.constant dense<0.000000e+00> : vector<128xf32>
    %reduce_sum3A_23 = vector.multi_reduction <add>, %mul3A, %reduce_sum3A_22 [0] : vector<10000x128xf32> to vector<128xf32>
    %broadcast_in_dim3A_24 = vector.shape_cast %reduce_sum3A_23 : vector<128xf32> to vector<1x128xf32>
    %div3A_25 = arith.constant 1.000000e+04 : f32
    %div3A_26 = vector.broadcast %div3A_25 : f32 to vector<1x128xf32>
    %div3A_27 = arith.divf %broadcast_in_dim3A_24, %div3A_26 : vector<1x128xf32>
    %add3A_28 = arith.constant 9.99999974E-6 : f32
    %add3A_29 = vector.broadcast %add3A_28 : f32 to vector<1x128xf32>
    %add3A_30 = arith.addf %div3A_27, %add3A_29 : vector<1x128xf32>
    %rsqrt3A = math.rsqrt %add3A_30 : vector<1x128xf32>
    %mul3A_31 = vector.broadcast %rsqrt3A : vector<1x128xf32> to vector<10000x128xf32>
    %mul3A_32 = arith.mulf %sub3A_21, %mul3A_31 : vector<10000x128xf32>
    %max3A = arith.constant 0.000000e+00 : f32
    %max3A_33 = vector.broadcast %max3A : f32 to vector<10000x128xf32>
    %max3A_34 = arith.maximumf %mul3A_32, %max3A_33 : vector<10000x128xf32>
    %swap3A = arith.constant 0 : index
    %swap3A_35 = arith.constant 0 : index
    %swap3A_36 = vector.load %arg3[%swap3A, %swap3A_35] : memref<10016x128xf32, #tpu.memory_space<vmem>>, vector<10000x128xf32>
    tpu.vector_store %arg3[%swap3A, %swap3A_35], %max3A_34 {strides = array<i32>} : memref<10016x128xf32, #tpu.memory_space<vmem>>, vector<10000x128xf32>,
    %broadcast_in_dim3A_37 = arith.constant 0.000000e+00 : f32
    %broadcast_in_dim3A_38 = vector.broadcast %broadcast_in_dim3A_37 : f32 to vector<16x128xf32>
    %swap3A_39 = arith.constant 10000 : index
    %swap3A_40 = arith.constant 0 : index
    %swap3A_41 = vector.load %arg3[%swap3A_39, %swap3A_40] : memref<10016x128xf32, #tpu.memory_space<vmem>>, vector<16x128xf32>
    tpu.vector_store %arg3[%swap3A_39, %swap3A_40], %broadcast_in_dim3A_38 {strides = array<i32>} : memref<10016x128xf32, #tpu.memory_space<vmem>>, vector<16x128xf32>,
    return
  }
}

</mosaic_0001>

<sc_bundles>
// kernel: kernel.10.cloned.1.call-start
scs
__scs_entry_jumppad:
0x0: {  	(pc) =	sbr.rel $0x88, $3  }
0x1: {  	(tag) =	ssettag $0x0;
	lr =	simm.s32 $0x1  }
0x2: {  	[smem:$0x3F9A] =	sst lr;
	_ =	strace $0xD0000000  }
0x3: {  	_ = 	snop  }
0x4: {  	_ = 	snop  }
0x5: {  	_ = 	snop  }
0x6: {  	_ = 	snop  }
0x7: {  	_ = 	snop  }
__scs_overlays_trampoline_lowered:
0x8: {  	[smem:$0x3FA9] =	sst s0  }
0x9: {  	[smem:$0x3FAA] =	sst s1  }
0xa: {  	[smem:$0x3FAB] =	sst s2  }
0xb: {  	[smem:$0x3FAC] =	sst s3  }
0xc: {  	[smem:$0x3FAD] =	sst s4  }
0xd: {  	[smem:$0x3FAE] =	sst s5  }
0xe: {  	[smem:$0x3FAF] =	sst s6  }
0xf: {  	[smem:$0x3FB0] =	sst s7  }
0x10: {  	[smem:$0x3FB1] =	sst s8  }
0x11: {  	[smem:$0x3FB2] =	sst s9;
	s0 =	simm.s32 @!p0 $0x0  }
0x12: {  	s1 =	sld [smem:$0x3F98];
	s0 =	simm.s32 @p0 $0x1  }
0x13: {  	[smem:$0x3FB3] =	sst s0;
	s0 =	simm.s32 @!p1 $0x0  }
0x14: {  	s2 =	sld [smem:$0x3F97];
	s0 =	simm.s32 @p1 $0x1  }
0x15: {  	[smem:$0x3FB4] =	sst s0;
	s0 =	simm.s32 @!p2 $0x0  }
0x16: {  	s3 =	sld [smem:$0x3FDB];
	s0 =	simm.s32 @p2 $0x1  }
0x17: {  	s4 =	simm.s32 $0x1BF5;
	[smem:$0x3FB6] =	sst s0  }
0x18: {  	s0 =	sld [smem:$0x3F99];
	_ =	swait.ge [sflag:s4], $0x0  }
0x19: {  	s7 =	sld [smem:$0x3F9A]  }
0x1a: {  	s8 =	sadd.s32 $0xFFFFE003, lr  }
0x1b: {  	s9 =	sadd.s32 $0xFFFFFEF7, lr;
	s5 =	simm.s32 $0xFFFFFFFF;
	p2 =	slt.u32 s8, $0xFFFFF086  }
0x1c: {  	p1 =	slt.u32 s9, $0xF7A;
	s5 =	simm.s32 @!p2 $0x0  }
0x1d: {  	s5 =	simm.s32 @p1 $0x1;
	p0 =	seq.s32 s7, s2  }
0x1e: {  	s7 =	smul.u32 @!p0 $0xF7A, s2;
	p2 =	seq.s32 @!p0 s5, $0x0  }
0x1f: {  	s9 =	smul.u32 $0xF7A, s1;
	s8 =	simm.s32 @!p0 $0x1BF5;
	p2 =	por !p2, p0  }
0x20: {  	[sflag:s8] =	ssyncset.s32 @!p0 $0xFFFFF086;
	s6 =	sadd.s32 @!p0 s3, s7;
	s7 =	simm.s32 @!p0 $0x108  }
0x21: {  	s3 =	sadd.s32 s3, s9;
	s6 =	sadd.s32 @!p0 $0x88, s6;
	s7 =	simm.s32 @p2 $0x1082  }
0x22: {  	[simem:s7], [sflag:s8] =	dma.local @!p0 [hbm:s6], $0xF7A  }
0x23: {  	s9 =	sor.u32 $0xD0000000, s2;
	s6 =	simm.s32 $0x108;
	_ =	swait.ge @!p0 [sflag:s8], $0x0  }
0x24: {  	s3 =	sadd.s32 $0x88, s3;
	s6 =	simm.s32 @!p1 $0x1082;
	[sflag:s4] =	ssyncset.s32 $0xFFFFF086  }
0x25: {  	[simem:s6], [sflag:s4] =	dma.local [hbm:s3], $0xF7A  }
0x26: {  	[smem:$0x3F9A] =	sst s1;
	(tag) =	ssettag s2;
	_ =	strace s9  }
0x27: {  	s1 =	sld [smem:$0x3FAA]  }
0x28: {  	s2 =	sld [smem:$0x3FAB]  }
0x29: {  	s4 =	sld [smem:$0x3FAD]  }
0x2a: {  	p0 =	seq.s32 s5, $0x0;
	s5 =	sld [smem:$0x3FAE]  }
0x2b: {  	s6 =	sld [smem:$0x3FAF]  }
0x2c: {  	s7 =	sld [smem:$0x3FB0]  }
0x2d: {  	s3 =	simm.s32 $0x108;
	s8 =	sld [smem:$0x3FB1]  }
0x2e: {  	s3 =	simm.s32 @!p0 $0x1082;
	s9 =	sld [smem:$0x3FB2]  }
0x2f: {  	lr =	sadd.s32 s0, s3;
	s0 =	sld [smem:$0x3FA9]  }
0x30: {  	s3 =	sld [smem:$0x3FAC]  }
0x31: {  	[smem:$0x3FB5] =	sst s10  }
0x32: {  	s10 =	sld [smem:$0x3FB3];
	_ =	sdelay $0x3  }
0x33: {  	p0 =	seq.s32 s10, $0x1;
	s10 =	sld [smem:$0x3FB5];
	_ =	sdelay $0x3  }
0x34: {  	[smem:$0x3FB5] =	sst s10  }
0x35: {  	s10 =	sld [smem:$0x3FB4];
	_ =	sdelay $0x3  }
0x36: {  	p1 =	seq.s32 s10, $0x1;
	s10 =	sld [smem:$0x3FB5];
	_ =	sdelay $0x3  }
0x37: {  	[smem:$0x3FB5] =	sst s10  }
0x38: {  	s10 =	sld [smem:$0x3FB6]  }
0x39: {  	_ = 	snop;
	(pc) =	sbr.ind lr, $3  }
0x3a: {  	_ = 	snop  }
0x3b: {  	_ = 	snop  }
0x3c: {  	p2 =	seq.s32 s10, $0x1;
	s10 =	sld [smem:$0x3FB5]  }
0x3d: {  	_ =	shalt  }
0x3e: {  	_ =	shalt  }
0x3f: {  	_ =	shalt  }
0x40: {  	_ =	shalt  }
0x41: {  	_ =	shalt  }
0x42: {  	_ =	shalt  }
0x43: {  	_ =	shalt  }
0x44: {  	_ =	shalt  }
0x45: {  	_ =	shalt  }
0x46: {  	_ =	shalt  }
0x47: {  	_ =	shalt  }
0x48: {  	_ =	shalt  }
0x49: {  	_ =	shalt  }
0x4a: {  	_ =	shalt  }
0x4b: {  	_ =	shalt  }
0x4c: {  	_ =	shalt  }
0x4d: {  	_ =	shalt  }
0x4e: {  	_ =	shalt  }
0x4f: {  	_ =	shalt  }
0x50: {  	_ =	shalt  }
0x51: {  	_ =	shalt  }
0x52: {  	_ =	shalt  }
0x53: {  	_ =	shalt  }
0x54: {  	_ =	shalt  }
0x55: {  	_ =	shalt  }
0x56: {  	_ =	shalt  }
0x57: {  	_ =	shalt  }
0x58: {  	_ =	shalt  }
0x59: {  	_ =	shalt  }
0x5a: {  	_ =	shalt  }
0x5b: {  	_ =	shalt  }
0x5c: {  	_ =	shalt  }
0x5d: {  	_ =	shalt  }
0x5e: {  	_ =	shalt  }
0x5f: {  	_ =	shalt  }
0x60: {  	_ =	shalt  }
0x61: {  	_ =	shalt  }
0x62: {  	_ =	shalt  }
0x63: {  	_ =	shalt  }
0x64: {  	_ =	shalt  }
0x65: {  	_ =	shalt  }
0x66: {  	_ =	shalt  }
0x67: {  	_ =	shalt  }
0x68: {  	_ =	shalt  }
0x69: {  	_ =	shalt  }
0x6a: {  	_ =	shalt  }
0x6b: {  	_ =	shalt  }
0x6c: {  	_ =	shalt  }
0x6d: {  	_ =	shalt  }
0x6e: {  	_ =	shalt  }
0x6f: {  	_ =	shalt  }
0x70: {  	_ =	shalt  }
0x71: {  	_ =	shalt  }
0x72: {  	_ =	shalt  }
0x73: {  	_ =	shalt  }
0x74: {  	_ =	shalt  }
0x75: {  	_ =	shalt  }
0x76: {  	_ =	shalt  }
0x77: {  	_ =	shalt  }
0x78: {  	_ =	shalt  }
0x79: {  	_ =	shalt  }
0x7a: {  	_ =	shalt  }
0x7b: {  	_ =	shalt  }
0x7c: {  	_ =	shalt  }
0x7d: {  	_ =	shalt  }
0x7e: {  	_ =	shalt  }
0x7f: {  	_ =	shalt  }
0x80: {  	_ =	shalt  }
0x81: {  	_ =	shalt  }
0x82: {  	_ =	shalt  }
0x83: {  	_ =	shalt  }
0x84: {  	_ =	shalt  }
0x85: {  	_ =	shalt  }
0x86: {  	_ =	shalt  }
0x87: {  	_ =	shalt  }
.Lfunc_end0:
.L_simem_size_0:
called_computation.1_lowered:
.L_overlay_start_0:
0x88: {  	s2 =	sld [smem:$0x3FD9]  }
0x89: {  	s3 =	sld [smem:$0x3FFE];
	_ =	sdelay $0x1  }
0x8a: {  	s1 =	srdreg.scid  }
0x8b: {  	s0 =	sand.u32 $0x1, s1  }
0x8c: {  	s17 =	sshll.u32 s0, $0xA;
	s2 =	sadd.s32 s3, s2  }
0x8d: {  	s2 =	sadd.s32 s2, s17  }
0x8e: {  	[smem:$0x3FC1] =	sst s2  }
0x8f: {  	_ = 	snop  }
0x90: {  	s2 =	sld [smem:$0x3FD0];
	(tm) =	ssettm $0x1  }
0x91: {  	s18 =	sld [smem:$0x3FFB];
	_ =	sdelay $0x3  }
0x92: {  	_ =	strace s18  }
0x93: {  	s3 =	sld [smem:$0x3FFC];
	_ =	sdelay $0x3  }
0x94: {  	_ =	strace s3  }
0x95: {  	s3 =	sld [smem:$0x3FFD];
	_ =	sdelay $0x3  }
0x96: {  	_ =	strace s3  }
0x97: {  	_ =	strace $0x8FFFFFFF  }
0x98: {  	s19 =	sld [smem:$0x3FDB];
	_ =	sdelay $0x1  }
0x99: {  	s4 =	simm.s32 $_scs_section_size  }
0x9a: {  	s5 =	simm.s32 $_size__tile_overlayer_lowered;
	s6 =	simm.s32 $_tile_overlayer_lowered  }
0x9b: {  	s22 =	simm.s32 $0x1BFF;
	s21 =	sshll.u32 s6, $0x1;
	s3 =	sadd.s32 s4, s19  }
0x9c: {  	s7 =	simm.s32 $0x0;
	s20 =	sshll.u32 s5, $0x1;
	s5 =	sadd.s32 s21, s3  }
0x9d: {  	[timem:s7], [sflag:s22] =	dma.local [hbm:s5], s20  }
0x9e: {  	_ =	swait.ge [sflag:s22], s20  }
0x9f: {  	s4 =	ssub.s32 $0x0, s20;
	[sflag:s22] =	ssyncset.done $0x0  }
0xa0: {  	[sflag:s22] =	ssyncadd.s32 s4;
	_ =	sdelay $0x1  }
0xa1: {  	s23 =	simm.s32 $0x1B8B  }
0xa2: {  	_ =	swait.ge [sflag:s23], $0x1  }
0xa3: {  	[sflag:s23] =	ssyncset.done $0x0  }
0xa4: {  	s25 =	simm.s32 $0x1B8E;
	s24 =	sld [smem:$0x3FFE];
	[sflag:s23] =	ssyncadd.s32 $0xFFFFFFFF  }
0xa5: {  	s26 =	simm.s32 $execute0_lowered;
	[smem:$0x3FD2] =	sst s25  }
0xa6: {  	s5 =	sshll.u32 s26, $0x1;
	_ =	strace $0x8000004D;
	[dreg:$0x1] =	wrdreg $0xFFFFFFFF  }
0xa7: {  	s28 =	simm.s32 $_size_execute0_lowered;
	s3 =	sadd.s32 s3, s5;
	[dreg:$0x0] =	wrdreg $0x0  }
0xa8: {  	s5 =	sshll.u32 s28, $0x1;
	[dreg:$0x2] =	wrdreg s3  }
0xa9: {  	[dreg:$0x3] =	wrdreg s5  }
0xaa: {  	[dreg:$0x4] =	wrdreg $0xC0  }
0xab: {  	_ =	task [dreg:s7], $0x5FFFF  }
0xac: {  	[dreg:$0x1] =	wrdreg $0xFFFFFFFF  }
0xad: {  	[dreg:$0x0] =	wrdreg $0x60  }
0xae: {  	[dreg:$0x2] =	wrdreg s24  }
0xaf: {  	[dreg:$0x3] =	wrdreg s2  }
0xb0: {  	[dreg:$0x4] =	wrdreg $0xA8000  }
0xb1: {  	[dreg:$0x5] =	wrdreg $0x9  }
0xb2: {  	_ =	task.clear_ibuf [dreg:s7], $0x6FFFF;
	_ =	strace $0x9000004D  }
0xb3: {  	s29 =	simm.s32 $0x9;
	_ =	strace $0x80000053  }
0xb4: {  	_ =	swait.ge [sflag:s29], $0x1  }
0xb5: {  	[sflag:s29] =	ssyncadd.s32 $0xFFFFFFFF  }
0xb6: {  	_ =	strace $0x90000053  }
0xb7: {  	_ =	sfence  }
0xb8: {  	s30 =	sld [smem:$0x0];
	_ =	sdelay $0x2  }
0xb9: {  	s31 =	sshll.u32 s1, $0xD;
	s1 =	sshrl.u32 s1, $0x2  }
0xba: {  	s3 =	sand.u32 $0x4000, s31;
	s1 =	sadd.s32 s1, s30  }
0xbb: {  	s0 =	sor.u32 s3, s0;
	s1 =	sshll.u32 s1, $0x11  }
0xbc: {  	s0 =	sor.u32 s1, s0  }
0xbd: {  	s0 =	sadd.s32 $0x8F2B, s0  }
0xbe: {  	[sflag:s0] =	ssyncadd.remote.s32 $0x1  }
0xbf: {  	_ =	sfence.sel $0xFFFF  }
0xc0: {  	[dreg:$0x0] =	wrdreg $0xFFFFFFFF;
	(pc) =	sbr.abs _section_cstart, $3  }
0xc1: {  	[dreg:$0x1] =	wrdreg $0xFFFFFFFF  }
0xc2: {  	_ =	task.clear_ibuf [dreg:s7], $0x2FFFF;
	_ =	strace $0x9FFFFFFF  }
0xc3: {  	(tm) =	ssettm $0x7FFFFFFF  }
tec
execute0_lowered:
.L_overlay_start_1:
0x0: {  	(tag) =	ssettag $0x1  }
0x1: {  	s0 =	rddreg [dreg:$0x0]  }
0x2: {  	s3 =	rddreg [dreg:$0x1]  }
0x3: {  	s1 =	rddreg [dreg:$0x2];
	s2 =	simm.s32 $0x0  }
0x4: {  	s6 =	srdreg.scid;
	s24 =	stileid.u32;
	s28 =	simm.s32 $0x2  }
0x5: {  	s29 =	simm.s32 $0x2700;
	s30 =	simm.s32 $0x2780;
	s31 =	simm.s32 $0x0  }
0x6: {  	[smem:$0x7FF] =	sst s2;
	s4 =	sadd.s32 $0x1600, s0;
	s5 =	sadd.s32 $0x28800, s0  }
0x7: {  	s23 =	sadd.s32 $0x28E00, s0;
	s11 =	sand.u32 $0x1, s6;
	s7 =	smul.u32 $0x4F000, s24  }
0x8: {  	s19 =	sadd.s32 $0x29400, s0;
	s15 =	smul.u32 $0x13C00, s24;
	s22 =	sadd.s32 $0x28A80, s0  }
0x9: {  	s0 =	sadd.s32 $0x29080, s0;
	_ =	strace $0x8000004E;
	[dreg:$0x4] =	wrdreg s5  }
0xa: {  	s6 =	ssub.s32 $0x2, s11;
	s9 =	sshll.u32 s11, $0x4;
	s26 =	smul.u32 $0x13C000, s11  }
0xb: {  	s8 =	sshrl.u32 s6, $0x1;
	s12 =	sor.u32 s24, s9;
	s25 =	sshrl.u32 s7, $0x2  }
0xc: {  	s16 =	sadd.s32 $0x4000, s15;
	s17 =	sadd.s32 $0x8000, s15;
	s18 =	sadd.s32 $0xC000, s15  }
0xd: {  	s21 =	sadd.s32 $0x10000, s15;
	s24 =	simm.s32 $0x80;
	s20 =	ssub.s32 s6, s8  }
0xe: {  	s6 =	sadd.s32 s25, s1;
	s10 =	smul.u32 $0x2800, s12;
	s7 =	sadd.s32 s16, s1  }
0xf: {  	s8 =	sadd.s32 s17, s1;
	s9 =	sadd.s32 s18, s1;
	s11 =	sadd.s32 s21, s1  }
0x10: {  	p0 =	seq.s32 s12, $0x1F;
	s15 =	sadd.s32 s15, s26;
	s16 =	sadd.s32 s26, s16  }
0x11: {  	s17 =	sadd.s32 s26, s17;
	s18 =	sadd.s32 s26, s18;
	s25 =	simm.s32 $0x6800  }
0x12: {  	s15 =	sshrl.u32 s15, $0x3;
	s16 =	sshrl.u32 s16, $0x3;
	s17 =	sshrl.u32 s17, $0x3  }
0x13: {  	s18 =	sshrl.u32 s18, $0x3;
	s20 =	smax.u32 s20, $0x1;
	s10 =	sshrl.u32 s10, $0x3  }
0x14: {  	s15 =	sadd.s32 s19, s15;
	s16 =	sadd.s32 s19, s16;
	s17 =	sadd.s32 s19, s17  }
0x15: {  	s18 =	sadd.s32 s19, s18;
	s10 =	sadd.s32 s3, s10;
	s3 =	sadd.s32 s26, s21  }
0x16: {  	s21 =	simm.s32 $0x2800;
	s26 =	simm.s32 $0x1;
	s12 =	sadd.s32 $0x9C80, s10  }
0x17: {  	s13 =	sadd.s32 $0x280, s10;
	s14 =	sadd.s32 $0x9F00, s10;
	s3 =	sshrl.u32 s3, $0x3  }
0x18: {  	s19 =	sadd.s32 s19, s3;
	s13 =	smov.u32 @p0 s22;
	s14 =	smov.u32 @p0 s0  }
0x19: {  	v0 =	vimm.f32 $0.0e+00;
	s22 =	simm.s32 $0x3;
	s12 =	smov.u32 @p0 s23;
	s23 =	simm.s32 $0x1400  }
.LBB2_1:
0x1a: {  	_ =	strace $0x8000004F;
	s0 =	simm.s32 $0x0;
	s3 =	simm.s32 $0x200  }
.LBB2_2:
0x1b: {  	p1 =	sne.s32 s3, $0xFE00;
	[tilespmem:s0+$0x2870] =	vst v0  }
0x1c: {  	[tilespmem:s0+$0x2800] =	vst v0  }
0x1d: {  	[tilespmem:s0+$0x2810] =	vst v0  }
.Ltmp0:
0x1e: {  	[tilespmem:s0+$0x2820] =	vst v0;
	(pc) =	sbr.rel @p1 .LBB2_2-.Ltmp0, $4  }
0x1f: {  	[tilespmem:s0+$0x2830] =	vst v0  }
0x20: {  	[tilespmem:s0+$0x2840] =	vst v0  }
0x21: {  	[tilespmem:s0+$0x2850] =	vst v0  }
0x22: {  	[tilespmem:s0+$0x2860] =	vst v0;
	s0 =	sshra.s32 s3, $0x2;
	s3 =	sadd.s32 $0x200, s3  }
0x23: {  	[tilespmem:s0+$0x2870] =	vst v0  }
0x24: {  	[tilespmem:s0+$0x2800] =	vst v0  }
0x25: {  	[tilespmem:s0+$0x2810] =	vst v0  }
0x26: {  	[tilespmem:s0+$0x2820] =	vst v0  }
0x27: {  	[tilespmem:s0+$0x2830] =	vst v0  }
0x28: {  	[tilespmem:s0+$0x2840] =	vst v0  }
0x29: {  	[tilespmem:s0+$0x2850] =	vst v0  }
0x2a: {  	[tilespmem:s0+$0x2860] =	vst v0  }
0x2b: {  	[spmem:s6] =	stream.linear.scatter [tilespmem:s21], [sflag:$0x3], $0x4000, $0x200038;
	[tilespmem:$0x1E400] =	vst v63  }
0x2c: {  	_ =	swait.ge [sflag:s22], $0x4000  }
0x2d: {  	[sflag:s22] =	ssyncset.done $0x0  }
0x2e: {  	[sflag:s22] =	ssyncadd.s32 $0xFFFFC000  }
0x2f: {  	[spmem:s7] =	stream.linear.scatter [tilespmem:s21], [sflag:$0x3], $0x4000, $0x200038;
	[tilespmem:$0x1E400] =	vst v63  }
0x30: {  	_ =	swait.ge [sflag:s22], $0x4000  }
0x31: {  	[sflag:s22] =	ssyncset.done $0x0  }
0x32: {  	[sflag:s22] =	ssyncadd.s32 $0xFFFFC000  }
0x33: {  	[spmem:s8] =	stream.linear.scatter [tilespmem:s21], [sflag:$0x3], $0x4000, $0x200038;
	[tilespmem:$0x1E400] =	vst v63  }
0x34: {  	_ =	swait.ge [sflag:s22], $0x4000  }
0x35: {  	[sflag:s22] =	ssyncset.done $0x0  }
0x36: {  	[sflag:s22] =	ssyncadd.s32 $0xFFFFC000  }
0x37: {  	[spmem:s9] =	stream.linear.scatter [tilespmem:s21], [sflag:$0x3], $0x4000, $0x200038;
	[tilespmem:$0x1E400] =	vst v63  }
0x38: {  	_ =	swait.ge [sflag:s22], $0x4000  }
0x39: {  	[sflag:s22] =	ssyncset.done $0x0  }
0x3a: {  	[sflag:s22] =	ssyncadd.s32 $0xFFFFC000  }
0x3b: {  	[spmem:s11] =	stream.linear.scatter [tilespmem:s21], [sflag:$0x3], $0x3C00, $0x200038;
	[tilespmem:$0x1E400] =	vst v63  }
0x3c: {  	_ =	swait.ge [sflag:s22], $0x3C00  }
0x3d: {  	[sflag:s22] =	ssyncset.done $0x0  }
0x3e: {  	[sflag:s22] =	ssyncadd.s32 $0xFFFFC400  }
0x3f: {  	[bflag:$0x0] =	sbarrier.arrive $0xFFFF  }
0x40: {  	_ =	strace $0x9000004F  }
0x41: {  	_ =	strace $0x80000050  }
0x42: {  	s0 =	simm.s32 @p0 $0x0;
	s3 =	rddreg [dreg:$0x4]  }
0x43: {  	[tilespmem:s0], [sflag:$0x3] =	stream.linear.gather @p0 [hbm4b:s3+s0], $0x1400, $0x200038;
	[tilespmem:$0x1E400] =	vst v63  }
0x44: {  	s0 =	simm.s32 @p0 $0x3  }
0x45: {  	_ =	swait.ge @p0 [sflag:s0], $0x1400  }
0x46: {  	[sflag:s0] =	ssyncset.done @p0 $0x0  }
0x47: {  	[sflag:s0] =	ssyncadd.s32 @p0 $0xFFFFEC00;
	s0 =	simm.s32 @!p0 $0x0  }
0x48: {  	[tilespmem:s0], [sflag:$0x3] =	stream.linear.gather @!p0 [hbm4b:s10+s0], $0x1400, $0x200038;
	[tilespmem:$0x1E400] =	vst v63  }
0x49: {  	s0 =	simm.s32 @!p0 $0x3  }
0x4a: {  	_ =	swait.ge @!p0 [sflag:s0], $0x1400  }
0x4b: {  	[sflag:s0] =	ssyncset.done @!p0 $0x0  }
0x4c: {  	s3 =	simm.s32 $0x0;
	[sflag:s0] =	ssyncadd.s32 @!p0 $0xFFFFEC00  }
0x4d: {  	[tilespmem:s23], [sflag:$0x3] =	stream.linear.gather [hbm4b:s12+s3], $0x1400, $0x200038;
	[tilespmem:$0x1E400] =	vst v63  }
0x4e: {  	_ =	swait.ge [sflag:s22], $0x1400  }
0x4f: {  	[sflag:s22] =	ssyncset.done $0x0  }
0x50: {  	[sflag:s22] =	ssyncadd.s32 $0xFFFFEC00  }
0x51: {  	[tilespmem:s21], [sflag:$0x1] =	stream.indirect.gather [hbm4b:s4+s24], $0x80, s3, s24, $0x2000b8;
	[tilespmem:$0x1E400] =	vst v63  }
0x52: {  	_ = 	snop  }
0x53: {  	[tilespmem:s25], [sflag:$0x2] =	stream.indirect.gather [hbm4b:s4+s24], $0x80, s24, s24, $0x2000b8;
	[tilespmem:$0x1E400] =	vst v63  }
0x54: {  	_ =	swait.ge [sflag:s26], $0x4000  }
0x55: {  	[sflag:s26] =	ssyncset.done $0x0  }
0x56: {  	s5 =	simm.s32 $0x1400;
	[sflag:s26] =	ssyncadd.s32 $0xFFFFC000  }
0x57: {  	[spmem:s1] =	stream.indirect.scatter.add.f32 [tilespmem:s21], [sflag:$0x3], $0x80, s5, s24, $0x2000b8;
	[tilespmem:$0x1E400] =	vst v63  }
0x58: {  	_ =	swait.ge [sflag:s22], $0x4000  }
0x59: {  	[sflag:s22] =	ssyncset.done $0x0  }
0x5a: {  	s3 =	simm.s32 $0x100;
	[sflag:s22] =	ssyncadd.s32 $0xFFFFC000  }
0x5b: {  	[tilespmem:s21], [sflag:$0x1] =	stream.indirect.gather [hbm4b:s4+s24], $0x80, s3, s24, $0x2000b8;
	[tilespmem:$0x1E400] =	vst v63  }
0x5c: {  	_ =	swait.ge [sflag:s28], $0x4000  }
0x5d: {  	[sflag:s28] =	ssyncset.done $0x0  }
0x5e: {  	s5 =	simm.s32 $0x1480;
	[sflag:s28] =	ssyncadd.s32 $0xFFFFC000  }
0x5f: {  	[spmem:s1] =	stream.indirect.scatter.add.f32 [tilespmem:s25], [sflag:$0x3], $0x80, s5, s24, $0x2000b8;
	[tilespmem:$0x1E400] =	vst v63  }
0x60: {  	_ =	swait.ge [sflag:s22], $0x4000  }
0x61: {  	[sflag:s22] =	ssyncset.done $0x0  }
0x62: {  	s0 =	simm.s32 $0x400;
	s3 =	simm.s32 $0x180;
	[sflag:s22] =	ssyncadd.s32 $0xFFFFC000  }
.LBB2_4:
0x63: {  	[tilespmem:s25], [sflag:$0x2] =	stream.indirect.gather [hbm4b:s4+s24], $0x80, s3, s24, $0x2000b8;
	[tilespmem:$0x1E400] =	vst v63  }
0x64: {  	s3 =	smov.u32 s0  }
0x65: {  	p1 =	sne.s32 s0, $0x4800;
	s0 =	sadd.s32 $0x400, s0;
	_ =	swait.ge [sflag:s26], $0x4000  }
0x66: {  	s3 =	sshra.s32 s3, $0x2;
	[sflag:s26] =	ssyncset.done $0x0  }
0x67: {  	s5 =	sadd.s32 $0x1400, s3;
	[sflag:s26] =	ssyncadd.s32 $0xFFFFC000  }
0x68: {  	[spmem:s1] =	stream.indirect.scatter.add.f32 [tilespmem:s21], [sflag:$0x3], $0x80, s5, s24, $0x2000b8;
	[tilespmem:$0x1E400] =	vst v63  }
0x69: {  	_ =	swait.ge [sflag:s22], $0x4000  }
0x6a: {  	[sflag:s22] =	ssyncset.done $0x0  }
0x6b: {  	s5 =	sadd.s32 $0x100, s3;
	[sflag:s22] =	ssyncadd.s32 $0xFFFFC000  }
0x6c: {  	[tilespmem:s21], [sflag:$0x1] =	stream.indirect.gather [hbm4b:s4+s24], $0x80, s5, s24, $0x2000b8;
	[tilespmem:$0x1E400] =	vst v63  }
0x6d: {  	_ =	swait.ge [sflag:s28], $0x4000  }
0x6e: {  	[sflag:s28] =	ssyncset.done $0x0  }
.Ltmp1:
0x6f: {  	s5 =	sadd.s32 $0x1480, s3;
	[sflag:s28] =	ssyncadd.s32 $0xFFFFC000;
	(pc) =	sbr.rel @p1 .LBB2_4-.Ltmp1, $4  }
0x70: {  	[spmem:s1] =	stream.indirect.scatter.add.f32 [tilespmem:s25], [sflag:$0x3], $0x80, s5, s24, $0x2000b8;
	[tilespmem:$0x1E400] =	vst v63  }
0x71: {  	_ =	swait.ge [sflag:s22], $0x4000  }
0x72: {  	[sflag:s22] =	ssyncset.done $0x0  }
0x73: {  	s3 =	sadd.s32 $0x180, s3;
	[sflag:s22] =	ssyncadd.s32 $0xFFFFC000  }
0x74: {  	[tilespmem:s25], [sflag:$0x2] =	stream.indirect.gather [hbm4b:s4+s24], $0x80, s3, s24, $0x2000b8;
	[tilespmem:$0x1E400] =	vst v63  }
0x75: {  	_ =	swait.ge [sflag:s26], $0x4000  }
0x76: {  	[sflag:s26] =	ssyncset.done $0x0  }
0x77: {  	[sflag:s26] =	ssyncadd.s32 $0xFFFFC000  }
0x78: {  	[spmem:s1] =	stream.indirect.scatter.add.f32 [tilespmem:s21], [sflag:$0x3], $0x80, s29, s24, $0x2000b8;
	[tilespmem:$0x1E400] =	vst v63  }
0x79: {  	_ =	swait.ge [sflag:s22], $0x4000  }
0x7a: {  	[sflag:s22] =	ssyncset.done $0x0  }
0x7b: {  	[sflag:s22] =	ssyncadd.s32 $0xFFFFC000  }
0x7c: {  	_ =	swait.ge [sflag:s28], $0x4000  }
0x7d: {  	[sflag:s28] =	ssyncset.done $0x0  }
0x7e: {  	[sflag:s28] =	ssyncadd.s32 $0xFFFFC000  }
0x7f: {  	[spmem:s1] =	stream.indirect.scatter.add.f32 [tilespmem:s25], [sflag:$0x3], $0x80, s30, s24, $0x2000b8;
	[tilespmem:$0x1E400] =	vst v63  }
0x80: {  	_ =	swait.ge [sflag:s22], $0x4000  }
0x81: {  	[sflag:s22] =	ssyncset.done $0x0  }
0x82: {  	[sflag:s22] =	ssyncadd.s32 $0xFFFFC000  }
0x83: {  	_ =	strace $0x90000050  }
0x84: {  	s0 =	simm.s32 $0x0;
	_ =	strace $0x80000051  }
0x85: {  	[tilespmem:s0], [sflag:$0x3] =	stream.linear.gather [hbm4b:s13+s0], $0x1400, $0x200038;
	[tilespmem:$0x1E400] =	vst v63  }
0x86: {  	_ =	swait.ge [sflag:s22], $0x1400  }
0x87: {  	[sflag:s22] =	ssyncset.done $0x0  }
0x88: {  	[sflag:s22] =	ssyncadd.s32 $0xFFFFEC00  }
0x89: {  	[tilespmem:s23], [sflag:$0x3] =	stream.linear.gather [hbm4b:s14+s0], $0x1400, $0x200038;
	[tilespmem:$0x1E400] =	vst v63  }
0x8a: {  	_ =	swait.ge [sflag:s22], $0x1400  }
0x8b: {  	[sflag:s22] =	ssyncset.done $0x0  }
0x8c: {  	[sflag:s22] =	ssyncadd.s32 $0xFFFFEC00  }
0x8d: {  	[tilespmem:s21], [sflag:$0x1] =	stream.indirect.gather [hbm4b:s4+s24], $0x80, s0, s24, $0x2000b8;
	[tilespmem:$0x1E400] =	vst v63  }
0x8e: {  	_ = 	snop  }
0x8f: {  	[tilespmem:s25], [sflag:$0x2] =	stream.indirect.gather [hbm4b:s4+s24], $0x80, s24, s24, $0x2000b8;
	[tilespmem:$0x1E400] =	vst v63  }
0x90: {  	_ =	swait.ge [sflag:s26], $0x4000  }
0x91: {  	[sflag:s26] =	ssyncset.done $0x0  }
0x92: {  	s5 =	simm.s32 $0x1400;
	[sflag:s26] =	ssyncadd.s32 $0xFFFFC000  }
0x93: {  	[spmem:s1] =	stream.indirect.scatter.add.f32 [tilespmem:s21], [sflag:$0x3], $0x80, s5, s24, $0x2000b8;
	[tilespmem:$0x1E400] =	vst v63  }
0x94: {  	_ =	swait.ge [sflag:s22], $0x4000  }
0x95: {  	[sflag:s22] =	ssyncset.done $0x0  }
0x96: {  	s3 =	simm.s32 $0x100;
	[sflag:s22] =	ssyncadd.s32 $0xFFFFC000  }
0x97: {  	[tilespmem:s21], [sflag:$0x1] =	stream.indirect.gather [hbm4b:s4+s24], $0x80, s3, s24, $0x2000b8;
	[tilespmem:$0x1E400] =	vst v63  }
0x98: {  	_ =	swait.ge [sflag:s28], $0x4000  }
0x99: {  	[sflag:s28] =	ssyncset.done $0x0  }
0x9a: {  	s5 =	simm.s32 $0x1480;
	[sflag:s28] =	ssyncadd.s32 $0xFFFFC000  }
0x9b: {  	[spmem:s1] =	stream.indirect.scatter.add.f32 [tilespmem:s25], [sflag:$0x3], $0x80, s5, s24, $0x2000b8;
	[tilespmem:$0x1E400] =	vst v63  }
0x9c: {  	_ =	swait.ge [sflag:s22], $0x4000  }
0x9d: {  	[sflag:s22] =	ssyncset.done $0x0  }
0x9e: {  	s0 =	simm.s32 $0x400;
	s3 =	simm.s32 $0x180;
	[sflag:s22] =	ssyncadd.s32 $0xFFFFC000  }
.LBB2_6:
0x9f: {  	[tilespmem:s25], [sflag:$0x2] =	stream.indirect.gather [hbm4b:s4+s24], $0x80, s3, s24, $0x2000b8;
	[tilespmem:$0x1E400] =	vst v63  }
0xa0: {  	s3 =	smov.u32 s0  }
0xa1: {  	p1 =	sne.s32 s0, $0x4800;
	s0 =	sadd.s32 $0x400, s0;
	_ =	swait.ge [sflag:s26], $0x4000  }
0xa2: {  	s3 =	sshra.s32 s3, $0x2;
	[sflag:s26] =	ssyncset.done $0x0  }
0xa3: {  	s5 =	sadd.s32 $0x1400, s3;
	[sflag:s26] =	ssyncadd.s32 $0xFFFFC000  }
0xa4: {  	[spmem:s1] =	stream.indirect.scatter.add.f32 [tilespmem:s21], [sflag:$0x3], $0x80, s5, s24, $0x2000b8;
	[tilespmem:$0x1E400] =	vst v63  }
0xa5: {  	_ =	swait.ge [sflag:s22], $0x4000  }
0xa6: {  	[sflag:s22] =	ssyncset.done $0x0  }
0xa7: {  	s5 =	sadd.s32 $0x100, s3;
	[sflag:s22] =	ssyncadd.s32 $0xFFFFC000  }
0xa8: {  	[tilespmem:s21], [sflag:$0x1] =	stream.indirect.gather [hbm4b:s4+s24], $0x80, s5, s24, $0x2000b8;
	[tilespmem:$0x1E400] =	vst v63  }
0xa9: {  	_ =	swait.ge [sflag:s28], $0x4000  }
0xaa: {  	[sflag:s28] =	ssyncset.done $0x0  }
.Ltmp2:
0xab: {  	s5 =	sadd.s32 $0x1480, s3;
	[sflag:s28] =	ssyncadd.s32 $0xFFFFC000;
	(pc) =	sbr.rel @p1 .LBB2_6-.Ltmp2, $4  }
0xac: {  	[spmem:s1] =	stream.indirect.scatter.add.f32 [tilespmem:s25], [sflag:$0x3], $0x80, s5, s24, $0x2000b8;
	[tilespmem:$0x1E400] =	vst v63  }
0xad: {  	_ =	swait.ge [sflag:s22], $0x4000  }
0xae: {  	[sflag:s22] =	ssyncset.done $0x0  }
0xaf: {  	s3 =	sadd.s32 $0x180, s3;
	[sflag:s22] =	ssyncadd.s32 $0xFFFFC000  }
0xb0: {  	[tilespmem:s25], [sflag:$0x2] =	stream.indirect.gather [hbm4b:s4+s24], $0x80, s3, s24, $0x2000b8;
	[tilespmem:$0x1E400] =	vst v63  }
0xb1: {  	_ =	swait.ge [sflag:s26], $0x4000  }
0xb2: {  	[sflag:s26] =	ssyncset.done $0x0  }
0xb3: {  	[sflag:s26] =	ssyncadd.s32 $0xFFFFC000  }
0xb4: {  	[spmem:s1] =	stream.indirect.scatter.add.f32 [tilespmem:s21], [sflag:$0x3], $0x80, s29, s24, $0x2000b8;
	[tilespmem:$0x1E400] =	vst v63  }
0xb5: {  	_ =	swait.ge [sflag:s22], $0x4000  }
0xb6: {  	[sflag:s22] =	ssyncset.done $0x0  }
0xb7: {  	[sflag:s22] =	ssyncadd.s32 $0xFFFFC000  }
0xb8: {  	_ =	swait.ge [sflag:s28], $0x4000  }
0xb9: {  	[sflag:s28] =	ssyncset.done $0x0  }
0xba: {  	[sflag:s28] =	ssyncadd.s32 $0xFFFFC000  }
0xbb: {  	[spmem:s1] =	stream.indirect.scatter.add.f32 [tilespmem:s25], [sflag:$0x3], $0x80, s30, s24, $0x2000b8;
	[tilespmem:$0x1E400] =	vst v63  }
0xbc: {  	_ =	swait.ge [sflag:s22], $0x4000  }
0xbd: {  	[sflag:s22] =	ssyncset.done $0x0  }
0xbe: {  	[sflag:s22] =	ssyncadd.s32 $0xFFFFC000  }
0xbf: {  	_ =	strace $0x90000051  }
0xc0: {  	_ =	strace $0x80000052  }
0xc1: {  	[bflag:$0x0] =	sbarrier.arrive $0xFFFF  }
0xc2: {  	[tilespmem:s21], [sflag:$0x3] =	stream.linear.gather [spmem:s6], $0x4000, $0x200038;
	[tilespmem:$0x1E400] =	vst v63  }
0xc3: {  	_ =	swait.ge [sflag:s22], $0x4000  }
0xc4: {  	[sflag:s22] =	ssyncset.done $0x0  }
0xc5: {  	[sflag:s22] =	ssyncadd.s32 $0xFFFFC000  }
0xc6: {  	[hbm4b:s15+s2] =	stream.linear.scatter [tilespmem:s21], [sflag:$0x1], $0x4000, $0x200038;
	[tilespmem:$0x1E400] =	vst v63  }
0xc7: {  	_ = 	snop  }
0xc8: {  	[tilespmem:s25], [sflag:$0x3] =	stream.linear.gather [spmem:s7], $0x4000, $0x200038;
	[tilespmem:$0x1E400] =	vst v63  }
0xc9: {  	_ =	swait.ge [sflag:s22], $0x4000  }
0xca: {  	[sflag:s22] =	ssyncset.done $0x0  }
0xcb: {  	[sflag:s22] =	ssyncadd.s32 $0xFFFFC000  }
0xcc: {  	[hbm4b:s16+s2] =	stream.linear.scatter [tilespmem:s25], [sflag:$0x2], $0x4000, $0x200038;
	[tilespmem:$0x1E400] =	vst v63  }
0xcd: {  	_ =	swait.ge [sflag:s26], $0x4000  }
0xce: {  	[sflag:s26] =	ssyncset.done $0x0  }
0xcf: {  	[sflag:s26] =	ssyncadd.s32 $0xFFFFC000  }
0xd0: {  	[tilespmem:s21], [sflag:$0x3] =	stream.linear.gather [spmem:s8], $0x4000, $0x200038;
	[tilespmem:$0x1E400] =	vst v63  }
0xd1: {  	_ =	swait.ge [sflag:s22], $0x4000  }
0xd2: {  	[sflag:s22] =	ssyncset.done $0x0  }
0xd3: {  	[sflag:s22] =	ssyncadd.s32 $0xFFFFC000  }
0xd4: {  	[hbm4b:s17+s2] =	stream.linear.scatter [tilespmem:s21], [sflag:$0x1], $0x4000, $0x200038;
	[tilespmem:$0x1E400] =	vst v63  }
0xd5: {  	_ =	swait.ge [sflag:s28], $0x4000  }
0xd6: {  	[sflag:s28] =	ssyncset.done $0x0  }
0xd7: {  	[sflag:s28] =	ssyncadd.s32 $0xFFFFC000  }
0xd8: {  	[tilespmem:s25], [sflag:$0x3] =	stream.linear.gather [spmem:s9], $0x4000, $0x200038;
	[tilespmem:$0x1E400] =	vst v63  }
0xd9: {  	_ =	swait.ge [sflag:s22], $0x4000  }
0xda: {  	[sflag:s22] =	ssyncset.done $0x0  }
0xdb: {  	[sflag:s22] =	ssyncadd.s32 $0xFFFFC000  }
0xdc: {  	[hbm4b:s18+s2] =	stream.linear.scatter [tilespmem:s25], [sflag:$0x2], $0x4000, $0x200038;
	[tilespmem:$0x1E400] =	vst v63  }
0xdd: {  	_ =	swait.ge [sflag:s26], $0x4000  }
0xde: {  	[sflag:s26] =	ssyncset.done $0x0  }
0xdf: {  	[sflag:s26] =	ssyncadd.s32 $0xFFFFC000  }
0xe0: {  	[tilespmem:s21], [sflag:$0x3] =	stream.linear.gather [spmem:s11], $0x3C00, $0x200038;
	[tilespmem:$0x1E400] =	vst v63  }
0xe1: {  	_ =	swait.ge [sflag:s22], $0x3C00  }
0xe2: {  	[sflag:s22] =	ssyncset.done $0x0  }
0xe3: {  	[sflag:s22] =	ssyncadd.s32 $0xFFFFC400  }
0xe4: {  	[hbm4b:s19+s2] =	stream.linear.scatter [tilespmem:s21], [sflag:$0x1], $0x3C00, $0x200038;
	[tilespmem:$0x1E400] =	vst v63  }
0xe5: {  	s31 =	sadd.s32 $0x1, s31;
	_ =	swait.ge [sflag:s26], $0x3C00  }
0xe6: {  	p1 =	sne.s32 s31, s20;
	[sflag:s26] =	ssyncset.done $0x0  }
.Ltmp3:
0xe7: {  	[sflag:s26] =	ssyncadd.s32 $0xFFFFC400;
	(pc) =	sbr.rel @p1 .LBB2_1-.Ltmp3, $4  }
0xe8: {  	_ =	swait.ge [sflag:s28], $0x4000  }
0xe9: {  	[sflag:s28] =	ssyncset.done $0x0  }
0xea: {  	[sflag:s28] =	ssyncadd.s32 $0xFFFFC000  }
0xeb: {  	_ =	strace $0x90000052  }
0xec: {  	_ =	sfence.sel $0x180000  }
0xed: {  	[bflag:$0x0] =	sbarrier.arrive $0xFFFF  }
0xee: {  	_ =	strace $0x9000004E  }
0xef: {  	s0 =	stileid.u32;
	[bflag:$0x2] =	sbarrier.arrive $0xFFFF  }
0xf0: {  	p0 =	sne.s32 s0, $0x0;
	s0 =	rddreg [dreg:$0x3]  }
0xf1: {  	s0 =	sadd.s32 @!p0 $0x100000, s0  }
0xf2: {  	[sflag:s0] =	ssyncadd.tile.s32 @!p0 $0x1;
	_ =	shalt  }
.Lfunc_end2:
_tile_overlayer_lowered:
.L_overlay_start_2:
0xf3: {  	(tag) =	ssettag $0x2  }
0xf4: {  	s0 =	rddreg [dreg:$0x0];
	s2 =	stileid.u32  }
0xf5: {  	s1 =	rddreg [dreg:$0x1];
	p0 =	sne.s32 s2, $0x0  }
0xf6: {  	s3 =	rddreg [dreg:$0x2];
	[bflag:$0x3] =	sbarrier.arrive $0xFFFF;
	s2 =	simm.s32 @!p0 $0x1C03  }
0xf7: {  	[timem:s3], [sflag:s2] =	dma.local @!p0 [hbm:s0], s1  }
0xf8: {  	s0 =	simm.s32 @!p0 $0x3  }
0xf9: {  	_ =	swait.ge @!p0 [sflag:s0], s1  }
0xfa: {  	s1 =	ssub.s32 @!p0 $0x0, s1;
	[sflag:s0] =	ssyncset.done @!p0 $0x0  }
0xfb: {  	[sflag:s0] =	ssyncadd.s32 @!p0 s1  }
0xfc: {  	[bflag:$0x3] =	sbarrier.arrive $0xFFFF  }
0xfd: {  	_ =	shalt  }

// kernel: kernel.7.cloned.1.call-start
scs
__scs_entry_jumppad:
0x0: {  	(pc) =	sbr.rel $0x88, $3  }
0x1: {  	(tag) =	ssettag $0x0;
	lr =	simm.s32 $0x1  }
0x2: {  	[smem:$0x3F9A] =	sst lr;
	_ =	strace $0xD0000000  }
0x3: {  	_ = 	snop  }
0x4: {  	_ = 	snop  }
0x5: {  	_ = 	snop  }
0x6: {  	_ = 	snop  }
0x7: {  	_ = 	snop  }
__scs_overlays_trampoline_lowered:
0x8: {  	[smem:$0x3FA9] =	sst s0  }
0x9: {  	[smem:$0x3FAA] =	sst s1  }
0xa: {  	[smem:$0x3FAB] =	sst s2  }
0xb: {  	[smem:$0x3FAC] =	sst s3  }
0xc: {  	[smem:$0x3FAD] =	sst s4  }
0xd: {  	[smem:$0x3FAE] =	sst s5  }
0xe: {  	[smem:$0x3FAF] =	sst s6  }
0xf: {  	[smem:$0x3FB0] =	sst s7  }
0x10: {  	[smem:$0x3FB1] =	sst s8  }
0x11: {  	[smem:$0x3FB2] =	sst s9;
	s0 =	simm.s32 @!p0 $0x0  }
0x12: {  	s1 =	sld [smem:$0x3F98];
	s0 =	simm.s32 @p0 $0x1  }
0x13: {  	[smem:$0x3FB3] =	sst s0;
	s0 =	simm.s32 @!p1 $0x0  }
0x14: {  	s2 =	sld [smem:$0x3F97];
	s0 =	simm.s32 @p1 $0x1  }
0x15: {  	[smem:$0x3FB4] =	sst s0;
	s0 =	simm.s32 @!p2 $0x0  }
0x16: {  	s3 =	sld [smem:$0x3FDB];
	s0 =	simm.s32 @p2 $0x1  }
0x17: {  	s4 =	simm.s32 $0x1BF5;
	[smem:$0x3FB6] =	sst s0  }
0x18: {  	s0 =	sld [smem:$0x3F99];
	_ =	swait.ge [sflag:s4], $0x0  }
0x19: {  	s7 =	sld [smem:$0x3F9A]  }
0x1a: {  	s8 =	sadd.s32 $0xFFFFE003, lr  }
0x1b: {  	s9 =	sadd.s32 $0xFFFFFEF7, lr;
	s5 =	simm.s32 $0xFFFFFFFF;
	p2 =	slt.u32 s8, $0xFFFFF086  }
0x1c: {  	p1 =	slt.u32 s9, $0xF7A;
	s5 =	simm.s32 @!p2 $0x0  }
0x1d: {  	s5 =	simm.s32 @p1 $0x1;
	p0 =	seq.s32 s7, s2  }
0x1e: {  	s7 =	smul.u32 @!p0 $0xF7A, s2;
	p2 =	seq.s32 @!p0 s5, $0x0  }
0x1f: {  	s9 =	smul.u32 $0xF7A, s1;
	s8 =	simm.s32 @!p0 $0x1BF5;
	p2 =	por !p2, p0  }
0x20: {  	[sflag:s8] =	ssyncset.s32 @!p0 $0xFFFFF086;
	s6 =	sadd.s32 @!p0 s3, s7;
	s7 =	simm.s32 @!p0 $0x108  }
0x21: {  	s3 =	sadd.s32 s3, s9;
	s6 =	sadd.s32 @!p0 $0x88, s6;
	s7 =	simm.s32 @p2 $0x1082  }
0x22: {  	[simem:s7], [sflag:s8] =	dma.local @!p0 [hbm:s6], $0xF7A  }
0x23: {  	s9 =	sor.u32 $0xD0000000, s2;
	s6 =	simm.s32 $0x108;
	_ =	swait.ge @!p0 [sflag:s8], $0x0  }
0x24: {  	s3 =	sadd.s32 $0x88, s3;
	s6 =	simm.s32 @!p1 $0x1082;
	[sflag:s4] =	ssyncset.s32 $0xFFFFF086  }
0x25: {  	[simem:s6], [sflag:s4] =	dma.local [hbm:s3], $0xF7A  }
0x26: {  	[smem:$0x3F9A] =	sst s1;
	(tag) =	ssettag s2;
	_ =	strace s9  }
0x27: {  	s1 =	sld [smem:$0x3FAA]  }
0x28: {  	s2 =	sld [smem:$0x3FAB]  }
0x29: {  	s4 =	sld [smem:$0x3FAD]  }
0x2a: {  	p0 =	seq.s32 s5, $0x0;
	s5 =	sld [smem:$0x3FAE]  }
0x2b: {  	s6 =	sld [smem:$0x3FAF]  }
0x2c: {  	s7 =	sld [smem:$0x3FB0]  }
0x2d: {  	s3 =	simm.s32 $0x108;
	s8 =	sld [smem:$0x3FB1]  }
0x2e: {  	s3 =	simm.s32 @!p0 $0x1082;
	s9 =	sld [smem:$0x3FB2]  }
0x2f: {  	lr =	sadd.s32 s0, s3;
	s0 =	sld [smem:$0x3FA9]  }
0x30: {  	s3 =	sld [smem:$0x3FAC]  }
0x31: {  	[smem:$0x3FB5] =	sst s10  }
0x32: {  	s10 =	sld [smem:$0x3FB3];
	_ =	sdelay $0x3  }
0x33: {  	p0 =	seq.s32 s10, $0x1;
	s10 =	sld [smem:$0x3FB5];
	_ =	sdelay $0x3  }
0x34: {  	[smem:$0x3FB5] =	sst s10  }
0x35: {  	s10 =	sld [smem:$0x3FB4];
	_ =	sdelay $0x3  }
0x36: {  	p1 =	seq.s32 s10, $0x1;
	s10 =	sld [smem:$0x3FB5];
	_ =	sdelay $0x3  }
0x37: {  	[smem:$0x3FB5] =	sst s10  }
0x38: {  	s10 =	sld [smem:$0x3FB6]  }
0x39: {  	_ = 	snop;
	(pc) =	sbr.ind lr, $3  }
0x3a: {  	_ = 	snop  }
0x3b: {  	_ = 	snop  }
0x3c: {  	p2 =	seq.s32 s10, $0x1;
	s10 =	sld [smem:$0x3FB5]  }
0x3d: {  	_ =	shalt  }
0x3e: {  	_ =	shalt  }
0x3f: {  	_ =	shalt  }
0x40: {  	_ =	shalt  }
0x41: {  	_ =	shalt  }
0x42: {  	_ =	shalt  }
0x43: {  	_ =	shalt  }
0x44: {  	_ =	shalt  }
0x45: {  	_ =	shalt  }
0x46: {  	_ =	shalt  }
0x47: {  	_ =	shalt  }
0x48: {  	_ =	shalt  }
0x49: {  	_ =	shalt  }
0x4a: {  	_ =	shalt  }
0x4b: {  	_ =	shalt  }
0x4c: {  	_ =	shalt  }
0x4d: {  	_ =	shalt  }
0x4e: {  	_ =	shalt  }
0x4f: {  	_ =	shalt  }
0x50: {  	_ =	shalt  }
0x51: {  	_ =	shalt  }
0x52: {  	_ =	shalt  }
0x53: {  	_ =	shalt  }
0x54: {  	_ =	shalt  }
0x55: {  	_ =	shalt  }
0x56: {  	_ =	shalt  }
0x57: {  	_ =	shalt  }
0x58: {  	_ =	shalt  }
0x59: {  	_ =	shalt  }
0x5a: {  	_ =	shalt  }
0x5b: {  	_ =	shalt  }
0x5c: {  	_ =	shalt  }
0x5d: {  	_ =	shalt  }
0x5e: {  	_ =	shalt  }
0x5f: {  	_ =	shalt  }
0x60: {  	_ =	shalt  }
0x61: {  	_ =	shalt  }
0x62: {  	_ =	shalt  }
0x63: {  	_ =	shalt  }
0x64: {  	_ =	shalt  }
0x65: {  	_ =	shalt  }
0x66: {  	_ =	shalt  }
0x67: {  	_ =	shalt  }
0x68: {  	_ =	shalt  }
0x69: {  	_ =	shalt  }
0x6a: {  	_ =	shalt  }
0x6b: {  	_ =	shalt  }
0x6c: {  	_ =	shalt  }
0x6d: {  	_ =	shalt  }
0x6e: {  	_ =	shalt  }
0x6f: {  	_ =	shalt  }
0x70: {  	_ =	shalt  }
0x71: {  	_ =	shalt  }
0x72: {  	_ =	shalt  }
0x73: {  	_ =	shalt  }
0x74: {  	_ =	shalt  }
0x75: {  	_ =	shalt  }
0x76: {  	_ =	shalt  }
0x77: {  	_ =	shalt  }
0x78: {  	_ =	shalt  }
0x79: {  	_ =	shalt  }
0x7a: {  	_ =	shalt  }
0x7b: {  	_ =	shalt  }
0x7c: {  	_ =	shalt  }
0x7d: {  	_ =	shalt  }
0x7e: {  	_ =	shalt  }
0x7f: {  	_ =	shalt  }
0x80: {  	_ =	shalt  }
0x81: {  	_ =	shalt  }
0x82: {  	_ =	shalt  }
0x83: {  	_ =	shalt  }
0x84: {  	_ =	shalt  }
0x85: {  	_ =	shalt  }
0x86: {  	_ =	shalt  }
0x87: {  	_ =	shalt  }
.Lfunc_end0:
.L_simem_size_0:
called_computation_lowered:
.L_overlay_start_0:
0x88: {  	s2 =	sld [smem:$0x3FD9]  }
0x89: {  	s3 =	sld [smem:$0x3FFE];
	_ =	sdelay $0x1  }
0x8a: {  	s1 =	srdreg.scid  }
0x8b: {  	s0 =	sand.u32 $0x1, s1  }
0x8c: {  	s17 =	sshll.u32 s0, $0xA;
	s2 =	sadd.s32 s3, s2  }
0x8d: {  	s2 =	sadd.s32 s2, s17  }
0x8e: {  	[smem:$0x3FC1] =	sst s2  }
0x8f: {  	_ = 	snop  }
0x90: {  	s2 =	sld [smem:$0x3FD0];
	(tm) =	ssettm $0x1  }
0x91: {  	s18 =	sld [smem:$0x3FFB];
	_ =	sdelay $0x3  }
0x92: {  	_ =	strace s18  }
0x93: {  	s3 =	sld [smem:$0x3FFC];
	_ =	sdelay $0x3  }
0x94: {  	_ =	strace s3  }
0x95: {  	s3 =	sld [smem:$0x3FFD];
	_ =	sdelay $0x3  }
0x96: {  	_ =	strace s3  }
0x97: {  	_ =	strace $0x8FFFFFFF  }
0x98: {  	s19 =	sld [smem:$0x3FDB];
	_ =	sdelay $0x1  }
0x99: {  	s4 =	simm.s32 $_scs_section_size  }
0x9a: {  	s5 =	simm.s32 $_size__tile_overlayer_lowered;
	s6 =	simm.s32 $_tile_overlayer_lowered  }
0x9b: {  	s22 =	simm.s32 $0x1BFF;
	s21 =	sshll.u32 s6, $0x1;
	s3 =	sadd.s32 s4, s19  }
0x9c: {  	s7 =	simm.s32 $0x0;
	s20 =	sshll.u32 s5, $0x1;
	s5 =	sadd.s32 s21, s3  }
0x9d: {  	[timem:s7], [sflag:s22] =	dma.local [hbm:s5], s20  }
0x9e: {  	_ =	swait.ge [sflag:s22], s20  }
0x9f: {  	s4 =	ssub.s32 $0x0, s20;
	[sflag:s22] =	ssyncset.done $0x0  }
0xa0: {  	[sflag:s22] =	ssyncadd.s32 s4;
	_ =	sdelay $0x1  }
0xa1: {  	s23 =	simm.s32 $0x1B8B  }
0xa2: {  	_ =	swait.ge [sflag:s23], $0x1  }
0xa3: {  	[sflag:s23] =	ssyncset.done $0x0  }
0xa4: {  	s25 =	simm.s32 $0x1B8E;
	s24 =	sld [smem:$0x3FFE];
	[sflag:s23] =	ssyncadd.s32 $0xFFFFFFFF  }
0xa5: {  	s26 =	simm.s32 $execute0_lowered;
	[smem:$0x3FD2] =	sst s25  }
0xa6: {  	s5 =	sshll.u32 s26, $0x1;
	_ =	strace $0x80000046;
	[dreg:$0x1] =	wrdreg $0xFFFFFFFF  }
0xa7: {  	s28 =	simm.s32 $_size_execute0_lowered;
	s3 =	sadd.s32 s3, s5;
	[dreg:$0x0] =	wrdreg $0x0  }
0xa8: {  	s5 =	sshll.u32 s28, $0x1;
	[dreg:$0x2] =	wrdreg s3  }
0xa9: {  	[dreg:$0x3] =	wrdreg s5  }
0xaa: {  	[dreg:$0x4] =	wrdreg $0xC0  }
0xab: {  	_ =	task [dreg:s7], $0x5FFFF  }
0xac: {  	[dreg:$0x1] =	wrdreg $0xFFFFFFFF  }
0xad: {  	[dreg:$0x0] =	wrdreg $0x60  }
0xae: {  	[dreg:$0x2] =	wrdreg s24  }
0xaf: {  	[dreg:$0x3] =	wrdreg s2  }
0xb0: {  	[dreg:$0x4] =	wrdreg $0xA8000  }
0xb1: {  	[dreg:$0x5] =	wrdreg $0x9  }
0xb2: {  	_ =	task.clear_ibuf [dreg:s7], $0x6FFFF;
	_ =	strace $0x90000046  }
0xb3: {  	s29 =	simm.s32 $0x9;
	_ =	strace $0x8000004C  }
0xb4: {  	_ =	swait.ge [sflag:s29], $0x1  }
0xb5: {  	[sflag:s29] =	ssyncadd.s32 $0xFFFFFFFF  }
0xb6: {  	_ =	strace $0x9000004C  }
0xb7: {  	_ =	sfence  }
0xb8: {  	s30 =	sld [smem:$0x0];
	_ =	sdelay $0x2  }
0xb9: {  	s31 =	sshll.u32 s1, $0xD;
	s1 =	sshrl.u32 s1, $0x2  }
0xba: {  	s3 =	sand.u32 $0x4000, s31;
	s1 =	sadd.s32 s1, s30  }
0xbb: {  	s0 =	sor.u32 s3, s0;
	s1 =	sshll.u32 s1, $0x11  }
0xbc: {  	s0 =	sor.u32 s1, s0  }
0xbd: {  	s0 =	sadd.s32 $0x8F2B, s0  }
0xbe: {  	[sflag:s0] =	ssyncadd.remote.s32 $0x1  }
0xbf: {  	_ =	sfence.sel $0xFFFF  }
0xc0: {  	[dreg:$0x0] =	wrdreg $0xFFFFFFFF;
	(pc) =	sbr.abs _section_cstart, $3  }
0xc1: {  	[dreg:$0x1] =	wrdreg $0xFFFFFFFF  }
0xc2: {  	_ =	task.clear_ibuf [dreg:s7], $0x2FFFF;
	_ =	strace $0x9FFFFFFF  }
0xc3: {  	(tm) =	ssettm $0x7FFFFFFF  }
tec
execute0_lowered:
.L_overlay_start_1:
0x0: {  	(tag) =	ssettag $0x1  }
0x1: {  	s0 =	rddreg [dreg:$0x0]  }
0x2: {  	s3 =	rddreg [dreg:$0x1]  }
0x3: {  	s1 =	rddreg [dreg:$0x2];
	s2 =	simm.s32 $0x0  }
0x4: {  	s6 =	srdreg.scid;
	s24 =	stileid.u32;
	s28 =	simm.s32 $0x2  }
0x5: {  	s29 =	simm.s32 $0x2700;
	s30 =	simm.s32 $0x2780;
	s31 =	simm.s32 $0x0  }
0x6: {  	[smem:$0x7FF] =	sst s2;
	s4 =	sadd.s32 $0x1600, s0;
	s5 =	sadd.s32 $0x28800, s0  }
0x7: {  	s23 =	sadd.s32 $0x28E00, s0;
	s11 =	sand.u32 $0x1, s6;
	s7 =	smul.u32 $0x4F000, s24  }
0x8: {  	s19 =	sadd.s32 $0x29400, s0;
	s15 =	smul.u32 $0x13C00, s24;
	s22 =	sadd.s32 $0x28A80, s0  }
0x9: {  	s0 =	sadd.s32 $0x29080, s0;
	_ =	strace $0x80000047;
	[dreg:$0x4] =	wrdreg s5  }
0xa: {  	s6 =	ssub.s32 $0x2, s11;
	s9 =	sshll.u32 s11, $0x4;
	s26 =	smul.u32 $0x13C000, s11  }
0xb: {  	s8 =	sshrl.u32 s6, $0x1;
	s12 =	sor.u32 s24, s9;
	s25 =	sshrl.u32 s7, $0x2  }
0xc: {  	s16 =	sadd.s32 $0x4000, s15;
	s17 =	sadd.s32 $0x8000, s15;
	s18 =	sadd.s32 $0xC000, s15  }
0xd: {  	s21 =	sadd.s32 $0x10000, s15;
	s24 =	simm.s32 $0x80;
	s20 =	ssub.s32 s6, s8  }
0xe: {  	s6 =	sadd.s32 s25, s1;
	s10 =	smul.u32 $0x2800, s12;
	s7 =	sadd.s32 s16, s1  }
0xf: {  	s8 =	sadd.s32 s17, s1;
	s9 =	sadd.s32 s18, s1;
	s11 =	sadd.s32 s21, s1  }
0x10: {  	p0 =	seq.s32 s12, $0x1F;
	s15 =	sadd.s32 s15, s26;
	s16 =	sadd.s32 s26, s16  }
0x11: {  	s17 =	sadd.s32 s26, s17;
	s18 =	sadd.s32 s26, s18;
	s25 =	simm.s32 $0x6800  }
0x12: {  	s15 =	sshrl.u32 s15, $0x3;
	s16 =	sshrl.u32 s16, $0x3;
	s17 =	sshrl.u32 s17, $0x3  }
0x13: {  	s18 =	sshrl.u32 s18, $0x3;
	s20 =	smax.u32 s20, $0x1;
	s10 =	sshrl.u32 s10, $0x3  }
0x14: {  	s15 =	sadd.s32 s19, s15;
	s16 =	sadd.s32 s19, s16;
	s17 =	sadd.s32 s19, s17  }
0x15: {  	s18 =	sadd.s32 s19, s18;
	s10 =	sadd.s32 s3, s10;
	s3 =	sadd.s32 s26, s21  }
0x16: {  	s21 =	simm.s32 $0x2800;
	s26 =	simm.s32 $0x1;
	s12 =	sadd.s32 $0x9C80, s10  }
0x17: {  	s13 =	sadd.s32 $0x280, s10;
	s14 =	sadd.s32 $0x9F00, s10;
	s3 =	sshrl.u32 s3, $0x3  }
0x18: {  	s19 =	sadd.s32 s19, s3;
	s13 =	smov.u32 @p0 s22;
	s14 =	smov.u32 @p0 s0  }
0x19: {  	v0 =	vimm.f32 $0.0e+00;
	s22 =	simm.s32 $0x3;
	s12 =	smov.u32 @p0 s23;
	s23 =	simm.s32 $0x1400  }
.LBB2_1:
0x1a: {  	_ =	strace $0x80000048;
	s0 =	simm.s32 $0x0;
	s3 =	simm.s32 $0x200  }
.LBB2_2:
0x1b: {  	p1 =	sne.s32 s3, $0xFE00;
	[tilespmem:s0+$0x2870] =	vst v0  }
0x1c: {  	[tilespmem:s0+$0x2800] =	vst v0  }
0x1d: {  	[tilespmem:s0+$0x2810] =	vst v0  }
.Ltmp0:
0x1e: {  	[tilespmem:s0+$0x2820] =	vst v0;
	(pc) =	sbr.rel @p1 .LBB2_2-.Ltmp0, $4  }
0x1f: {  	[tilespmem:s0+$0x2830] =	vst v0  }
0x20: {  	[tilespmem:s0+$0x2840] =	vst v0  }
0x21: {  	[tilespmem:s0+$0x2850] =	vst v0  }
0x22: {  	[tilespmem:s0+$0x2860] =	vst v0;
	s0 =	sshra.s32 s3, $0x2;
	s3 =	sadd.s32 $0x200, s3  }
0x23: {  	[tilespmem:s0+$0x2870] =	vst v0  }
0x24: {  	[tilespmem:s0+$0x2800] =	vst v0  }
0x25: {  	[tilespmem:s0+$0x2810] =	vst v0  }
0x26: {  	[tilespmem:s0+$0x2820] =	vst v0  }
0x27: {  	[tilespmem:s0+$0x2830] =	vst v0  }
0x28: {  	[tilespmem:s0+$0x2840] =	vst v0  }
0x29: {  	[tilespmem:s0+$0x2850] =	vst v0  }
0x2a: {  	[tilespmem:s0+$0x2860] =	vst v0  }
0x2b: {  	[spmem:s6] =	stream.linear.scatter [tilespmem:s21], [sflag:$0x3], $0x4000, $0x200038;
	[tilespmem:$0x1E400] =	vst v63  }
0x2c: {  	_ =	swait.ge [sflag:s22], $0x4000  }
0x2d: {  	[sflag:s22] =	ssyncset.done $0x0  }
0x2e: {  	[sflag:s22] =	ssyncadd.s32 $0xFFFFC000  }
0x2f: {  	[spmem:s7] =	stream.linear.scatter [tilespmem:s21], [sflag:$0x3], $0x4000, $0x200038;
	[tilespmem:$0x1E400] =	vst v63  }
0x30: {  	_ =	swait.ge [sflag:s22], $0x4000  }
0x31: {  	[sflag:s22] =	ssyncset.done $0x0  }
0x32: {  	[sflag:s22] =	ssyncadd.s32 $0xFFFFC000  }
0x33: {  	[spmem:s8] =	stream.linear.scatter [tilespmem:s21], [sflag:$0x3], $0x4000, $0x200038;
	[tilespmem:$0x1E400] =	vst v63  }
0x34: {  	_ =	swait.ge [sflag:s22], $0x4000  }
0x35: {  	[sflag:s22] =	ssyncset.done $0x0  }
0x36: {  	[sflag:s22] =	ssyncadd.s32 $0xFFFFC000  }
0x37: {  	[spmem:s9] =	stream.linear.scatter [tilespmem:s21], [sflag:$0x3], $0x4000, $0x200038;
	[tilespmem:$0x1E400] =	vst v63  }
0x38: {  	_ =	swait.ge [sflag:s22], $0x4000  }
0x39: {  	[sflag:s22] =	ssyncset.done $0x0  }
0x3a: {  	[sflag:s22] =	ssyncadd.s32 $0xFFFFC000  }
0x3b: {  	[spmem:s11] =	stream.linear.scatter [tilespmem:s21], [sflag:$0x3], $0x3C00, $0x200038;
	[tilespmem:$0x1E400] =	vst v63  }
0x3c: {  	_ =	swait.ge [sflag:s22], $0x3C00  }
0x3d: {  	[sflag:s22] =	ssyncset.done $0x0  }
0x3e: {  	[sflag:s22] =	ssyncadd.s32 $0xFFFFC400  }
0x3f: {  	[bflag:$0x0] =	sbarrier.arrive $0xFFFF  }
0x40: {  	_ =	strace $0x90000048  }
0x41: {  	_ =	strace $0x80000049  }
0x42: {  	s0 =	simm.s32 @p0 $0x0;
	s3 =	rddreg [dreg:$0x4]  }
0x43: {  	[tilespmem:s0], [sflag:$0x3] =	stream.linear.gather @p0 [hbm4b:s3+s0], $0x1400, $0x200038;
	[tilespmem:$0x1E400] =	vst v63  }
0x44: {  	s0 =	simm.s32 @p0 $0x3  }
0x45: {  	_ =	swait.ge @p0 [sflag:s0], $0x1400  }
0x46: {  	[sflag:s0] =	ssyncset.done @p0 $0x0  }
0x47: {  	[sflag:s0] =	ssyncadd.s32 @p0 $0xFFFFEC00;
	s0 =	simm.s32 @!p0 $0x0  }
0x48: {  	[tilespmem:s0], [sflag:$0x3] =	stream.linear.gather @!p0 [hbm4b:s10+s0], $0x1400, $0x200038;
	[tilespmem:$0x1E400] =	vst v63  }
0x49: {  	s0 =	simm.s32 @!p0 $0x3  }
0x4a: {  	_ =	swait.ge @!p0 [sflag:s0], $0x1400  }
0x4b: {  	[sflag:s0] =	ssyncset.done @!p0 $0x0  }
0x4c: {  	s3 =	simm.s32 $0x0;
	[sflag:s0] =	ssyncadd.s32 @!p0 $0xFFFFEC00  }
0x4d: {  	[tilespmem:s23], [sflag:$0x3] =	stream.linear.gather [hbm4b:s12+s3], $0x1400, $0x200038;
	[tilespmem:$0x1E400] =	vst v63  }
0x4e: {  	_ =	swait.ge [sflag:s22], $0x1400  }
0x4f: {  	[sflag:s22] =	ssyncset.done $0x0  }
0x50: {  	[sflag:s22] =	ssyncadd.s32 $0xFFFFEC00  }
0x51: {  	[tilespmem:s21], [sflag:$0x1] =	stream.indirect.gather [hbm4b:s4+s24], $0x80, s3, s24, $0x2000b8;
	[tilespmem:$0x1E400] =	vst v63  }
0x52: {  	_ = 	snop  }
0x53: {  	[tilespmem:s25], [sflag:$0x2] =	stream.indirect.gather [hbm4b:s4+s24], $0x80, s24, s24, $0x2000b8;
	[tilespmem:$0x1E400] =	vst v63  }
0x54: {  	_ =	swait.ge [sflag:s26], $0x4000  }
0x55: {  	[sflag:s26] =	ssyncset.done $0x0  }
0x56: {  	s5 =	simm.s32 $0x1400;
	[sflag:s26] =	ssyncadd.s32 $0xFFFFC000  }
0x57: {  	[spmem:s1] =	stream.indirect.scatter.add.f32 [tilespmem:s21], [sflag:$0x3], $0x80, s5, s24, $0x2000b8;
	[tilespmem:$0x1E400] =	vst v63  }
0x58: {  	_ =	swait.ge [sflag:s22], $0x4000  }
0x59: {  	[sflag:s22] =	ssyncset.done $0x0  }
0x5a: {  	s3 =	simm.s32 $0x100;
	[sflag:s22] =	ssyncadd.s32 $0xFFFFC000  }
0x5b: {  	[tilespmem:s21], [sflag:$0x1] =	stream.indirect.gather [hbm4b:s4+s24], $0x80, s3, s24, $0x2000b8;
	[tilespmem:$0x1E400] =	vst v63  }
0x5c: {  	_ =	swait.ge [sflag:s28], $0x4000  }
0x5d: {  	[sflag:s28] =	ssyncset.done $0x0  }
0x5e: {  	s5 =	simm.s32 $0x1480;
	[sflag:s28] =	ssyncadd.s32 $0xFFFFC000  }
0x5f: {  	[spmem:s1] =	stream.indirect.scatter.add.f32 [tilespmem:s25], [sflag:$0x3], $0x80, s5, s24, $0x2000b8;
	[tilespmem:$0x1E400] =	vst v63  }
0x60: {  	_ =	swait.ge [sflag:s22], $0x4000  }
0x61: {  	[sflag:s22] =	ssyncset.done $0x0  }
0x62: {  	s0 =	simm.s32 $0x400;
	s3 =	simm.s32 $0x180;
	[sflag:s22] =	ssyncadd.s32 $0xFFFFC000  }
.LBB2_4:
0x63: {  	[tilespmem:s25], [sflag:$0x2] =	stream.indirect.gather [hbm4b:s4+s24], $0x80, s3, s24, $0x2000b8;
	[tilespmem:$0x1E400] =	vst v63  }
0x64: {  	s3 =	smov.u32 s0  }
0x65: {  	p1 =	sne.s32 s0, $0x4800;
	s0 =	sadd.s32 $0x400, s0;
	_ =	swait.ge [sflag:s26], $0x4000  }
0x66: {  	s3 =	sshra.s32 s3, $0x2;
	[sflag:s26] =	ssyncset.done $0x0  }
0x67: {  	s5 =	sadd.s32 $0x1400, s3;
	[sflag:s26] =	ssyncadd.s32 $0xFFFFC000  }
0x68: {  	[spmem:s1] =	stream.indirect.scatter.add.f32 [tilespmem:s21], [sflag:$0x3], $0x80, s5, s24, $0x2000b8;
	[tilespmem:$0x1E400] =	vst v63  }
0x69: {  	_ =	swait.ge [sflag:s22], $0x4000  }
0x6a: {  	[sflag:s22] =	ssyncset.done $0x0  }
0x6b: {  	s5 =	sadd.s32 $0x100, s3;
	[sflag:s22] =	ssyncadd.s32 $0xFFFFC000  }
0x6c: {  	[tilespmem:s21], [sflag:$0x1] =	stream.indirect.gather [hbm4b:s4+s24], $0x80, s5, s24, $0x2000b8;
	[tilespmem:$0x1E400] =	vst v63  }
0x6d: {  	_ =	swait.ge [sflag:s28], $0x4000  }
0x6e: {  	[sflag:s28] =	ssyncset.done $0x0  }
.Ltmp1:
0x6f: {  	s5 =	sadd.s32 $0x1480, s3;
	[sflag:s28] =	ssyncadd.s32 $0xFFFFC000;
	(pc) =	sbr.rel @p1 .LBB2_4-.Ltmp1, $4  }
0x70: {  	[spmem:s1] =	stream.indirect.scatter.add.f32 [tilespmem:s25], [sflag:$0x3], $0x80, s5, s24, $0x2000b8;
	[tilespmem:$0x1E400] =	vst v63  }
0x71: {  	_ =	swait.ge [sflag:s22], $0x4000  }
0x72: {  	[sflag:s22] =	ssyncset.done $0x0  }
0x73: {  	s3 =	sadd.s32 $0x180, s3;
	[sflag:s22] =	ssyncadd.s32 $0xFFFFC000  }
0x74: {  	[tilespmem:s25], [sflag:$0x2] =	stream.indirect.gather [hbm4b:s4+s24], $0x80, s3, s24, $0x2000b8;
	[tilespmem:$0x1E400] =	vst v63  }
0x75: {  	_ =	swait.ge [sflag:s26], $0x4000  }
0x76: {  	[sflag:s26] =	ssyncset.done $0x0  }
0x77: {  	[sflag:s26] =	ssyncadd.s32 $0xFFFFC000  }
0x78: {  	[spmem:s1] =	stream.indirect.scatter.add.f32 [tilespmem:s21], [sflag:$0x3], $0x80, s29, s24, $0x2000b8;
	[tilespmem:$0x1E400] =	vst v63  }
0x79: {  	_ =	swait.ge [sflag:s22], $0x4000  }
0x7a: {  	[sflag:s22] =	ssyncset.done $0x0  }
0x7b: {  	[sflag:s22] =	ssyncadd.s32 $0xFFFFC000  }
0x7c: {  	_ =	swait.ge [sflag:s28], $0x4000  }
0x7d: {  	[sflag:s28] =	ssyncset.done $0x0  }
0x7e: {  	[sflag:s28] =	ssyncadd.s32 $0xFFFFC000  }
0x7f: {  	[spmem:s1] =	stream.indirect.scatter.add.f32 [tilespmem:s25], [sflag:$0x3], $0x80, s30, s24, $0x2000b8;
	[tilespmem:$0x1E400] =	vst v63  }
0x80: {  	_ =	swait.ge [sflag:s22], $0x4000  }
0x81: {  	[sflag:s22] =	ssyncset.done $0x0  }
0x82: {  	[sflag:s22] =	ssyncadd.s32 $0xFFFFC000  }
0x83: {  	_ =	strace $0x90000049  }
0x84: {  	s0 =	simm.s32 $0x0;
	_ =	strace $0x8000004A  }
0x85: {  	[tilespmem:s0], [sflag:$0x3] =	stream.linear.gather [hbm4b:s13+s0], $0x1400, $0x200038;
	[tilespmem:$0x1E400] =	vst v63  }
0x86: {  	_ =	swait.ge [sflag:s22], $0x1400  }
0x87: {  	[sflag:s22] =	ssyncset.done $0x0  }
0x88: {  	[sflag:s22] =	ssyncadd.s32 $0xFFFFEC00  }
0x89: {  	[tilespmem:s23], [sflag:$0x3] =	stream.linear.gather [hbm4b:s14+s0], $0x1400, $0x200038;
	[tilespmem:$0x1E400] =	vst v63  }
0x8a: {  	_ =	swait.ge [sflag:s22], $0x1400  }
0x8b: {  	[sflag:s22] =	ssyncset.done $0x0  }
0x8c: {  	[sflag:s22] =	ssyncadd.s32 $0xFFFFEC00  }
0x8d: {  	[tilespmem:s21], [sflag:$0x1] =	stream.indirect.gather [hbm4b:s4+s24], $0x80, s0, s24, $0x2000b8;
	[tilespmem:$0x1E400] =	vst v63  }
0x8e: {  	_ = 	snop  }
0x8f: {  	[tilespmem:s25], [sflag:$0x2] =	stream.indirect.gather [hbm4b:s4+s24], $0x80, s24, s24, $0x2000b8;
	[tilespmem:$0x1E400] =	vst v63  }
0x90: {  	_ =	swait.ge [sflag:s26], $0x4000  }
0x91: {  	[sflag:s26] =	ssyncset.done $0x0  }
0x92: {  	s5 =	simm.s32 $0x1400;
	[sflag:s26] =	ssyncadd.s32 $0xFFFFC000  }
0x93: {  	[spmem:s1] =	stream.indirect.scatter.add.f32 [tilespmem:s21], [sflag:$0x3], $0x80, s5, s24, $0x2000b8;
	[tilespmem:$0x1E400] =	vst v63  }
0x94: {  	_ =	swait.ge [sflag:s22], $0x4000  }
0x95: {  	[sflag:s22] =	ssyncset.done $0x0  }
0x96: {  	s3 =	simm.s32 $0x100;
	[sflag:s22] =	ssyncadd.s32 $0xFFFFC000  }
0x97: {  	[tilespmem:s21], [sflag:$0x1] =	stream.indirect.gather [hbm4b:s4+s24], $0x80, s3, s24, $0x2000b8;
	[tilespmem:$0x1E400] =	vst v63  }
0x98: {  	_ =	swait.ge [sflag:s28], $0x4000  }
0x99: {  	[sflag:s28] =	ssyncset.done $0x0  }
0x9a: {  	s5 =	simm.s32 $0x1480;
	[sflag:s28] =	ssyncadd.s32 $0xFFFFC000  }
0x9b: {  	[spmem:s1] =	stream.indirect.scatter.add.f32 [tilespmem:s25], [sflag:$0x3], $0x80, s5, s24, $0x2000b8;
	[tilespmem:$0x1E400] =	vst v63  }
0x9c: {  	_ =	swait.ge [sflag:s22], $0x4000  }
0x9d: {  	[sflag:s22] =	ssyncset.done $0x0  }
0x9e: {  	s0 =	simm.s32 $0x400;
	s3 =	simm.s32 $0x180;
	[sflag:s22] =	ssyncadd.s32 $0xFFFFC000  }
.LBB2_6:
0x9f: {  	[tilespmem:s25], [sflag:$0x2] =	stream.indirect.gather [hbm4b:s4+s24], $0x80, s3, s24, $0x2000b8;
	[tilespmem:$0x1E400] =	vst v63  }
0xa0: {  	s3 =	smov.u32 s0  }
0xa1: {  	p1 =	sne.s32 s0, $0x4800;
	s0 =	sadd.s32 $0x400, s0;
	_ =	swait.ge [sflag:s26], $0x4000  }
0xa2: {  	s3 =	sshra.s32 s3, $0x2;
	[sflag:s26] =	ssyncset.done $0x0  }
0xa3: {  	s5 =	sadd.s32 $0x1400, s3;
	[sflag:s26] =	ssyncadd.s32 $0xFFFFC000  }
0xa4: {  	[spmem:s1] =	stream.indirect.scatter.add.f32 [tilespmem:s21], [sflag:$0x3], $0x80, s5, s24, $0x2000b8;
	[tilespmem:$0x1E400] =	vst v63  }
0xa5: {  	_ =	swait.ge [sflag:s22], $0x4000  }
0xa6: {  	[sflag:s22] =	ssyncset.done $0x0  }
0xa7: {  	s5 =	sadd.s32 $0x100, s3;
	[sflag:s22] =	ssyncadd.s32 $0xFFFFC000  }
0xa8: {  	[tilespmem:s21], [sflag:$0x1] =	stream.indirect.gather [hbm4b:s4+s24], $0x80, s5, s24, $0x2000b8;
	[tilespmem:$0x1E400] =	vst v63  }
0xa9: {  	_ =	swait.ge [sflag:s28], $0x4000  }
0xaa: {  	[sflag:s28] =	ssyncset.done $0x0  }
.Ltmp2:
0xab: {  	s5 =	sadd.s32 $0x1480, s3;
	[sflag:s28] =	ssyncadd.s32 $0xFFFFC000;
	(pc) =	sbr.rel @p1 .LBB2_6-.Ltmp2, $4  }
0xac: {  	[spmem:s1] =	stream.indirect.scatter.add.f32 [tilespmem:s25], [sflag:$0x3], $0x80, s5, s24, $0x2000b8;
	[tilespmem:$0x1E400] =	vst v63  }
0xad: {  	_ =	swait.ge [sflag:s22], $0x4000  }
0xae: {  	[sflag:s22] =	ssyncset.done $0x0  }
0xaf: {  	s3 =	sadd.s32 $0x180, s3;
	[sflag:s22] =	ssyncadd.s32 $0xFFFFC000  }
0xb0: {  	[tilespmem:s25], [sflag:$0x2] =	stream.indirect.gather [hbm4b:s4+s24], $0x80, s3, s24, $0x2000b8;
	[tilespmem:$0x1E400] =	vst v63  }
0xb1: {  	_ =	swait.ge [sflag:s26], $0x4000  }
0xb2: {  	[sflag:s26] =	ssyncset.done $0x0  }
0xb3: {  	[sflag:s26] =	ssyncadd.s32 $0xFFFFC000  }
0xb4: {  	[spmem:s1] =	stream.indirect.scatter.add.f32 [tilespmem:s21], [sflag:$0x3], $0x80, s29, s24, $0x2000b8;
	[tilespmem:$0x1E400] =	vst v63  }
0xb5: {  	_ =	swait.ge [sflag:s22], $0x4000  }
0xb6: {  	[sflag:s22] =	ssyncset.done $0x0  }
0xb7: {  	[sflag:s22] =	ssyncadd.s32 $0xFFFFC000  }
0xb8: {  	_ =	swait.ge [sflag:s28], $0x4000  }
0xb9: {  	[sflag:s28] =	ssyncset.done $0x0  }
0xba: {  	[sflag:s28] =	ssyncadd.s32 $0xFFFFC000  }
0xbb: {  	[spmem:s1] =	stream.indirect.scatter.add.f32 [tilespmem:s25], [sflag:$0x3], $0x80, s30, s24, $0x2000b8;
	[tilespmem:$0x1E400] =	vst v63  }
0xbc: {  	_ =	swait.ge [sflag:s22], $0x4000  }
0xbd: {  	[sflag:s22] =	ssyncset.done $0x0  }
0xbe: {  	[sflag:s22] =	ssyncadd.s32 $0xFFFFC000  }
0xbf: {  	_ =	strace $0x9000004A  }
0xc0: {  	_ =	strace $0x8000004B  }
0xc1: {  	[bflag:$0x0] =	sbarrier.arrive $0xFFFF  }
0xc2: {  	[tilespmem:s21], [sflag:$0x3] =	stream.linear.gather [spmem:s6], $0x4000, $0x200038;
	[tilespmem:$0x1E400] =	vst v63  }
0xc3: {  	_ =	swait.ge [sflag:s22], $0x4000  }
0xc4: {  	[sflag:s22] =	ssyncset.done $0x0  }
0xc5: {  	[sflag:s22] =	ssyncadd.s32 $0xFFFFC000  }
0xc6: {  	[hbm4b:s15+s2] =	stream.linear.scatter [tilespmem:s21], [sflag:$0x1], $0x4000, $0x200038;
	[tilespmem:$0x1E400] =	vst v63  }
0xc7: {  	_ = 	snop  }
0xc8: {  	[tilespmem:s25], [sflag:$0x3] =	stream.linear.gather [spmem:s7], $0x4000, $0x200038;
	[tilespmem:$0x1E400] =	vst v63  }
0xc9: {  	_ =	swait.ge [sflag:s22], $0x4000  }
0xca: {  	[sflag:s22] =	ssyncset.done $0x0  }
0xcb: {  	[sflag:s22] =	ssyncadd.s32 $0xFFFFC000  }
0xcc: {  	[hbm4b:s16+s2] =	stream.linear.scatter [tilespmem:s25], [sflag:$0x2], $0x4000, $0x200038;
	[tilespmem:$0x1E400] =	vst v63  }
0xcd: {  	_ =	swait.ge [sflag:s26], $0x4000  }
0xce: {  	[sflag:s26] =	ssyncset.done $0x0  }
0xcf: {  	[sflag:s26] =	ssyncadd.s32 $0xFFFFC000  }
0xd0: {  	[tilespmem:s21], [sflag:$0x3] =	stream.linear.gather [spmem:s8], $0x4000, $0x200038;
	[tilespmem:$0x1E400] =	vst v63  }
0xd1: {  	_ =	swait.ge [sflag:s22], $0x4000  }
0xd2: {  	[sflag:s22] =	ssyncset.done $0x0  }
0xd3: {  	[sflag:s22] =	ssyncadd.s32 $0xFFFFC000  }
0xd4: {  	[hbm4b:s17+s2] =	stream.linear.scatter [tilespmem:s21], [sflag:$0x1], $0x4000, $0x200038;
	[tilespmem:$0x1E400] =	vst v63  }
0xd5: {  	_ =	swait.ge [sflag:s28], $0x4000  }
0xd6: {  	[sflag:s28] =	ssyncset.done $0x0  }
0xd7: {  	[sflag:s28] =	ssyncadd.s32 $0xFFFFC000  }
0xd8: {  	[tilespmem:s25], [sflag:$0x3] =	stream.linear.gather [spmem:s9], $0x4000, $0x200038;
	[tilespmem:$0x1E400] =	vst v63  }
0xd9: {  	_ =	swait.ge [sflag:s22], $0x4000  }
0xda: {  	[sflag:s22] =	ssyncset.done $0x0  }
0xdb: {  	[sflag:s22] =	ssyncadd.s32 $0xFFFFC000  }
0xdc: {  	[hbm4b:s18+s2] =	stream.linear.scatter [tilespmem:s25], [sflag:$0x2], $0x4000, $0x200038;
	[tilespmem:$0x1E400] =	vst v63  }
0xdd: {  	_ =	swait.ge [sflag:s26], $0x4000  }
0xde: {  	[sflag:s26] =	ssyncset.done $0x0  }
0xdf: {  	[sflag:s26] =	ssyncadd.s32 $0xFFFFC000  }
0xe0: {  	[tilespmem:s21], [sflag:$0x3] =	stream.linear.gather [spmem:s11], $0x3C00, $0x200038;
	[tilespmem:$0x1E400] =	vst v63  }
0xe1: {  	_ =	swait.ge [sflag:s22], $0x3C00  }
0xe2: {  	[sflag:s22] =	ssyncset.done $0x0  }
0xe3: {  	[sflag:s22] =	ssyncadd.s32 $0xFFFFC400  }
0xe4: {  	[hbm4b:s19+s2] =	stream.linear.scatter [tilespmem:s21], [sflag:$0x1], $0x3C00, $0x200038;
	[tilespmem:$0x1E400] =	vst v63  }
0xe5: {  	s31 =	sadd.s32 $0x1, s31;
	_ =	swait.ge [sflag:s26], $0x3C00  }
0xe6: {  	p1 =	sne.s32 s31, s20;
	[sflag:s26] =	ssyncset.done $0x0  }
.Ltmp3:
0xe7: {  	[sflag:s26] =	ssyncadd.s32 $0xFFFFC400;
	(pc) =	sbr.rel @p1 .LBB2_1-.Ltmp3, $4  }
0xe8: {  	_ =	swait.ge [sflag:s28], $0x4000  }
0xe9: {  	[sflag:s28] =	ssyncset.done $0x0  }
0xea: {  	[sflag:s28] =	ssyncadd.s32 $0xFFFFC000  }
0xeb: {  	_ =	strace $0x9000004B  }
0xec: {  	_ =	sfence.sel $0x180000  }
0xed: {  	[bflag:$0x0] =	sbarrier.arrive $0xFFFF  }
0xee: {  	_ =	strace $0x90000047  }
0xef: {  	s0 =	stileid.u32;
	[bflag:$0x2] =	sbarrier.arrive $0xFFFF  }
0xf0: {  	p0 =	sne.s32 s0, $0x0;
	s0 =	rddreg [dreg:$0x3]  }
0xf1: {  	s0 =	sadd.s32 @!p0 $0x100000, s0  }
0xf2: {  	[sflag:s0] =	ssyncadd.tile.s32 @!p0 $0x1;
	_ =	shalt  }
.Lfunc_end2:
_tile_overlayer_lowered:
.L_overlay_start_2:
0xf3: {  	(tag) =	ssettag $0x2  }
0xf4: {  	s0 =	rddreg [dreg:$0x0];
	s2 =	stileid.u32  }
0xf5: {  	s1 =	rddreg [dreg:$0x1];
	p0 =	sne.s32 s2, $0x0  }
0xf6: {  	s3 =	rddreg [dreg:$0x2];
	[bflag:$0x3] =	sbarrier.arrive $0xFFFF;
	s2 =	simm.s32 @!p0 $0x1C03  }
0xf7: {  	[timem:s3], [sflag:s2] =	dma.local @!p0 [hbm:s0], s1  }
0xf8: {  	s0 =	simm.s32 @!p0 $0x3  }
0xf9: {  	_ =	swait.ge @!p0 [sflag:s0], s1  }
0xfa: {  	s1 =	ssub.s32 @!p0 $0x0, s1;
	[sflag:s0] =	ssyncset.done @!p0 $0x0  }
0xfb: {  	[sflag:s0] =	ssyncadd.s32 @!p0 s1  }
0xfc: {  	[bflag:$0x3] =	sbarrier.arrive $0xFFFF  }
0xfd: {  	_ =	shalt  }

</sc_bundles>
